<compile_context>
chip_gen: v7x
topology: tpu7x:2x2x1
jax: 0.10.2.dev20260603
libtpu: 0.0.44.dev20260713+nightly
codegen_flags: <defaults>
</compile_context>

<pallas_src>
import functools

import jax
import jax.numpy as jnp
from jax import lax
from jax.experimental import pallas as pl
from jax.experimental.pallas import tpu as pltpu
from jax.experimental.pallas import tpu_sc as plsc

N = 16384
D = 512
K = 8192
NBANK = 1000
NBP = 1024
GAMMA = 0.7
TAU = 0.1
EPS = 1e-8

BM = 256
BK = 256


def _rownorm(x):
    return x / jnp.maximum(
        jnp.sqrt(jnp.sum(x * x, axis=1, keepdims=True)), EPS)



def _sc_info():
    try:
        info = plsc.get_sparse_core_info()
        return info.num_cores, info.num_subcores
    except Exception:
        return 2, 16


def _sc_gather(table, idx, b_chunk):
    v_rows, d_row = table.shape
    (b,) = idx.shape
    nc, ns = _sc_info()
    nw = nc * ns
    b_per_w = b // nw
    assert b % (8 * nw) == 0 and b_per_w % b_chunk == 0
    n_chunks = b_per_w // b_chunk
    mesh = plsc.VectorSubcoreMesh(core_axis_name="c", subcore_axis_name="s",
                                  num_cores=nc, num_subcores=ns)

    @functools.partial(
        pl.kernel, mesh=mesh,
        out_type=jax.ShapeDtypeStruct((b, d_row), jnp.float32),
        scratch_types=[
            pltpu.VMEM((2, b_chunk), jnp.int32),
            pltpu.VMEM((2, b_chunk, d_row), jnp.float32),
            pltpu.SemaphoreType.DMA,
            pltpu.SemaphoreType.DMA,
        ],
    )
    def k(table_hbm, idx_hbm, out_hbm, idx_v, rows_v, sem0, sem1):
        wid = lax.axis_index("s") * nc + lax.axis_index("c")
        base = wid * b_per_w
        sems = (sem0, sem1)
        pltpu.sync_copy(idx_hbm.at[pl.ds(base, b_chunk)], idx_v.at[0])
        cp0 = pltpu.async_copy(table_hbm.at[idx_v.at[0]], rows_v.at[0], sem0)
        copies = [cp0, None]
        for j in range(n_chunks):
            s = j % 2
            nxt = (j + 1) % 2
            if j + 1 < n_chunks:
                pltpu.sync_copy(
                    idx_hbm.at[pl.ds(base + (j + 1) * b_chunk, b_chunk)],
                    idx_v.at[nxt])
                copies[nxt] = pltpu.async_copy(
                    table_hbm.at[idx_v.at[nxt]], rows_v.at[nxt], sems[nxt])
            copies[s].wait()
            pltpu.sync_copy(
                rows_v.at[s],
                out_hbm.at[pl.ds(base + j * b_chunk, b_chunk)])

    return k(table, idx)



def _attn_body(pce_ref, tw_ref, vw_ref, tf_ref, prom_ref, ce_ref,
               out1_ref, out2_ref):
    cen = _rownorm(ce_ref[...])
    pcen = _rownorm(pce_ref[...])
    sem = lax.dot_general(pcen, cen, (((1,), (1,)), ((), ())),
                          preferred_element_type=jnp.float32)
    vwn = _rownorm(vw_ref[...])
    twn = _rownorm(tw_ref[...])
    vis = lax.dot_general(twn, vwn, (((1,), (1,)), ((), ())),
                          preferred_element_type=jnp.float32)
    comb = GAMMA * vis + (1.0 - GAMMA) * sem
    col = lax.broadcasted_iota(jnp.int32, (BM, NBP), 1)
    logits = jnp.where(col < NBANK, comb / TAU, -1e30)
    m = jnp.max(logits, axis=1, keepdims=True)
    p = jnp.exp(logits - m)
    p = p / jnp.sum(p, axis=1, keepdims=True)
    out1_ref[...] = lax.dot_general(p, ce_ref[...], (((1,), (0,)), ((), ())),
                                    preferred_element_type=jnp.float32)
    out2_ref[...] = tf_ref[...] + prom_ref[...]


def _attn_tail(pce, tw, vw_pad, tf, prom, ce_pad):
    return pl.pallas_call(
        _attn_body,
        grid=(N // BM,),
        in_specs=[
            pl.BlockSpec((BM, D), lambda i: (i, 0)),
            pl.BlockSpec((BM, D), lambda i: (i, 0)),
            pl.BlockSpec((NBP, D), lambda i: (0, 0)),
            pl.BlockSpec((BM, D), lambda i: (i, 0)),
            pl.BlockSpec((BM, D), lambda i: (i, 0)),
            pl.BlockSpec((NBP, D), lambda i: (0, 0)),
        ],
        out_specs=[
            pl.BlockSpec((BM, D), lambda i: (i, 0)),
            pl.BlockSpec((BM, D), lambda i: (i, 0)),
        ],
        out_shape=[
            jax.ShapeDtypeStruct((N, D), jnp.float32),
            jax.ShapeDtypeStruct((N, D), jnp.float32),
        ],
    )(pce, tw, vw_pad, tf, prom, ce_pad)



def kernel(test_features, predicted_class_emb, vqgan_codebook,
           token_prompts, visual_words, class_embeddings):
    vw_pad = jnp.pad(visual_words, ((0, NBP - NBANK), (0, 0)))
    ce_pad = jnp.pad(class_embeddings, ((0, NBP - NBANK), (0, 0)))

    tfs = jax.lax.stop_gradient(test_features)
    cbs = jax.lax.stop_gradient(vqgan_codebook)
    d2 = (jnp.sum(tfs * tfs, axis=1)[:, None]
          - 2.0 * (tfs @ cbs.T)
          + jnp.sum(cbs * cbs, axis=1)[None, :])
    idx = jnp.argmin(d2, axis=1).astype(jnp.int32)
    idx_clamped = jnp.minimum(idx, NBANK - 1)

    prompts = _sc_gather(token_prompts, idx_clamped, b_chunk=64)
    test_words = _sc_gather(vqgan_codebook, idx, b_chunk=64)

    cache_logits, augmented = _attn_tail(
        predicted_class_emb, test_words, vw_pad, test_features, prompts,
        ce_pad)
    return (cache_logits, augmented)

# --- scband reference (transcript-rebuilt; emitter-appended) ---
"""Pipeline reference for scband-vqgancache-module-76922864271444 (READ-ONLY COPY).

The authoritative reference and input builder live on the scoring server;
editing this copy changes nothing except your own understanding.
"""

import jax, jax.numpy as jnp
import numpy as np

N_PATCHES = 16384
FEATURE_DIM = 512
CODEBOOK_SIZE = 8192
P_PER_CLASS = 10
N_CLASSES = 100
N_BANK = P_PER_CLASS * N_CLASSES
GAMMA = 0.7
TAU = 0.1
EPS = 1e-8


def _cos_matrix(a, b):
    # pairwise cosine similarity between rows of a [N, D] and rows of b [M, D] -> [N, M]
    # equivalent to F.cosine_similarity(a.unsqueeze(1), b, dim=-1) with eps clamping
    an = a / jnp.maximum(jnp.linalg.norm(a, axis=-1, keepdims=True), EPS)
    bn = b / jnp.maximum(jnp.linalg.norm(b, axis=-1, keepdims=True), EPS)
    return an @ bn.T


def setup_inputs(seed: int = 0) -> dict:
    key = jax.random.key(seed)
    k1, k2, k3, k4, k5, k6 = jax.random.split(key, 6)
    test_features = jax.random.normal(k1, (N_PATCHES, FEATURE_DIM), dtype=jnp.float32)
    predicted_class_emb = jax.random.normal(k2, (N_PATCHES, FEATURE_DIM), dtype=jnp.float32)
    vqgan_codebook = jax.random.normal(k3, (CODEBOOK_SIZE, FEATURE_DIM), dtype=jnp.float32)
    token_prompts = jax.random.normal(k4, (N_BANK, FEATURE_DIM), dtype=jnp.float32)
    visual_words = jax.random.normal(k5, (N_BANK, FEATURE_DIM), dtype=jnp.float32)
    class_embeddings = jax.random.normal(k6, (N_BANK, FEATURE_DIM), dtype=jnp.float32)
    return {
        "test_features": test_features,
        "predicted_class_emb": predicted_class_emb,
        "vqgan_codebook": vqgan_codebook,
        "token_prompts": token_prompts,
        "visual_words": visual_words,
        "class_embeddings": class_embeddings,
    }


def reference(test_features, predicted_class_emb, vqgan_codebook, token_prompts, visual_words, class_embeddings):
    # vqgan_encoder under torch.no_grad(): nearest-codebook-entry VQ lookup
    tf = jax.lax.stop_gradient(test_features)
    cb = jax.lax.stop_gradient(vqgan_codebook)
    d2 = (jnp.sum(tf * tf, axis=1)[:, None]
          - 2.0 * (tf @ cb.T)
          + jnp.sum(cb * cb, axis=1)[None, :])
    word_indices = jnp.argmin(d2, axis=1)  # int32 [N]
    test_words = cb[word_indices]          # no_grad codebook gather [N, D]

    # augment_features: learnable token prompts gathered by word index
    selected_prompts = token_prompts[word_indices]
    augmented_features = test_features + selected_prompts

    # similarity vs memory bank
    visual_sim = _cos_matrix(test_words, visual_words)                 # [N, N_BANK]
    semantic_sim = _cos_matrix(predicted_class_emb, class_embeddings)  # [N, N_BANK]
    combined_sim = GAMMA * visual_sim + (1.0 - GAMMA) * semantic_sim
    attention = jax.nn.softmax(combined_sim / TAU, axis=-1)
    cache_logits = attention @ class_embeddings  # [N, D]
    return (cache_logits, augmented_features)

if __name__ == "__main__":
    import jax
    _d = setup_inputs()
    print(jax.jit(kernel)(*tuple(_d.values())))

</pallas_src>

<mosaic_0001>
#map = affine_map<(d0, d1) -> (0, 0)>
#map1 = affine_map<(d0, d1) -> (0)>
module attributes {stable_mosaic.version = 14 : i64} {
  func.func @k(%arg0: i32, %arg1: i32, %arg2: memref<8192x512xf32, #tpu.memory_space<hbm>>, %arg3: memref<16384xi32, #tpu.memory_space<hbm>>, %arg4: memref<16384x512xf32, #tpu.memory_space<hbm>>, %arg5: memref<2x64xi32, #tpu.memory_space<vmem>>, %arg6: memref<2x64x512xf32, #tpu.memory_space<vmem>>, %arg7: memref<!tpu.dma_semaphore, #tpu.memory_space<semaphore_mem>>, %arg8: memref<!tpu.dma_semaphore, #tpu.memory_space<semaphore_mem>>) attributes {dimension_semantics = [#tpu.dimension_semantics<core_parallel>, #tpu.dimension_semantics<subcore_parallel>], iteration_bounds = array<i64: 2, 16>, scalar_prefetch = 0 : i64, scratch_operands = 4 : i64, tpu.core_type = #tpu.core_type<sc_vector_subcore>, window_params = [{transform_indices = #map}, {transform_indices = #map1}, {transform_indices = #map}]} {
    %mul3A = arith.constant 2 : i32
    %mul3A_0 = arith.muli %arg1, %mul3A : i32
    %add3A = arith.addi %mul3A_0, %arg0 : i32
    %mul3A_1 = arith.constant 512 : i32
    %mul3A_2 = arith.muli %add3A, %mul3A_1 : i32
    %run_scoped3A = arith.constant 0 : i32
    "tpu.region"() ({
      %run_scoped3A_238 = tpu.sem_alloc : memref<!tpu.dma_semaphore, #tpu.memory_space<semaphore_mem>>
      %dma_start3A_239 = arith.constant 0 : i32
      %dma_start3A_240 = tpu.memref_slice %arg5[%run_scoped3A, %dma_start3A_239] : memref<2x64xi32, #tpu.memory_space<vmem>> -> memref<1x64xi32, #tpu.memory_space<vmem>>
      %dma_start3A_241 = tpu.memref_squeeze %dma_start3A_240 : memref<1x64xi32, #tpu.memory_space<vmem>> -> memref<64xi32, #tpu.memory_space<vmem>>
      %dma_start3A_242 = tpu.memref_slice %arg3[%mul3A_2] : memref<16384xi32, #tpu.memory_space<hbm>> -> memref<64xi32, #tpu.memory_space<hbm>>
      %dma_start3A_243 = arith.constant 0 : i32
      %dma_start3A_244 = tpu.memref_slice %arg5[%run_scoped3A, %dma_start3A_243] : memref<2x64xi32, #tpu.memory_space<vmem>> -> memref<1x64xi32, #tpu.memory_space<vmem>>
      %dma_start3A_245 = tpu.memref_squeeze %dma_start3A_244 : memref<1x64xi32, #tpu.memory_space<vmem>> -> memref<64xi32, #tpu.memory_space<vmem>>
      %dma_start3A_246 = tpu.memref_slice %arg3[%mul3A_2] : memref<16384xi32, #tpu.memory_space<hbm>> -> memref<64xi32, #tpu.memory_space<hbm>>
      tpu.enqueue_dma source(%dma_start3A_246 : memref<64xi32, #tpu.memory_space<hbm>>) target(%dma_start3A_245 : memref<64xi32, #tpu.memory_space<vmem>>) target_semaphore(%run_scoped3A_238 : memref<!tpu.dma_semaphore, #tpu.memory_space<semaphore_mem>>)
      %dma_wait3A_247 = arith.constant 0 : i32
      %dma_wait3A_248 = tpu.memref_slice %arg5[%run_scoped3A, %dma_wait3A_247] : memref<2x64xi32, #tpu.memory_space<vmem>> -> memref<1x64xi32, #tpu.memory_space<vmem>>
      %dma_wait3A_249 = tpu.memref_squeeze %dma_wait3A_248 : memref<1x64xi32, #tpu.memory_space<vmem>> -> memref<64xi32, #tpu.memory_space<vmem>>
      %dma_wait3A_250 = tpu.memref_slice %arg3[%mul3A_2] : memref<16384xi32, #tpu.memory_space<hbm>> -> memref<64xi32, #tpu.memory_space<hbm>>
      %dma_wait3A_251 = arith.constant 0 : i32
      %dma_wait3A_252 = tpu.memref_slice %arg5[%run_scoped3A, %dma_wait3A_251] : memref<2x64xi32, #tpu.memory_space<vmem>> -> memref<1x64xi32, #tpu.memory_space<vmem>>
      %dma_wait3A_253 = tpu.memref_squeeze %dma_wait3A_252 : memref<1x64xi32, #tpu.memory_space<vmem>> -> memref<64xi32, #tpu.memory_space<vmem>>
      %dma_wait3A_254 = tpu.memref_slice %arg3[%mul3A_2] : memref<16384xi32, #tpu.memory_space<hbm>> -> memref<64xi32, #tpu.memory_space<hbm>>
      tpu.wait_dma2 semaphore(%run_scoped3A_238 : memref<!tpu.dma_semaphore, #tpu.memory_space<semaphore_mem>>) src(%dma_wait3A_254 : memref<64xi32, #tpu.memory_space<hbm>>) dst(%dma_wait3A_253 : memref<64xi32, #tpu.memory_space<vmem>>)
      tpu.yield
    }) : () -> ()
    %dma_start3A = arith.constant 0 : i32
    %dma_start3A_3 = arith.constant 0 : i32
    %dma_start3A_4 = arith.constant 0 : i32
    %dma_start3A_5 = arith.constant 0 : i32
    %dma_start3A_6 = tpu.memref_slice %arg6[%dma_start3A_3, %dma_start3A_4, %dma_start3A_5] : memref<2x64x512xf32, #tpu.memory_space<vmem>> -> memref<1x64x512xf32, #tpu.memory_space<vmem>>
    %dma_start3A_7 = tpu.memref_squeeze %dma_start3A_6 : memref<1x64x512xf32, #tpu.memory_space<vmem>> -> memref<64x512xf32, #tpu.memory_space<vmem>>
    %dma_start3A_8 = arith.constant 0 : i32
    %dma_start3A_9 = tpu.memref_slice %arg5[%dma_start3A, %dma_start3A_8] : memref<2x64xi32, #tpu.memory_space<vmem>> -> memref<1x64xi32, #tpu.memory_space<vmem>>
    %dma_start3A_10 = tpu.memref_squeeze %dma_start3A_9 : memref<1x64xi32, #tpu.memory_space<vmem>> -> memref<64xi32, #tpu.memory_space<vmem>>
    %dma_start3A_11 = arith.constant 0 : i32
    %dma_start3A_12 = arith.constant 0 : i32
    %dma_start3A_13 = tpu.memref_slice %arg2[%dma_start3A_11, %dma_start3A_12] : memref<8192x512xf32, #tpu.memory_space<hbm>> -> memref<8192x512xf32, #tpu.memory_space<hbm>>
    tpu.enqueue_indirect_dma source(%dma_start3A_13 : memref<8192x512xf32, #tpu.memory_space<hbm>>) target(%dma_start3A_7 : memref<64x512xf32, #tpu.memory_space<vmem>>) offsets(%dma_start3A_10 : memref<64xi32, #tpu.memory_space<vmem>>) semaphore(%arg7 : memref<!tpu.dma_semaphore, #tpu.memory_space<semaphore_mem>>)
    %add3A_14 = arith.constant 64 : i32
    %add3A_15 = arith.addi %mul3A_2, %add3A_14 : i32
    %run_scoped3A_16 = arith.constant 1 : i32
    "tpu.region"() ({
      %run_scoped3A_238 = tpu.sem_alloc : memref<!tpu.dma_semaphore, #tpu.memory_space<semaphore_mem>>
      %dma_start3A_239 = arith.constant 0 : i32
      %dma_start3A_240 = tpu.memref_slice %arg5[%run_scoped3A_16, %dma_start3A_239] : memref<2x64xi32, #tpu.memory_space<vmem>> -> memref<1x64xi32, #tpu.memory_space<vmem>>
      %dma_start3A_241 = tpu.memref_squeeze %dma_start3A_240 : memref<1x64xi32, #tpu.memory_space<vmem>> -> memref<64xi32, #tpu.memory_space<vmem>>
      %dma_start3A_242 = tpu.memref_slice %arg3[%add3A_15] : memref<16384xi32, #tpu.memory_space<hbm>> -> memref<64xi32, #tpu.memory_space<hbm>>
      %dma_start3A_243 = arith.constant 0 : i32
      %dma_start3A_244 = tpu.memref_slice %arg5[%run_scoped3A_16, %dma_start3A_243] : memref<2x64xi32, #tpu.memory_space<vmem>> -> memref<1x64xi32, #tpu.memory_space<vmem>>
      %dma_start3A_245 = tpu.memref_squeeze %dma_start3A_244 : memref<1x64xi32, #tpu.memory_space<vmem>> -> memref<64xi32, #tpu.memory_space<vmem>>
      %dma_start3A_246 = tpu.memref_slice %arg3[%add3A_15] : memref<16384xi32, #tpu.memory_space<hbm>> -> memref<64xi32, #tpu.memory_space<hbm>>
      tpu.enqueue_dma source(%dma_start3A_246 : memref<64xi32, #tpu.memory_space<hbm>>) target(%dma_start3A_245 : memref<64xi32, #tpu.memory_space<vmem>>) target_semaphore(%run_scoped3A_238 : memref<!tpu.dma_semaphore, #tpu.memory_space<semaphore_mem>>)
      %dma_wait3A_247 = arith.constant 0 : i32
      %dma_wait3A_248 = tpu.memref_slice %arg5[%run_scoped3A_16, %dma_wait3A_247] : memref<2x64xi32, #tpu.memory_space<vmem>> -> memref<1x64xi32, #tpu.memory_space<vmem>>
      %dma_wait3A_249 = tpu.memref_squeeze %dma_wait3A_248 : memref<1x64xi32, #tpu.memory_space<vmem>> -> memref<64xi32, #tpu.memory_space<vmem>>
      %dma_wait3A_250 = tpu.memref_slice %arg3[%add3A_15] : memref<16384xi32, #tpu.memory_space<hbm>> -> memref<64xi32, #tpu.memory_space<hbm>>
      %dma_wait3A_251 = arith.constant 0 : i32
      %dma_wait3A_252 = tpu.memref_slice %arg5[%run_scoped3A_16, %dma_wait3A_251] : memref<2x64xi32, #tpu.memory_space<vmem>> -> memref<1x64xi32, #tpu.memory_space<vmem>>
      %dma_wait3A_253 = tpu.memref_squeeze %dma_wait3A_252 : memref<1x64xi32, #tpu.memory_space<vmem>> -> memref<64xi32, #tpu.memory_space<vmem>>
      %dma_wait3A_254 = tpu.memref_slice %arg3[%add3A_15] : memref<16384xi32, #tpu.memory_space<hbm>> -> memref<64xi32, #tpu.memory_space<hbm>>
      tpu.wait_dma2 semaphore(%run_scoped3A_238 : memref<!tpu.dma_semaphore, #tpu.memory_space<semaphore_mem>>) src(%dma_wait3A_254 : memref<64xi32, #tpu.memory_space<hbm>>) dst(%dma_wait3A_253 : memref<64xi32, #tpu.memory_space<vmem>>)
      tpu.yield
    }) : () -> ()
    %dma_start3A_17 = arith.constant 1 : i32
    %dma_start3A_18 = arith.constant 1 : i32
    %dma_start3A_19 = arith.constant 0 : i32
    %dma_start3A_20 = arith.constant 0 : i32
    %dma_start3A_21 = tpu.memref_slice %arg6[%dma_start3A_18, %dma_start3A_19, %dma_start3A_20] : memref<2x64x512xf32, #tpu.memory_space<vmem>> -> memref<1x64x512xf32, #tpu.memory_space<vmem>>
    %dma_start3A_22 = tpu.memref_squeeze %dma_start3A_21 : memref<1x64x512xf32, #tpu.memory_space<vmem>> -> memref<64x512xf32, #tpu.memory_space<vmem>>
    %dma_start3A_23 = arith.constant 0 : i32
    %dma_start3A_24 = tpu.memref_slice %arg5[%dma_start3A_17, %dma_start3A_23] : memref<2x64xi32, #tpu.memory_space<vmem>> -> memref<1x64xi32, #tpu.memory_space<vmem>>
    %dma_start3A_25 = tpu.memref_squeeze %dma_start3A_24 : memref<1x64xi32, #tpu.memory_space<vmem>> -> memref<64xi32, #tpu.memory_space<vmem>>
    %dma_start3A_26 = arith.constant 0 : i32
    %dma_start3A_27 = arith.constant 0 : i32
    %dma_start3A_28 = tpu.memref_slice %arg2[%dma_start3A_26, %dma_start3A_27] : memref<8192x512xf32, #tpu.memory_space<hbm>> -> memref<8192x512xf32, #tpu.memory_space<hbm>>
    tpu.enqueue_indirect_dma source(%dma_start3A_28 : memref<8192x512xf32, #tpu.memory_space<hbm>>) target(%dma_start3A_22 : memref<64x512xf32, #tpu.memory_space<vmem>>) offsets(%dma_start3A_25 : memref<64xi32, #tpu.memory_space<vmem>>) semaphore(%arg8 : memref<!tpu.dma_semaphore, #tpu.memory_space<semaphore_mem>>)
    %dma_wait3A = arith.constant 0 : i32
    %dma_wait3A_29 = arith.constant 0 : i32
    %dma_wait3A_30 = arith.constant 0 : i32
    %dma_wait3A_31 = arith.constant 0 : i32
    %dma_wait3A_32 = tpu.memref_slice %arg6[%dma_wait3A_29, %dma_wait3A_30, %dma_wait3A_31] : memref<2x64x512xf32, #tpu.memory_space<vmem>> -> memref<1x64x512xf32, #tpu.memory_space<vmem>>
    %dma_wait3A_33 = tpu.memref_squeeze %dma_wait3A_32 : memref<1x64x512xf32, #tpu.memory_space<vmem>> -> memref<64x512xf32, #tpu.memory_space<vmem>>
    %dma_wait3A_34 = arith.constant 0 : i32
    %dma_wait3A_35 = tpu.memref_slice %arg5[%dma_wait3A, %dma_wait3A_34] : memref<2x64xi32, #tpu.memory_space<vmem>> -> memref<1x64xi32, #tpu.memory_space<vmem>>
    %dma_wait3A_36 = tpu.memref_squeeze %dma_wait3A_35 : memref<1x64xi32, #tpu.memory_space<vmem>> -> memref<64xi32, #tpu.memory_space<vmem>>
    %dma_wait3A_37 = arith.constant 0 : i32
    %dma_wait3A_38 = arith.constant 0 : i32
    %dma_wait3A_39 = tpu.memref_slice %arg2[%dma_wait3A_37, %dma_wait3A_38] : memref<8192x512xf32, #tpu.memory_space<hbm>> -> memref<8192x512xf32, #tpu.memory_space<hbm>>
    tpu.wait_indirect_dma semaphore(%arg7 : memref<!tpu.dma_semaphore, #tpu.memory_space<semaphore_mem>>) src(%dma_wait3A_39 : memref<8192x512xf32, #tpu.memory_space<hbm>>) dst(%dma_wait3A_33 : memref<64x512xf32, #tpu.memory_space<vmem>>)
    %add3A_40 = arith.constant 0 : i32
    %add3A_41 = arith.addi %mul3A_2, %add3A_40 : i32
    %run_scoped3A_42 = arith.constant 0 : i32
    "tpu.region"() ({
      %run_scoped3A_238 = tpu.sem_alloc : memref<!tpu.dma_semaphore, #tpu.memory_space<semaphore_mem>>
      %dma_start3A_239 = arith.constant 0 : i32
      %dma_start3A_240 = arith.constant 0 : i32
      %dma_start3A_241 = tpu.memref_slice %arg6[%run_scoped3A_42, %dma_start3A_239, %dma_start3A_240] : memref<2x64x512xf32, #tpu.memory_space<vmem>> -> memref<1x64x512xf32, #tpu.memory_space<vmem>>
      %dma_start3A_242 = tpu.memref_squeeze %dma_start3A_241 : memref<1x64x512xf32, #tpu.memory_space<vmem>> -> memref<64x512xf32, #tpu.memory_space<vmem>>
      %dma_start3A_243 = arith.constant 0 : i32
      %dma_start3A_244 = tpu.memref_slice %arg4[%add3A_41, %dma_start3A_243] : memref<16384x512xf32, #tpu.memory_space<hbm>> -> memref<64x512xf32, #tpu.memory_space<hbm>>
      %dma_start3A_245 = arith.constant 0 : i32
      %dma_start3A_246 = tpu.memref_slice %arg4[%add3A_41, %dma_start3A_245] : memref<16384x512xf32, #tpu.memory_space<hbm>> -> memref<64x512xf32, #tpu.memory_space<hbm>>
      %dma_start3A_247 = arith.constant 0 : i32
      %dma_start3A_248 = arith.constant 0 : i32
      %dma_start3A_249 = tpu.memref_slice %arg6[%run_scoped3A_42, %dma_start3A_247, %dma_start3A_248] : memref<2x64x512xf32, #tpu.memory_space<vmem>> -> memref<1x64x512xf32, #tpu.memory_space<vmem>>
      %dma_start3A_250 = tpu.memref_squeeze %dma_start3A_249 : memref<1x64x512xf32, #tpu.memory_space<vmem>> -> memref<64x512xf32, #tpu.memory_space<vmem>>
      tpu.enqueue_dma source(%dma_start3A_250 : memref<64x512xf32, #tpu.memory_space<vmem>>) target(%dma_start3A_246 : memref<64x512xf32, #tpu.memory_space<hbm>>) target_semaphore(%run_scoped3A_238 : memref<!tpu.dma_semaphore, #tpu.memory_space<semaphore_mem>>)
      %dma_wait3A_251 = arith.constant 0 : i32
      %dma_wait3A_252 = arith.constant 0 : i32
      %dma_wait3A_253 = tpu.memref_slice %arg6[%run_scoped3A_42, %dma_wait3A_251, %dma_wait3A_252] : memref<2x64x512xf32, #tpu.memory_space<vmem>> -> memref<1x64x512xf32, #tpu.memory_space<vmem>>
      %dma_wait3A_254 = tpu.memref_squeeze %dma_wait3A_253 : memref<1x64x512xf32, #tpu.memory_space<vmem>> -> memref<64x512xf32, #tpu.memory_space<vmem>>
      %dma_wait3A_255 = arith.constant 0 : i32
      %dma_wait3A_256 = tpu.memref_slice %arg4[%add3A_41, %dma_wait3A_255] : memref<16384x512xf32, #tpu.memory_space<hbm>> -> memref<64x512xf32, #tpu.memory_space<hbm>>
      %dma_wait3A_257 = arith.constant 0 : i32
      %dma_wait3A_258 = tpu.memref_slice %arg4[%add3A_41, %dma_wait3A_257] : memref<16384x512xf32, #tpu.memory_space<hbm>> -> memref<64x512xf32, #tpu.memory_space<hbm>>
      %dma_wait3A_259 = arith.constant 0 : i32
      %dma_wait3A_260 = arith.constant 0 : i32
      %dma_wait3A_261 = tpu.memref_slice %arg6[%run_scoped3A_42, %dma_wait3A_259, %dma_wait3A_260] : memref<2x64x512xf32, #tpu.memory_space<vmem>> -> memref<1x64x512xf32, #tpu.memory_space<vmem>>
      %dma_wait3A_262 = tpu.memref_squeeze %dma_wait3A_261 : memref<1x64x512xf32, #tpu.memory_space<vmem>> -> memref<64x512xf32, #tpu.memory_space<vmem>>
      tpu.wait_dma2 semaphore(%run_scoped3A_238 : memref<!tpu.dma_semaphore, #tpu.memory_space<semaphore_mem>>) src(%dma_wait3A_262 : memref<64x512xf32, #tpu.memory_space<vmem>>) dst(%dma_wait3A_258 : memref<64x512xf32, #tpu.memory_space<hbm>>)
      tpu.yield
    }) : () -> ()
    %add3A_43 = arith.constant 128 : i32
    %add3A_44 = arith.addi %mul3A_2, %add3A_43 : i32
    %run_scoped3A_45 = arith.constant 0 : i32
    "tpu.region"() ({
      %run_scoped3A_238 = tpu.sem_alloc : memref<!tpu.dma_semaphore, #tpu.memory_space<semaphore_mem>>
      %dma_start3A_239 = arith.constant 0 : i32
      %dma_start3A_240 = tpu.memref_slice %arg5[%run_scoped3A_45, %dma_start3A_239] : memref<2x64xi32, #tpu.memory_space<vmem>> -> memref<1x64xi32, #tpu.memory_space<vmem>>
      %dma_start3A_241 = tpu.memref_squeeze %dma_start3A_240 : memref<1x64xi32, #tpu.memory_space<vmem>> -> memref<64xi32, #tpu.memory_space<vmem>>
      %dma_start3A_242 = tpu.memref_slice %arg3[%add3A_44] : memref<16384xi32, #tpu.memory_space<hbm>> -> memref<64xi32, #tpu.memory_space<hbm>>
      %dma_start3A_243 = arith.constant 0 : i32
      %dma_start3A_244 = tpu.memref_slice %arg5[%run_scoped3A_45, %dma_start3A_243] : memref<2x64xi32, #tpu.memory_space<vmem>> -> memref<1x64xi32, #tpu.memory_space<vmem>>
      %dma_start3A_245 = tpu.memref_squeeze %dma_start3A_244 : memref<1x64xi32, #tpu.memory_space<vmem>> -> memref<64xi32, #tpu.memory_space<vmem>>
      %dma_start3A_246 = tpu.memref_slice %arg3[%add3A_44] : memref<16384xi32, #tpu.memory_space<hbm>> -> memref<64xi32, #tpu.memory_space<hbm>>
      tpu.enqueue_dma source(%dma_start3A_246 : memref<64xi32, #tpu.memory_space<hbm>>) target(%dma_start3A_245 : memref<64xi32, #tpu.memory_space<vmem>>) target_semaphore(%run_scoped3A_238 : memref<!tpu.dma_semaphore, #tpu.memory_space<semaphore_mem>>)
      %dma_wait3A_247 = arith.constant 0 : i32
      %dma_wait3A_248 = tpu.memref_slice %arg5[%run_scoped3A_45, %dma_wait3A_247] : memref<2x64xi32, #tpu.memory_space<vmem>> -> memref<1x64xi32, #tpu.memory_space<vmem>>
      %dma_wait3A_249 = tpu.memref_squeeze %dma_wait3A_248 : memref<1x64xi32, #tpu.memory_space<vmem>> -> memref<64xi32, #tpu.memory_space<vmem>>
      %dma_wait3A_250 = tpu.memref_slice %arg3[%add3A_44] : memref<16384xi32, #tpu.memory_space<hbm>> -> memref<64xi32, #tpu.memory_space<hbm>>
      %dma_wait3A_251 = arith.constant 0 : i32
      %dma_wait3A_252 = tpu.memref_slice %arg5[%run_scoped3A_45, %dma_wait3A_251] : memref<2x64xi32, #tpu.memory_space<vmem>> -> memref<1x64xi32, #tpu.memory_space<vmem>>
      %dma_wait3A_253 = tpu.memref_squeeze %dma_wait3A_252 : memref<1x64xi32, #tpu.memory_space<vmem>> -> memref<64xi32, #tpu.memory_space<vmem>>
      %dma_wait3A_254 = tpu.memref_slice %arg3[%add3A_44] : memref<16384xi32, #tpu.memory_space<hbm>> -> memref<64xi32, #tpu.memory_space<hbm>>
      tpu.wait_dma2 semaphore(%run_scoped3A_238 : memref<!tpu.dma_semaphore, #tpu.memory_space<semaphore_mem>>) src(%dma_wait3A_254 : memref<64xi32, #tpu.memory_space<hbm>>) dst(%dma_wait3A_253 : memref<64xi32, #tpu.memory_space<vmem>>)
      tpu.yield
    }) : () -> ()
    %dma_start3A_46 = arith.constant 0 : i32
    %dma_start3A_47 = arith.constant 0 : i32
    %dma_start3A_48 = arith.constant 0 : i32
    %dma_start3A_49 = arith.constant 0 : i32
    %dma_start3A_50 = tpu.memref_slice %arg6[%dma_start3A_47, %dma_start3A_48, %dma_start3A_49] : memref<2x64x512xf32, #tpu.memory_space<vmem>> -> memref<1x64x512xf32, #tpu.memory_space<vmem>>
    %dma_start3A_51 = tpu.memref_squeeze %dma_start3A_50 : memref<1x64x512xf32, #tpu.memory_space<vmem>> -> memref<64x512xf32, #tpu.memory_space<vmem>>
    %dma_start3A_52 = arith.constant 0 : i32
    %dma_start3A_53 = tpu.memref_slice %arg5[%dma_start3A_46, %dma_start3A_52] : memref<2x64xi32, #tpu.memory_space<vmem>> -> memref<1x64xi32, #tpu.memory_space<vmem>>
    %dma_start3A_54 = tpu.memref_squeeze %dma_start3A_53 : memref<1x64xi32, #tpu.memory_space<vmem>> -> memref<64xi32, #tpu.memory_space<vmem>>
    %dma_start3A_55 = arith.constant 0 : i32
    %dma_start3A_56 = arith.constant 0 : i32
    %dma_start3A_57 = tpu.memref_slice %arg2[%dma_start3A_55, %dma_start3A_56] : memref<8192x512xf32, #tpu.memory_space<hbm>> -> memref<8192x512xf32, #tpu.memory_space<hbm>>
    tpu.enqueue_indirect_dma source(%dma_start3A_57 : memref<8192x512xf32, #tpu.memory_space<hbm>>) target(%dma_start3A_51 : memref<64x512xf32, #tpu.memory_space<vmem>>) offsets(%dma_start3A_54 : memref<64xi32, #tpu.memory_space<vmem>>) semaphore(%arg7 : memref<!tpu.dma_semaphore, #tpu.memory_space<semaphore_mem>>)
    %dma_wait3A_58 = arith.constant 1 : i32
    %dma_wait3A_59 = arith.constant 1 : i32
    %dma_wait3A_60 = arith.constant 0 : i32
    %dma_wait3A_61 = arith.constant 0 : i32
    %dma_wait3A_62 = tpu.memref_slice %arg6[%dma_wait3A_59, %dma_wait3A_60, %dma_wait3A_61] : memref<2x64x512xf32, #tpu.memory_space<vmem>> -> memref<1x64x512xf32, #tpu.memory_space<vmem>>
    %dma_wait3A_63 = tpu.memref_squeeze %dma_wait3A_62 : memref<1x64x512xf32, #tpu.memory_space<vmem>> -> memref<64x512xf32, #tpu.memory_space<vmem>>
    %dma_wait3A_64 = arith.constant 0 : i32
    %dma_wait3A_65 = tpu.memref_slice %arg5[%dma_wait3A_58, %dma_wait3A_64] : memref<2x64xi32, #tpu.memory_space<vmem>> -> memref<1x64xi32, #tpu.memory_space<vmem>>
    %dma_wait3A_66 = tpu.memref_squeeze %dma_wait3A_65 : memref<1x64xi32, #tpu.memory_space<vmem>> -> memref<64xi32, #tpu.memory_space<vmem>>
    %dma_wait3A_67 = arith.constant 0 : i32
    %dma_wait3A_68 = arith.constant 0 : i32
    %dma_wait3A_69 = tpu.memref_slice %arg2[%dma_wait3A_67, %dma_wait3A_68] : memref<8192x512xf32, #tpu.memory_space<hbm>> -> memref<8192x512xf32, #tpu.memory_space<hbm>>
    tpu.wait_indirect_dma semaphore(%arg8 : memref<!tpu.dma_semaphore, #tpu.memory_space<semaphore_mem>>) src(%dma_wait3A_69 : memref<8192x512xf32, #tpu.memory_space<hbm>>) dst(%dma_wait3A_63 : memref<64x512xf32, #tpu.memory_space<vmem>>)
    %add3A_70 = arith.constant 64 : i32
    %add3A_71 = arith.addi %mul3A_2, %add3A_70 : i32
    %run_scoped3A_72 = arith.constant 1 : i32
    "tpu.region"() ({
      %run_scoped3A_238 = tpu.sem_alloc : memref<!tpu.dma_semaphore, #tpu.memory_space<semaphore_mem>>
      %dma_start3A_239 = arith.constant 0 : i32
      %dma_start3A_240 = arith.constant 0 : i32
      %dma_start3A_241 = tpu.memref_slice %arg6[%run_scoped3A_72, %dma_start3A_239, %dma_start3A_240] : memref<2x64x512xf32, #tpu.memory_space<vmem>> -> memref<1x64x512xf32, #tpu.memory_space<vmem>>
      %dma_start3A_242 = tpu.memref_squeeze %dma_start3A_241 : memref<1x64x512xf32, #tpu.memory_space<vmem>> -> memref<64x512xf32, #tpu.memory_space<vmem>>
      %dma_start3A_243 = arith.constant 0 : i32
      %dma_start3A_244 = tpu.memref_slice %arg4[%add3A_71, %dma_start3A_243] : memref<16384x512xf32, #tpu.memory_space<hbm>> -> memref<64x512xf32, #tpu.memory_space<hbm>>
      %dma_start3A_245 = arith.constant 0 : i32
      %dma_start3A_246 = tpu.memref_slice %arg4[%add3A_71, %dma_start3A_245] : memref<16384x512xf32, #tpu.memory_space<hbm>> -> memref<64x512xf32, #tpu.memory_space<hbm>>
      %dma_start3A_247 = arith.constant 0 : i32
      %dma_start3A_248 = arith.constant 0 : i32
      %dma_start3A_249 = tpu.memref_slice %arg6[%run_scoped3A_72, %dma_start3A_247, %dma_start3A_248] : memref<2x64x512xf32, #tpu.memory_space<vmem>> -> memref<1x64x512xf32, #tpu.memory_space<vmem>>
      %dma_start3A_250 = tpu.memref_squeeze %dma_start3A_249 : memref<1x64x512xf32, #tpu.memory_space<vmem>> -> memref<64x512xf32, #tpu.memory_space<vmem>>
      tpu.enqueue_dma source(%dma_start3A_250 : memref<64x512xf32, #tpu.memory_space<vmem>>) target(%dma_start3A_246 : memref<64x512xf32, #tpu.memory_space<hbm>>) target_semaphore(%run_scoped3A_238 : memref<!tpu.dma_semaphore, #tpu.memory_space<semaphore_mem>>)
      %dma_wait3A_251 = arith.constant 0 : i32
      %dma_wait3A_252 = arith.constant 0 : i32
      %dma_wait3A_253 = tpu.memref_slice %arg6[%run_scoped3A_72, %dma_wait3A_251, %dma_wait3A_252] : memref<2x64x512xf32, #tpu.memory_space<vmem>> -> memref<1x64x512xf32, #tpu.memory_space<vmem>>
      %dma_wait3A_254 = tpu.memref_squeeze %dma_wait3A_253 : memref<1x64x512xf32, #tpu.memory_space<vmem>> -> memref<64x512xf32, #tpu.memory_space<vmem>>
      %dma_wait3A_255 = arith.constant 0 : i32
      %dma_wait3A_256 = tpu.memref_slice %arg4[%add3A_71, %dma_wait3A_255] : memref<16384x512xf32, #tpu.memory_space<hbm>> -> memref<64x512xf32, #tpu.memory_space<hbm>>
      %dma_wait3A_257 = arith.constant 0 : i32
      %dma_wait3A_258 = tpu.memref_slice %arg4[%add3A_71, %dma_wait3A_257] : memref<16384x512xf32, #tpu.memory_space<hbm>> -> memref<64x512xf32, #tpu.memory_space<hbm>>
      %dma_wait3A_259 = arith.constant 0 : i32
      %dma_wait3A_260 = arith.constant 0 : i32
      %dma_wait3A_261 = tpu.memref_slice %arg6[%run_scoped3A_72, %dma_wait3A_259, %dma_wait3A_260] : memref<2x64x512xf32, #tpu.memory_space<vmem>> -> memref<1x64x512xf32, #tpu.memory_space<vmem>>
      %dma_wait3A_262 = tpu.memref_squeeze %dma_wait3A_261 : memref<1x64x512xf32, #tpu.memory_space<vmem>> -> memref<64x512xf32, #tpu.memory_space<vmem>>
      tpu.wait_dma2 semaphore(%run_scoped3A_238 : memref<!tpu.dma_semaphore, #tpu.memory_space<semaphore_mem>>) src(%dma_wait3A_262 : memref<64x512xf32, #tpu.memory_space<vmem>>) dst(%dma_wait3A_258 : memref<64x512xf32, #tpu.memory_space<hbm>>)
      tpu.yield
    }) : () -> ()
    %add3A_73 = arith.constant 192 : i32
    %add3A_74 = arith.addi %mul3A_2, %add3A_73 : i32
    %run_scoped3A_75 = arith.constant 1 : i32
    "tpu.region"() ({
      %run_scoped3A_238 = tpu.sem_alloc : memref<!tpu.dma_semaphore, #tpu.memory_space<semaphore_mem>>
      %dma_start3A_239 = arith.constant 0 : i32
      %dma_start3A_240 = tpu.memref_slice %arg5[%run_scoped3A_75, %dma_start3A_239] : memref<2x64xi32, #tpu.memory_space<vmem>> -> memref<1x64xi32, #tpu.memory_space<vmem>>
      %dma_start3A_241 = tpu.memref_squeeze %dma_start3A_240 : memref<1x64xi32, #tpu.memory_space<vmem>> -> memref<64xi32, #tpu.memory_space<vmem>>
      %dma_start3A_242 = tpu.memref_slice %arg3[%add3A_74] : memref<16384xi32, #tpu.memory_space<hbm>> -> memref<64xi32, #tpu.memory_space<hbm>>
      %dma_start3A_243 = arith.constant 0 : i32
      %dma_start3A_244 = tpu.memref_slice %arg5[%run_scoped3A_75, %dma_start3A_243] : memref<2x64xi32, #tpu.memory_space<vmem>> -> memref<1x64xi32, #tpu.memory_space<vmem>>
      %dma_start3A_245 = tpu.memref_squeeze %dma_start3A_244 : memref<1x64xi32, #tpu.memory_space<vmem>> -> memref<64xi32, #tpu.memory_space<vmem>>
      %dma_start3A_246 = tpu.memref_slice %arg3[%add3A_74] : memref<16384xi32, #tpu.memory_space<hbm>> -> memref<64xi32, #tpu.memory_space<hbm>>
      tpu.enqueue_dma source(%dma_start3A_246 : memref<64xi32, #tpu.memory_space<hbm>>) target(%dma_start3A_245 : memref<64xi32, #tpu.memory_space<vmem>>) target_semaphore(%run_scoped3A_238 : memref<!tpu.dma_semaphore, #tpu.memory_space<semaphore_mem>>)
      %dma_wait3A_247 = arith.constant 0 : i32
      %dma_wait3A_248 = tpu.memref_slice %arg5[%run_scoped3A_75, %dma_wait3A_247] : memref<2x64xi32, #tpu.memory_space<vmem>> -> memref<1x64xi32, #tpu.memory_space<vmem>>
      %dma_wait3A_249 = tpu.memref_squeeze %dma_wait3A_248 : memref<1x64xi32, #tpu.memory_space<vmem>> -> memref<64xi32, #tpu.memory_space<vmem>>
      %dma_wait3A_250 = tpu.memref_slice %arg3[%add3A_74] : memref<16384xi32, #tpu.memory_space<hbm>> -> memref<64xi32, #tpu.memory_space<hbm>>
      %dma_wait3A_251 = arith.constant 0 : i32
      %dma_wait3A_252 = tpu.memref_slice %arg5[%run_scoped3A_75, %dma_wait3A_251] : memref<2x64xi32, #tpu.memory_space<vmem>> -> memref<1x64xi32, #tpu.memory_space<vmem>>
      %dma_wait3A_253 = tpu.memref_squeeze %dma_wait3A_252 : memref<1x64xi32, #tpu.memory_space<vmem>> -> memref<64xi32, #tpu.memory_space<vmem>>
      %dma_wait3A_254 = tpu.memref_slice %arg3[%add3A_74] : memref<16384xi32, #tpu.memory_space<hbm>> -> memref<64xi32, #tpu.memory_space<hbm>>
      tpu.wait_dma2 semaphore(%run_scoped3A_238 : memref<!tpu.dma_semaphore, #tpu.memory_space<semaphore_mem>>) src(%dma_wait3A_254 : memref<64xi32, #tpu.memory_space<hbm>>) dst(%dma_wait3A_253 : memref<64xi32, #tpu.memory_space<vmem>>)
      tpu.yield
    }) : () -> ()
    %dma_start3A_76 = arith.constant 1 : i32
    %dma_start3A_77 = arith.constant 1 : i32
    %dma_start3A_78 = arith.constant 0 : i32
    %dma_start3A_79 = arith.constant 0 : i32
    %dma_start3A_80 = tpu.memref_slice %arg6[%dma_start3A_77, %dma_start3A_78, %dma_start3A_79] : memref<2x64x512xf32, #tpu.memory_space<vmem>> -> memref<1x64x512xf32, #tpu.memory_space<vmem>>
    %dma_start3A_81 = tpu.memref_squeeze %dma_start3A_80 : memref<1x64x512xf32, #tpu.memory_space<vmem>> -> memref<64x512xf32, #tpu.memory_space<vmem>>
    %dma_start3A_82 = arith.constant 0 : i32
    %dma_start3A_83 = tpu.memref_slice %arg5[%dma_start3A_76, %dma_start3A_82] : memref<2x64xi32, #tpu.memory_space<vmem>> -> memref<1x64xi32, #tpu.memory_space<vmem>>
    %dma_start3A_84 = tpu.memref_squeeze %dma_start3A_83 : memref<1x64xi32, #tpu.memory_space<vmem>> -> memref<64xi32, #tpu.memory_space<vmem>>
    %dma_start3A_85 = arith.constant 0 : i32
    %dma_start3A_86 = arith.constant 0 : i32
    %dma_start3A_87 = tpu.memref_slice %arg2[%dma_start3A_85, %dma_start3A_86] : memref<8192x512xf32, #tpu.memory_space<hbm>> -> memref<8192x512xf32, #tpu.memory_space<hbm>>
    tpu.enqueue_indirect_dma source(%dma_start3A_87 : memref<8192x512xf32, #tpu.memory_space<hbm>>) target(%dma_start3A_81 : memref<64x512xf32, #tpu.memory_space<vmem>>) offsets(%dma_start3A_84 : memref<64xi32, #tpu.memory_space<vmem>>) semaphore(%arg8 : memref<!tpu.dma_semaphore, #tpu.memory_space<semaphore_mem>>)
    %dma_wait3A_88 = arith.constant 0 : i32
    %dma_wait3A_89 = arith.constant 0 : i32
    %dma_wait3A_90 = arith.constant 0 : i32
    %dma_wait3A_91 = arith.constant 0 : i32
    %dma_wait3A_92 = tpu.memref_slice %arg6[%dma_wait3A_89, %dma_wait3A_90, %dma_wait3A_91] : memref<2x64x512xf32, #tpu.memory_space<vmem>> -> memref<1x64x512xf32, #tpu.memory_space<vmem>>
    %dma_wait3A_93 = tpu.memref_squeeze %dma_wait3A_92 : memref<1x64x512xf32, #tpu.memory_space<vmem>> -> memref<64x512xf32, #tpu.memory_space<vmem>>
    %dma_wait3A_94 = arith.constant 0 : i32
    %dma_wait3A_95 = tpu.memref_slice %arg5[%dma_wait3A_88, %dma_wait3A_94] : memref<2x64xi32, #tpu.memory_space<vmem>> -> memref<1x64xi32, #tpu.memory_space<vmem>>
    %dma_wait3A_96 = tpu.memref_squeeze %dma_wait3A_95 : memref<1x64xi32, #tpu.memory_space<vmem>> -> memref<64xi32, #tpu.memory_space<vmem>>
    %dma_wait3A_97 = arith.constant 0 : i32
    %dma_wait3A_98 = arith.constant 0 : i32
    %dma_wait3A_99 = tpu.memref_slice %arg2[%dma_wait3A_97, %dma_wait3A_98] : memref<8192x512xf32, #tpu.memory_space<hbm>> -> memref<8192x512xf32, #tpu.memory_space<hbm>>
    tpu.wait_indirect_dma semaphore(%arg7 : memref<!tpu.dma_semaphore, #tpu.memory_space<semaphore_mem>>) src(%dma_wait3A_99 : memref<8192x512xf32, #tpu.memory_space<hbm>>) dst(%dma_wait3A_93 : memref<64x512xf32, #tpu.memory_space<vmem>>)
    %add3A_100 = arith.constant 128 : i32
    %add3A_101 = arith.addi %mul3A_2, %add3A_100 : i32
    %run_scoped3A_102 = arith.constant 0 : i32
    "tpu.region"() ({
      %run_scoped3A_238 = tpu.sem_alloc : memref<!tpu.dma_semaphore, #tpu.memory_space<semaphore_mem>>
      %dma_start3A_239 = arith.constant 0 : i32
      %dma_start3A_240 = arith.constant 0 : i32
      %dma_start3A_241 = tpu.memref_slice %arg6[%run_scoped3A_102, %dma_start3A_239, %dma_start3A_240] : memref<2x64x512xf32, #tpu.memory_space<vmem>> -> memref<1x64x512xf32, #tpu.memory_space<vmem>>
      %dma_start3A_242 = tpu.memref_squeeze %dma_start3A_241 : memref<1x64x512xf32, #tpu.memory_space<vmem>> -> memref<64x512xf32, #tpu.memory_space<vmem>>
      %dma_start3A_243 = arith.constant 0 : i32
      %dma_start3A_244 = tpu.memref_slice %arg4[%add3A_101, %dma_start3A_243] : memref<16384x512xf32, #tpu.memory_space<hbm>> -> memref<64x512xf32, #tpu.memory_space<hbm>>
      %dma_start3A_245 = arith.constant 0 : i32
      %dma_start3A_246 = tpu.memref_slice %arg4[%add3A_101, %dma_start3A_245] : memref<16384x512xf32, #tpu.memory_space<hbm>> -> memref<64x512xf32, #tpu.memory_space<hbm>>
      %dma_start3A_247 = arith.constant 0 : i32
      %dma_start3A_248 = arith.constant 0 : i32
      %dma_start3A_249 = tpu.memref_slice %arg6[%run_scoped3A_102, %dma_start3A_247, %dma_start3A_248] : memref<2x64x512xf32, #tpu.memory_space<vmem>> -> memref<1x64x512xf32, #tpu.memory_space<vmem>>
      %dma_start3A_250 = tpu.memref_squeeze %dma_start3A_249 : memref<1x64x512xf32, #tpu.memory_space<vmem>> -> memref<64x512xf32, #tpu.memory_space<vmem>>
      tpu.enqueue_dma source(%dma_start3A_250 : memref<64x512xf32, #tpu.memory_space<vmem>>) target(%dma_start3A_246 : memref<64x512xf32, #tpu.memory_space<hbm>>) target_semaphore(%run_scoped3A_238 : memref<!tpu.dma_semaphore, #tpu.memory_space<semaphore_mem>>)
      %dma_wait3A_251 = arith.constant 0 : i32
      %dma_wait3A_252 = arith.constant 0 : i32
      %dma_wait3A_253 = tpu.memref_slice %arg6[%run_scoped3A_102, %dma_wait3A_251, %dma_wait3A_252] : memref<2x64x512xf32, #tpu.memory_space<vmem>> -> memref<1x64x512xf32, #tpu.memory_space<vmem>>
      %dma_wait3A_254 = tpu.memref_squeeze %dma_wait3A_253 : memref<1x64x512xf32, #tpu.memory_space<vmem>> -> memref<64x512xf32, #tpu.memory_space<vmem>>
      %dma_wait3A_255 = arith.constant 0 : i32
      %dma_wait3A_256 = tpu.memref_slice %arg4[%add3A_101, %dma_wait3A_255] : memref<16384x512xf32, #tpu.memory_space<hbm>> -> memref<64x512xf32, #tpu.memory_space<hbm>>
      %dma_wait3A_257 = arith.constant 0 : i32
      %dma_wait3A_258 = tpu.memref_slice %arg4[%add3A_101, %dma_wait3A_257] : memref<16384x512xf32, #tpu.memory_space<hbm>> -> memref<64x512xf32, #tpu.memory_space<hbm>>
      %dma_wait3A_259 = arith.constant 0 : i32
      %dma_wait3A_260 = arith.constant 0 : i32
      %dma_wait3A_261 = tpu.memref_slice %arg6[%run_scoped3A_102, %dma_wait3A_259, %dma_wait3A_260] : memref<2x64x512xf32, #tpu.memory_space<vmem>> -> memref<1x64x512xf32, #tpu.memory_space<vmem>>
      %dma_wait3A_262 = tpu.memref_squeeze %dma_wait3A_261 : memref<1x64x512xf32, #tpu.memory_space<vmem>> -> memref<64x512xf32, #tpu.memory_space<vmem>>
      tpu.wait_dma2 semaphore(%run_scoped3A_238 : memref<!tpu.dma_semaphore, #tpu.memory_space<semaphore_mem>>) src(%dma_wait3A_262 : memref<64x512xf32, #tpu.memory_space<vmem>>) dst(%dma_wait3A_258 : memref<64x512xf32, #tpu.memory_space<hbm>>)
      tpu.yield
    }) : () -> ()
    %add3A_103 = arith.constant 256 : i32
    %add3A_104 = arith.addi %mul3A_2, %add3A_103 : i32
    %run_scoped3A_105 = arith.constant 0 : i32
    "tpu.region"() ({
      %run_scoped3A_238 = tpu.sem_alloc : memref<!tpu.dma_semaphore, #tpu.memory_space<semaphore_mem>>
      %dma_start3A_239 = arith.constant 0 : i32
      %dma_start3A_240 = tpu.memref_slice %arg5[%run_scoped3A_105, %dma_start3A_239] : memref<2x64xi32, #tpu.memory_space<vmem>> -> memref<1x64xi32, #tpu.memory_space<vmem>>
      %dma_start3A_241 = tpu.memref_squeeze %dma_start3A_240 : memref<1x64xi32, #tpu.memory_space<vmem>> -> memref<64xi32, #tpu.memory_space<vmem>>
      %dma_start3A_242 = tpu.memref_slice %arg3[%add3A_104] : memref<16384xi32, #tpu.memory_space<hbm>> -> memref<64xi32, #tpu.memory_space<hbm>>
      %dma_start3A_243 = arith.constant 0 : i32
      %dma_start3A_244 = tpu.memref_slice %arg5[%run_scoped3A_105, %dma_start3A_243] : memref<2x64xi32, #tpu.memory_space<vmem>> -> memref<1x64xi32, #tpu.memory_space<vmem>>
      %dma_start3A_245 = tpu.memref_squeeze %dma_start3A_244 : memref<1x64xi32, #tpu.memory_space<vmem>> -> memref<64xi32, #tpu.memory_space<vmem>>
      %dma_start3A_246 = tpu.memref_slice %arg3[%add3A_104] : memref<16384xi32, #tpu.memory_space<hbm>> -> memref<64xi32, #tpu.memory_space<hbm>>
      tpu.enqueue_dma source(%dma_start3A_246 : memref<64xi32, #tpu.memory_space<hbm>>) target(%dma_start3A_245 : memref<64xi32, #tpu.memory_space<vmem>>) target_semaphore(%run_scoped3A_238 : memref<!tpu.dma_semaphore, #tpu.memory_space<semaphore_mem>>)
      %dma_wait3A_247 = arith.constant 0 : i32
      %dma_wait3A_248 = tpu.memref_slice %arg5[%run_scoped3A_105, %dma_wait3A_247] : memref<2x64xi32, #tpu.memory_space<vmem>> -> memref<1x64xi32, #tpu.memory_space<vmem>>
      %dma_wait3A_249 = tpu.memref_squeeze %dma_wait3A_248 : memref<1x64xi32, #tpu.memory_space<vmem>> -> memref<64xi32, #tpu.memory_space<vmem>>
      %dma_wait3A_250 = tpu.memref_slice %arg3[%add3A_104] : memref<16384xi32, #tpu.memory_space<hbm>> -> memref<64xi32, #tpu.memory_space<hbm>>
      %dma_wait3A_251 = arith.constant 0 : i32
      %dma_wait3A_252 = tpu.memref_slice %arg5[%run_scoped3A_105, %dma_wait3A_251] : memref<2x64xi32, #tpu.memory_space<vmem>> -> memref<1x64xi32, #tpu.memory_space<vmem>>
      %dma_wait3A_253 = tpu.memref_squeeze %dma_wait3A_252 : memref<1x64xi32, #tpu.memory_space<vmem>> -> memref<64xi32, #tpu.memory_space<vmem>>
      %dma_wait3A_254 = tpu.memref_slice %arg3[%add3A_104] : memref<16384xi32, #tpu.memory_space<hbm>> -> memref<64xi32, #tpu.memory_space<hbm>>
      tpu.wait_dma2 semaphore(%run_scoped3A_238 : memref<!tpu.dma_semaphore, #tpu.memory_space<semaphore_mem>>) src(%dma_wait3A_254 : memref<64xi32, #tpu.memory_space<hbm>>) dst(%dma_wait3A_253 : memref<64xi32, #tpu.memory_space<vmem>>)
      tpu.yield
    }) : () -> ()
    %dma_start3A_106 = arith.constant 0 : i32
    %dma_start3A_107 = arith.constant 0 : i32
    %dma_start3A_108 = arith.constant 0 : i32
    %dma_start3A_109 = arith.constant 0 : i32
    %dma_start3A_110 = tpu.memref_slice %arg6[%dma_start3A_107, %dma_start3A_108, %dma_start3A_109] : memref<2x64x512xf32, #tpu.memory_space<vmem>> -> memref<1x64x512xf32, #tpu.memory_space<vmem>>
    %dma_start3A_111 = tpu.memref_squeeze %dma_start3A_110 : memref<1x64x512xf32, #tpu.memory_space<vmem>> -> memref<64x512xf32, #tpu.memory_space<vmem>>
    %dma_start3A_112 = arith.constant 0 : i32
    %dma_start3A_113 = tpu.memref_slice %arg5[%dma_start3A_106, %dma_start3A_112] : memref<2x64xi32, #tpu.memory_space<vmem>> -> memref<1x64xi32, #tpu.memory_space<vmem>>
    %dma_start3A_114 = tpu.memref_squeeze %dma_start3A_113 : memref<1x64xi32, #tpu.memory_space<vmem>> -> memref<64xi32, #tpu.memory_space<vmem>>
    %dma_start3A_115 = arith.constant 0 : i32
    %dma_start3A_116 = arith.constant 0 : i32
    %dma_start3A_117 = tpu.memref_slice %arg2[%dma_start3A_115, %dma_start3A_116] : memref<8192x512xf32, #tpu.memory_space<hbm>> -> memref<8192x512xf32, #tpu.memory_space<hbm>>
    tpu.enqueue_indirect_dma source(%dma_start3A_117 : memref<8192x512xf32, #tpu.memory_space<hbm>>) target(%dma_start3A_111 : memref<64x512xf32, #tpu.memory_space<vmem>>) offsets(%dma_start3A_114 : memref<64xi32, #tpu.memory_space<vmem>>) semaphore(%arg7 : memref<!tpu.dma_semaphore, #tpu.memory_space<semaphore_mem>>)
    %dma_wait3A_118 = arith.constant 1 : i32
    %dma_wait3A_119 = arith.constant 1 : i32
    %dma_wait3A_120 = arith.constant 0 : i32
    %dma_wait3A_121 = arith.constant 0 : i32
    %dma_wait3A_122 = tpu.memref_slice %arg6[%dma_wait3A_119, %dma_wait3A_120, %dma_wait3A_121] : memref<2x64x512xf32, #tpu.memory_space<vmem>> -> memref<1x64x512xf32, #tpu.memory_space<vmem>>
    %dma_wait3A_123 = tpu.memref_squeeze %dma_wait3A_122 : memref<1x64x512xf32, #tpu.memory_space<vmem>> -> memref<64x512xf32, #tpu.memory_space<vmem>>
    %dma_wait3A_124 = arith.constant 0 : i32
    %dma_wait3A_125 = tpu.memref_slice %arg5[%dma_wait3A_118, %dma_wait3A_124] : memref<2x64xi32, #tpu.memory_space<vmem>> -> memref<1x64xi32, #tpu.memory_space<vmem>>
    %dma_wait3A_126 = tpu.memref_squeeze %dma_wait3A_125 : memref<1x64xi32, #tpu.memory_space<vmem>> -> memref<64xi32, #tpu.memory_space<vmem>>
    %dma_wait3A_127 = arith.constant 0 : i32
    %dma_wait3A_128 = arith.constant 0 : i32
    %dma_wait3A_129 = tpu.memref_slice %arg2[%dma_wait3A_127, %dma_wait3A_128] : memref<8192x512xf32, #tpu.memory_space<hbm>> -> memref<8192x512xf32, #tpu.memory_space<hbm>>
    tpu.wait_indirect_dma semaphore(%arg8 : memref<!tpu.dma_semaphore, #tpu.memory_space<semaphore_mem>>) src(%dma_wait3A_129 : memref<8192x512xf32, #tpu.memory_space<hbm>>) dst(%dma_wait3A_123 : memref<64x512xf32, #tpu.memory_space<vmem>>)
    %add3A_130 = arith.constant 192 : i32
    %add3A_131 = arith.addi %mul3A_2, %add3A_130 : i32
    %run_scoped3A_132 = arith.constant 1 : i32
    "tpu.region"() ({
      %run_scoped3A_238 = tpu.sem_alloc : memref<!tpu.dma_semaphore, #tpu.memory_space<semaphore_mem>>
      %dma_start3A_239 = arith.constant 0 : i32
      %dma_start3A_240 = arith.constant 0 : i32
      %dma_start3A_241 = tpu.memref_slice %arg6[%run_scoped3A_132, %dma_start3A_239, %dma_start3A_240] : memref<2x64x512xf32, #tpu.memory_space<vmem>> -> memref<1x64x512xf32, #tpu.memory_space<vmem>>
      %dma_start3A_242 = tpu.memref_squeeze %dma_start3A_241 : memref<1x64x512xf32, #tpu.memory_space<vmem>> -> memref<64x512xf32, #tpu.memory_space<vmem>>
      %dma_start3A_243 = arith.constant 0 : i32
      %dma_start3A_244 = tpu.memref_slice %arg4[%add3A_131, %dma_start3A_243] : memref<16384x512xf32, #tpu.memory_space<hbm>> -> memref<64x512xf32, #tpu.memory_space<hbm>>
      %dma_start3A_245 = arith.constant 0 : i32
      %dma_start3A_246 = tpu.memref_slice %arg4[%add3A_131, %dma_start3A_245] : memref<16384x512xf32, #tpu.memory_space<hbm>> -> memref<64x512xf32, #tpu.memory_space<hbm>>
      %dma_start3A_247 = arith.constant 0 : i32
      %dma_start3A_248 = arith.constant 0 : i32
      %dma_start3A_249 = tpu.memref_slice %arg6[%run_scoped3A_132, %dma_start3A_247, %dma_start3A_248] : memref<2x64x512xf32, #tpu.memory_space<vmem>> -> memref<1x64x512xf32, #tpu.memory_space<vmem>>
      %dma_start3A_250 = tpu.memref_squeeze %dma_start3A_249 : memref<1x64x512xf32, #tpu.memory_space<vmem>> -> memref<64x512xf32, #tpu.memory_space<vmem>>
      tpu.enqueue_dma source(%dma_start3A_250 : memref<64x512xf32, #tpu.memory_space<vmem>>) target(%dma_start3A_246 : memref<64x512xf32, #tpu.memory_space<hbm>>) target_semaphore(%run_scoped3A_238 : memref<!tpu.dma_semaphore, #tpu.memory_space<semaphore_mem>>)
      %dma_wait3A_251 = arith.constant 0 : i32
      %dma_wait3A_252 = arith.constant 0 : i32
      %dma_wait3A_253 = tpu.memref_slice %arg6[%run_scoped3A_132, %dma_wait3A_251, %dma_wait3A_252] : memref<2x64x512xf32, #tpu.memory_space<vmem>> -> memref<1x64x512xf32, #tpu.memory_space<vmem>>
      %dma_wait3A_254 = tpu.memref_squeeze %dma_wait3A_253 : memref<1x64x512xf32, #tpu.memory_space<vmem>> -> memref<64x512xf32, #tpu.memory_space<vmem>>
      %dma_wait3A_255 = arith.constant 0 : i32
      %dma_wait3A_256 = tpu.memref_slice %arg4[%add3A_131, %dma_wait3A_255] : memref<16384x512xf32, #tpu.memory_space<hbm>> -> memref<64x512xf32, #tpu.memory_space<hbm>>
      %dma_wait3A_257 = arith.constant 0 : i32
      %dma_wait3A_258 = tpu.memref_slice %arg4[%add3A_131, %dma_wait3A_257] : memref<16384x512xf32, #tpu.memory_space<hbm>> -> memref<64x512xf32, #tpu.memory_space<hbm>>
      %dma_wait3A_259 = arith.constant 0 : i32
      %dma_wait3A_260 = arith.constant 0 : i32
      %dma_wait3A_261 = tpu.memref_slice %arg6[%run_scoped3A_132, %dma_wait3A_259, %dma_wait3A_260] : memref<2x64x512xf32, #tpu.memory_space<vmem>> -> memref<1x64x512xf32, #tpu.memory_space<vmem>>
      %dma_wait3A_262 = tpu.memref_squeeze %dma_wait3A_261 : memref<1x64x512xf32, #tpu.memory_space<vmem>> -> memref<64x512xf32, #tpu.memory_space<vmem>>
      tpu.wait_dma2 semaphore(%run_scoped3A_238 : memref<!tpu.dma_semaphore, #tpu.memory_space<semaphore_mem>>) src(%dma_wait3A_262 : memref<64x512xf32, #tpu.memory_space<vmem>>) dst(%dma_wait3A_258 : memref<64x512xf32, #tpu.memory_space<hbm>>)
      tpu.yield
    }) : () -> ()
    %add3A_133 = arith.constant 320 : i32
    %add3A_134 = arith.addi %mul3A_2, %add3A_133 : i32
    %run_scoped3A_135 = arith.constant 1 : i32
    "tpu.region"() ({
      %run_scoped3A_238 = tpu.sem_alloc : memref<!tpu.dma_semaphore, #tpu.memory_space<semaphore_mem>>
      %dma_start3A_239 = arith.constant 0 : i32
      %dma_start3A_240 = tpu.memref_slice %arg5[%run_scoped3A_135, %dma_start3A_239] : memref<2x64xi32, #tpu.memory_space<vmem>> -> memref<1x64xi32, #tpu.memory_space<vmem>>
      %dma_start3A_241 = tpu.memref_squeeze %dma_start3A_240 : memref<1x64xi32, #tpu.memory_space<vmem>> -> memref<64xi32, #tpu.memory_space<vmem>>
      %dma_start3A_242 = tpu.memref_slice %arg3[%add3A_134] : memref<16384xi32, #tpu.memory_space<hbm>> -> memref<64xi32, #tpu.memory_space<hbm>>
      %dma_start3A_243 = arith.constant 0 : i32
      %dma_start3A_244 = tpu.memref_slice %arg5[%run_scoped3A_135, %dma_start3A_243] : memref<2x64xi32, #tpu.memory_space<vmem>> -> memref<1x64xi32, #tpu.memory_space<vmem>>
      %dma_start3A_245 = tpu.memref_squeeze %dma_start3A_244 : memref<1x64xi32, #tpu.memory_space<vmem>> -> memref<64xi32, #tpu.memory_space<vmem>>
      %dma_start3A_246 = tpu.memref_slice %arg3[%add3A_134] : memref<16384xi32, #tpu.memory_space<hbm>> -> memref<64xi32, #tpu.memory_space<hbm>>
      tpu.enqueue_dma source(%dma_start3A_246 : memref<64xi32, #tpu.memory_space<hbm>>) target(%dma_start3A_245 : memref<64xi32, #tpu.memory_space<vmem>>) target_semaphore(%run_scoped3A_238 : memref<!tpu.dma_semaphore, #tpu.memory_space<semaphore_mem>>)
      %dma_wait3A_247 = arith.constant 0 : i32
      %dma_wait3A_248 = tpu.memref_slice %arg5[%run_scoped3A_135, %dma_wait3A_247] : memref<2x64xi32, #tpu.memory_space<vmem>> -> memref<1x64xi32, #tpu.memory_space<vmem>>
      %dma_wait3A_249 = tpu.memref_squeeze %dma_wait3A_248 : memref<1x64xi32, #tpu.memory_space<vmem>> -> memref<64xi32, #tpu.memory_space<vmem>>
      %dma_wait3A_250 = tpu.memref_slice %arg3[%add3A_134] : memref<16384xi32, #tpu.memory_space<hbm>> -> memref<64xi32, #tpu.memory_space<hbm>>
      %dma_wait3A_251 = arith.constant 0 : i32
      %dma_wait3A_252 = tpu.memref_slice %arg5[%run_scoped3A_135, %dma_wait3A_251] : memref<2x64xi32, #tpu.memory_space<vmem>> -> memref<1x64xi32, #tpu.memory_space<vmem>>
      %dma_wait3A_253 = tpu.memref_squeeze %dma_wait3A_252 : memref<1x64xi32, #tpu.memory_space<vmem>> -> memref<64xi32, #tpu.memory_space<vmem>>
      %dma_wait3A_254 = tpu.memref_slice %arg3[%add3A_134] : memref<16384xi32, #tpu.memory_space<hbm>> -> memref<64xi32, #tpu.memory_space<hbm>>
      tpu.wait_dma2 semaphore(%run_scoped3A_238 : memref<!tpu.dma_semaphore, #tpu.memory_space<semaphore_mem>>) src(%dma_wait3A_254 : memref<64xi32, #tpu.memory_space<hbm>>) dst(%dma_wait3A_253 : memref<64xi32, #tpu.memory_space<vmem>>)
      tpu.yield
    }) : () -> ()
    %dma_start3A_136 = arith.constant 1 : i32
    %dma_start3A_137 = arith.constant 1 : i32
    %dma_start3A_138 = arith.constant 0 : i32
    %dma_start3A_139 = arith.constant 0 : i32
    %dma_start3A_140 = tpu.memref_slice %arg6[%dma_start3A_137, %dma_start3A_138, %dma_start3A_139] : memref<2x64x512xf32, #tpu.memory_space<vmem>> -> memref<1x64x512xf32, #tpu.memory_space<vmem>>
    %dma_start3A_141 = tpu.memref_squeeze %dma_start3A_140 : memref<1x64x512xf32, #tpu.memory_space<vmem>> -> memref<64x512xf32, #tpu.memory_space<vmem>>
    %dma_start3A_142 = arith.constant 0 : i32
    %dma_start3A_143 = tpu.memref_slice %arg5[%dma_start3A_136, %dma_start3A_142] : memref<2x64xi32, #tpu.memory_space<vmem>> -> memref<1x64xi32, #tpu.memory_space<vmem>>
    %dma_start3A_144 = tpu.memref_squeeze %dma_start3A_143 : memref<1x64xi32, #tpu.memory_space<vmem>> -> memref<64xi32, #tpu.memory_space<vmem>>
    %dma_start3A_145 = arith.constant 0 : i32
    %dma_start3A_146 = arith.constant 0 : i32
    %dma_start3A_147 = tpu.memref_slice %arg2[%dma_start3A_145, %dma_start3A_146] : memref<8192x512xf32, #tpu.memory_space<hbm>> -> memref<8192x512xf32, #tpu.memory_space<hbm>>
    tpu.enqueue_indirect_dma source(%dma_start3A_147 : memref<8192x512xf32, #tpu.memory_space<hbm>>) target(%dma_start3A_141 : memref<64x512xf32, #tpu.memory_space<vmem>>) offsets(%dma_start3A_144 : memref<64xi32, #tpu.memory_space<vmem>>) semaphore(%arg8 : memref<!tpu.dma_semaphore, #tpu.memory_space<semaphore_mem>>)
    %dma_wait3A_148 = arith.constant 0 : i32
    %dma_wait3A_149 = arith.constant 0 : i32
    %dma_wait3A_150 = arith.constant 0 : i32
    %dma_wait3A_151 = arith.constant 0 : i32
    %dma_wait3A_152 = tpu.memref_slice %arg6[%dma_wait3A_149, %dma_wait3A_150, %dma_wait3A_151] : memref<2x64x512xf32, #tpu.memory_space<vmem>> -> memref<1x64x512xf32, #tpu.memory_space<vmem>>
    %dma_wait3A_153 = tpu.memref_squeeze %dma_wait3A_152 : memref<1x64x512xf32, #tpu.memory_space<vmem>> -> memref<64x512xf32, #tpu.memory_space<vmem>>
    %dma_wait3A_154 = arith.constant 0 : i32
    %dma_wait3A_155 = tpu.memref_slice %arg5[%dma_wait3A_148, %dma_wait3A_154] : memref<2x64xi32, #tpu.memory_space<vmem>> -> memref<1x64xi32, #tpu.memory_space<vmem>>
    %dma_wait3A_156 = tpu.memref_squeeze %dma_wait3A_155 : memref<1x64xi32, #tpu.memory_space<vmem>> -> memref<64xi32, #tpu.memory_space<vmem>>
    %dma_wait3A_157 = arith.constant 0 : i32
    %dma_wait3A_158 = arith.constant 0 : i32
    %dma_wait3A_159 = tpu.memref_slice %arg2[%dma_wait3A_157, %dma_wait3A_158] : memref<8192x512xf32, #tpu.memory_space<hbm>> -> memref<8192x512xf32, #tpu.memory_space<hbm>>
    tpu.wait_indirect_dma semaphore(%arg7 : memref<!tpu.dma_semaphore, #tpu.memory_space<semaphore_mem>>) src(%dma_wait3A_159 : memref<8192x512xf32, #tpu.memory_space<hbm>>) dst(%dma_wait3A_153 : memref<64x512xf32, #tpu.memory_space<vmem>>)
    %add3A_160 = arith.constant 256 : i32
    %add3A_161 = arith.addi %mul3A_2, %add3A_160 : i32
    %run_scoped3A_162 = arith.constant 0 : i32
    "tpu.region"() ({
      %run_scoped3A_238 = tpu.sem_alloc : memref<!tpu.dma_semaphore, #tpu.memory_space<semaphore_mem>>
      %dma_start3A_239 = arith.constant 0 : i32
      %dma_start3A_240 = arith.constant 0 : i32
      %dma_start3A_241 = tpu.memref_slice %arg6[%run_scoped3A_162, %dma_start3A_239, %dma_start3A_240] : memref<2x64x512xf32, #tpu.memory_space<vmem>> -> memref<1x64x512xf32, #tpu.memory_space<vmem>>
      %dma_start3A_242 = tpu.memref_squeeze %dma_start3A_241 : memref<1x64x512xf32, #tpu.memory_space<vmem>> -> memref<64x512xf32, #tpu.memory_space<vmem>>
      %dma_start3A_243 = arith.constant 0 : i32
      %dma_start3A_244 = tpu.memref_slice %arg4[%add3A_161, %dma_start3A_243] : memref<16384x512xf32, #tpu.memory_space<hbm>> -> memref<64x512xf32, #tpu.memory_space<hbm>>
      %dma_start3A_245 = arith.constant 0 : i32
      %dma_start3A_246 = tpu.memref_slice %arg4[%add3A_161, %dma_start3A_245] : memref<16384x512xf32, #tpu.memory_space<hbm>> -> memref<64x512xf32, #tpu.memory_space<hbm>>
      %dma_start3A_247 = arith.constant 0 : i32
      %dma_start3A_248 = arith.constant 0 : i32
      %dma_start3A_249 = tpu.memref_slice %arg6[%run_scoped3A_162, %dma_start3A_247, %dma_start3A_248] : memref<2x64x512xf32, #tpu.memory_space<vmem>> -> memref<1x64x512xf32, #tpu.memory_space<vmem>>
      %dma_start3A_250 = tpu.memref_squeeze %dma_start3A_249 : memref<1x64x512xf32, #tpu.memory_space<vmem>> -> memref<64x512xf32, #tpu.memory_space<vmem>>
      tpu.enqueue_dma source(%dma_start3A_250 : memref<64x512xf32, #tpu.memory_space<vmem>>) target(%dma_start3A_246 : memref<64x512xf32, #tpu.memory_space<hbm>>) target_semaphore(%run_scoped3A_238 : memref<!tpu.dma_semaphore, #tpu.memory_space<semaphore_mem>>)
      %dma_wait3A_251 = arith.constant 0 : i32
      %dma_wait3A_252 = arith.constant 0 : i32
      %dma_wait3A_253 = tpu.memref_slice %arg6[%run_scoped3A_162, %dma_wait3A_251, %dma_wait3A_252] : memref<2x64x512xf32, #tpu.memory_space<vmem>> -> memref<1x64x512xf32, #tpu.memory_space<vmem>>
      %dma_wait3A_254 = tpu.memref_squeeze %dma_wait3A_253 : memref<1x64x512xf32, #tpu.memory_space<vmem>> -> memref<64x512xf32, #tpu.memory_space<vmem>>
      %dma_wait3A_255 = arith.constant 0 : i32
      %dma_wait3A_256 = tpu.memref_slice %arg4[%add3A_161, %dma_wait3A_255] : memref<16384x512xf32, #tpu.memory_space<hbm>> -> memref<64x512xf32, #tpu.memory_space<hbm>>
      %dma_wait3A_257 = arith.constant 0 : i32
      %dma_wait3A_258 = tpu.memref_slice %arg4[%add3A_161, %dma_wait3A_257] : memref<16384x512xf32, #tpu.memory_space<hbm>> -> memref<64x512xf32, #tpu.memory_space<hbm>>
      %dma_wait3A_259 = arith.constant 0 : i32
      %dma_wait3A_260 = arith.constant 0 : i32
      %dma_wait3A_261 = tpu.memref_slice %arg6[%run_scoped3A_162, %dma_wait3A_259, %dma_wait3A_260] : memref<2x64x512xf32, #tpu.memory_space<vmem>> -> memref<1x64x512xf32, #tpu.memory_space<vmem>>
      %dma_wait3A_262 = tpu.memref_squeeze %dma_wait3A_261 : memref<1x64x512xf32, #tpu.memory_space<vmem>> -> memref<64x512xf32, #tpu.memory_space<vmem>>
      tpu.wait_dma2 semaphore(%run_scoped3A_238 : memref<!tpu.dma_semaphore, #tpu.memory_space<semaphore_mem>>) src(%dma_wait3A_262 : memref<64x512xf32, #tpu.memory_space<vmem>>) dst(%dma_wait3A_258 : memref<64x512xf32, #tpu.memory_space<hbm>>)
      tpu.yield
    }) : () -> ()
    %add3A_163 = arith.constant 384 : i32
    %add3A_164 = arith.addi %mul3A_2, %add3A_163 : i32
    %run_scoped3A_165 = arith.constant 0 : i32
    "tpu.region"() ({
      %run_scoped3A_238 = tpu.sem_alloc : memref<!tpu.dma_semaphore, #tpu.memory_space<semaphore_mem>>
      %dma_start3A_239 = arith.constant 0 : i32
      %dma_start3A_240 = tpu.memref_slice %arg5[%run_scoped3A_165, %dma_start3A_239] : memref<2x64xi32, #tpu.memory_space<vmem>> -> memref<1x64xi32, #tpu.memory_space<vmem>>
      %dma_start3A_241 = tpu.memref_squeeze %dma_start3A_240 : memref<1x64xi32, #tpu.memory_space<vmem>> -> memref<64xi32, #tpu.memory_space<vmem>>
      %dma_start3A_242 = tpu.memref_slice %arg3[%add3A_164] : memref<16384xi32, #tpu.memory_space<hbm>> -> memref<64xi32, #tpu.memory_space<hbm>>
      %dma_start3A_243 = arith.constant 0 : i32
      %dma_start3A_244 = tpu.memref_slice %arg5[%run_scoped3A_165, %dma_start3A_243] : memref<2x64xi32, #tpu.memory_space<vmem>> -> memref<1x64xi32, #tpu.memory_space<vmem>>
      %dma_start3A_245 = tpu.memref_squeeze %dma_start3A_244 : memref<1x64xi32, #tpu.memory_space<vmem>> -> memref<64xi32, #tpu.memory_space<vmem>>
      %dma_start3A_246 = tpu.memref_slice %arg3[%add3A_164] : memref<16384xi32, #tpu.memory_space<hbm>> -> memref<64xi32, #tpu.memory_space<hbm>>
      tpu.enqueue_dma source(%dma_start3A_246 : memref<64xi32, #tpu.memory_space<hbm>>) target(%dma_start3A_245 : memref<64xi32, #tpu.memory_space<vmem>>) target_semaphore(%run_scoped3A_238 : memref<!tpu.dma_semaphore, #tpu.memory_space<semaphore_mem>>)
      %dma_wait3A_247 = arith.constant 0 : i32
      %dma_wait3A_248 = tpu.memref_slice %arg5[%run_scoped3A_165, %dma_wait3A_247] : memref<2x64xi32, #tpu.memory_space<vmem>> -> memref<1x64xi32, #tpu.memory_space<vmem>>
      %dma_wait3A_249 = tpu.memref_squeeze %dma_wait3A_248 : memref<1x64xi32, #tpu.memory_space<vmem>> -> memref<64xi32, #tpu.memory_space<vmem>>
      %dma_wait3A_250 = tpu.memref_slice %arg3[%add3A_164] : memref<16384xi32, #tpu.memory_space<hbm>> -> memref<64xi32, #tpu.memory_space<hbm>>
      %dma_wait3A_251 = arith.constant 0 : i32
      %dma_wait3A_252 = tpu.memref_slice %arg5[%run_scoped3A_165, %dma_wait3A_251] : memref<2x64xi32, #tpu.memory_space<vmem>> -> memref<1x64xi32, #tpu.memory_space<vmem>>
      %dma_wait3A_253 = tpu.memref_squeeze %dma_wait3A_252 : memref<1x64xi32, #tpu.memory_space<vmem>> -> memref<64xi32, #tpu.memory_space<vmem>>
      %dma_wait3A_254 = tpu.memref_slice %arg3[%add3A_164] : memref<16384xi32, #tpu.memory_space<hbm>> -> memref<64xi32, #tpu.memory_space<hbm>>
      tpu.wait_dma2 semaphore(%run_scoped3A_238 : memref<!tpu.dma_semaphore, #tpu.memory_space<semaphore_mem>>) src(%dma_wait3A_254 : memref<64xi32, #tpu.memory_space<hbm>>) dst(%dma_wait3A_253 : memref<64xi32, #tpu.memory_space<vmem>>)
      tpu.yield
    }) : () -> ()
    %dma_start3A_166 = arith.constant 0 : i32
    %dma_start3A_167 = arith.constant 0 : i32
    %dma_start3A_168 = arith.constant 0 : i32
    %dma_start3A_169 = arith.constant 0 : i32
    %dma_start3A_170 = tpu.memref_slice %arg6[%dma_start3A_167, %dma_start3A_168, %dma_start3A_169] : memref<2x64x512xf32, #tpu.memory_space<vmem>> -> memref<1x64x512xf32, #tpu.memory_space<vmem>>
    %dma_start3A_171 = tpu.memref_squeeze %dma_start3A_170 : memref<1x64x512xf32, #tpu.memory_space<vmem>> -> memref<64x512xf32, #tpu.memory_space<vmem>>
    %dma_start3A_172 = arith.constant 0 : i32
    %dma_start3A_173 = tpu.memref_slice %arg5[%dma_start3A_166, %dma_start3A_172] : memref<2x64xi32, #tpu.memory_space<vmem>> -> memref<1x64xi32, #tpu.memory_space<vmem>>
    %dma_start3A_174 = tpu.memref_squeeze %dma_start3A_173 : memref<1x64xi32, #tpu.memory_space<vmem>> -> memref<64xi32, #tpu.memory_space<vmem>>
    %dma_start3A_175 = arith.constant 0 : i32
    %dma_start3A_176 = arith.constant 0 : i32
    %dma_start3A_177 = tpu.memref_slice %arg2[%dma_start3A_175, %dma_start3A_176] : memref<8192x512xf32, #tpu.memory_space<hbm>> -> memref<8192x512xf32, #tpu.memory_space<hbm>>
    tpu.enqueue_indirect_dma source(%dma_start3A_177 : memref<8192x512xf32, #tpu.memory_space<hbm>>) target(%dma_start3A_171 : memref<64x512xf32, #tpu.memory_space<vmem>>) offsets(%dma_start3A_174 : memref<64xi32, #tpu.memory_space<vmem>>) semaphore(%arg7 : memref<!tpu.dma_semaphore, #tpu.memory_space<semaphore_mem>>)
    %dma_wait3A_178 = arith.constant 1 : i32
    %dma_wait3A_179 = arith.constant 1 : i32
    %dma_wait3A_180 = arith.constant 0 : i32
    %dma_wait3A_181 = arith.constant 0 : i32
    %dma_wait3A_182 = tpu.memref_slice %arg6[%dma_wait3A_179, %dma_wait3A_180, %dma_wait3A_181] : memref<2x64x512xf32, #tpu.memory_space<vmem>> -> memref<1x64x512xf32, #tpu.memory_space<vmem>>
    %dma_wait3A_183 = tpu.memref_squeeze %dma_wait3A_182 : memref<1x64x512xf32, #tpu.memory_space<vmem>> -> memref<64x512xf32, #tpu.memory_space<vmem>>
    %dma_wait3A_184 = arith.constant 0 : i32
    %dma_wait3A_185 = tpu.memref_slice %arg5[%dma_wait3A_178, %dma_wait3A_184] : memref<2x64xi32, #tpu.memory_space<vmem>> -> memref<1x64xi32, #tpu.memory_space<vmem>>
    %dma_wait3A_186 = tpu.memref_squeeze %dma_wait3A_185 : memref<1x64xi32, #tpu.memory_space<vmem>> -> memref<64xi32, #tpu.memory_space<vmem>>
    %dma_wait3A_187 = arith.constant 0 : i32
    %dma_wait3A_188 = arith.constant 0 : i32
    %dma_wait3A_189 = tpu.memref_slice %arg2[%dma_wait3A_187, %dma_wait3A_188] : memref<8192x512xf32, #tpu.memory_space<hbm>> -> memref<8192x512xf32, #tpu.memory_space<hbm>>
    tpu.wait_indirect_dma semaphore(%arg8 : memref<!tpu.dma_semaphore, #tpu.memory_space<semaphore_mem>>) src(%dma_wait3A_189 : memref<8192x512xf32, #tpu.memory_space<hbm>>) dst(%dma_wait3A_183 : memref<64x512xf32, #tpu.memory_space<vmem>>)
    %add3A_190 = arith.constant 320 : i32
    %add3A_191 = arith.addi %mul3A_2, %add3A_190 : i32
    %run_scoped3A_192 = arith.constant 1 : i32
    "tpu.region"() ({
      %run_scoped3A_238 = tpu.sem_alloc : memref<!tpu.dma_semaphore, #tpu.memory_space<semaphore_mem>>
      %dma_start3A_239 = arith.constant 0 : i32
      %dma_start3A_240 = arith.constant 0 : i32
      %dma_start3A_241 = tpu.memref_slice %arg6[%run_scoped3A_192, %dma_start3A_239, %dma_start3A_240] : memref<2x64x512xf32, #tpu.memory_space<vmem>> -> memref<1x64x512xf32, #tpu.memory_space<vmem>>
      %dma_start3A_242 = tpu.memref_squeeze %dma_start3A_241 : memref<1x64x512xf32, #tpu.memory_space<vmem>> -> memref<64x512xf32, #tpu.memory_space<vmem>>
      %dma_start3A_243 = arith.constant 0 : i32
      %dma_start3A_244 = tpu.memref_slice %arg4[%add3A_191, %dma_start3A_243] : memref<16384x512xf32, #tpu.memory_space<hbm>> -> memref<64x512xf32, #tpu.memory_space<hbm>>
      %dma_start3A_245 = arith.constant 0 : i32
      %dma_start3A_246 = tpu.memref_slice %arg4[%add3A_191, %dma_start3A_245] : memref<16384x512xf32, #tpu.memory_space<hbm>> -> memref<64x512xf32, #tpu.memory_space<hbm>>
      %dma_start3A_247 = arith.constant 0 : i32
      %dma_start3A_248 = arith.constant 0 : i32
      %dma_start3A_249 = tpu.memref_slice %arg6[%run_scoped3A_192, %dma_start3A_247, %dma_start3A_248] : memref<2x64x512xf32, #tpu.memory_space<vmem>> -> memref<1x64x512xf32, #tpu.memory_space<vmem>>
      %dma_start3A_250 = tpu.memref_squeeze %dma_start3A_249 : memref<1x64x512xf32, #tpu.memory_space<vmem>> -> memref<64x512xf32, #tpu.memory_space<vmem>>
      tpu.enqueue_dma source(%dma_start3A_250 : memref<64x512xf32, #tpu.memory_space<vmem>>) target(%dma_start3A_246 : memref<64x512xf32, #tpu.memory_space<hbm>>) target_semaphore(%run_scoped3A_238 : memref<!tpu.dma_semaphore, #tpu.memory_space<semaphore_mem>>)
      %dma_wait3A_251 = arith.constant 0 : i32
      %dma_wait3A_252 = arith.constant 0 : i32
      %dma_wait3A_253 = tpu.memref_slice %arg6[%run_scoped3A_192, %dma_wait3A_251, %dma_wait3A_252] : memref<2x64x512xf32, #tpu.memory_space<vmem>> -> memref<1x64x512xf32, #tpu.memory_space<vmem>>
      %dma_wait3A_254 = tpu.memref_squeeze %dma_wait3A_253 : memref<1x64x512xf32, #tpu.memory_space<vmem>> -> memref<64x512xf32, #tpu.memory_space<vmem>>
      %dma_wait3A_255 = arith.constant 0 : i32
      %dma_wait3A_256 = tpu.memref_slice %arg4[%add3A_191, %dma_wait3A_255] : memref<16384x512xf32, #tpu.memory_space<hbm>> -> memref<64x512xf32, #tpu.memory_space<hbm>>
      %dma_wait3A_257 = arith.constant 0 : i32
      %dma_wait3A_258 = tpu.memref_slice %arg4[%add3A_191, %dma_wait3A_257] : memref<16384x512xf32, #tpu.memory_space<hbm>> -> memref<64x512xf32, #tpu.memory_space<hbm>>
      %dma_wait3A_259 = arith.constant 0 : i32
      %dma_wait3A_260 = arith.constant 0 : i32
      %dma_wait3A_261 = tpu.memref_slice %arg6[%run_scoped3A_192, %dma_wait3A_259, %dma_wait3A_260] : memref<2x64x512xf32, #tpu.memory_space<vmem>> -> memref<1x64x512xf32, #tpu.memory_space<vmem>>
      %dma_wait3A_262 = tpu.memref_squeeze %dma_wait3A_261 : memref<1x64x512xf32, #tpu.memory_space<vmem>> -> memref<64x512xf32, #tpu.memory_space<vmem>>
      tpu.wait_dma2 semaphore(%run_scoped3A_238 : memref<!tpu.dma_semaphore, #tpu.memory_space<semaphore_mem>>) src(%dma_wait3A_262 : memref<64x512xf32, #tpu.memory_space<vmem>>) dst(%dma_wait3A_258 : memref<64x512xf32, #tpu.memory_space<hbm>>)
      tpu.yield
    }) : () -> ()
    %add3A_193 = arith.constant 448 : i32
    %add3A_194 = arith.addi %mul3A_2, %add3A_193 : i32
    %run_scoped3A_195 = arith.constant 1 : i32
    "tpu.region"() ({
      %run_scoped3A_238 = tpu.sem_alloc : memref<!tpu.dma_semaphore, #tpu.memory_space<semaphore_mem>>
      %dma_start3A_239 = arith.constant 0 : i32
      %dma_start3A_240 = tpu.memref_slice %arg5[%run_scoped3A_195, %dma_start3A_239] : memref<2x64xi32, #tpu.memory_space<vmem>> -> memref<1x64xi32, #tpu.memory_space<vmem>>
      %dma_start3A_241 = tpu.memref_squeeze %dma_start3A_240 : memref<1x64xi32, #tpu.memory_space<vmem>> -> memref<64xi32, #tpu.memory_space<vmem>>
      %dma_start3A_242 = tpu.memref_slice %arg3[%add3A_194] : memref<16384xi32, #tpu.memory_space<hbm>> -> memref<64xi32, #tpu.memory_space<hbm>>
      %dma_start3A_243 = arith.constant 0 : i32
      %dma_start3A_244 = tpu.memref_slice %arg5[%run_scoped3A_195, %dma_start3A_243] : memref<2x64xi32, #tpu.memory_space<vmem>> -> memref<1x64xi32, #tpu.memory_space<vmem>>
      %dma_start3A_245 = tpu.memref_squeeze %dma_start3A_244 : memref<1x64xi32, #tpu.memory_space<vmem>> -> memref<64xi32, #tpu.memory_space<vmem>>
      %dma_start3A_246 = tpu.memref_slice %arg3[%add3A_194] : memref<16384xi32, #tpu.memory_space<hbm>> -> memref<64xi32, #tpu.memory_space<hbm>>
      tpu.enqueue_dma source(%dma_start3A_246 : memref<64xi32, #tpu.memory_space<hbm>>) target(%dma_start3A_245 : memref<64xi32, #tpu.memory_space<vmem>>) target_semaphore(%run_scoped3A_238 : memref<!tpu.dma_semaphore, #tpu.memory_space<semaphore_mem>>)
      %dma_wait3A_247 = arith.constant 0 : i32
      %dma_wait3A_248 = tpu.memref_slice %arg5[%run_scoped3A_195, %dma_wait3A_247] : memref<2x64xi32, #tpu.memory_space<vmem>> -> memref<1x64xi32, #tpu.memory_space<vmem>>
      %dma_wait3A_249 = tpu.memref_squeeze %dma_wait3A_248 : memref<1x64xi32, #tpu.memory_space<vmem>> -> memref<64xi32, #tpu.memory_space<vmem>>
      %dma_wait3A_250 = tpu.memref_slice %arg3[%add3A_194] : memref<16384xi32, #tpu.memory_space<hbm>> -> memref<64xi32, #tpu.memory_space<hbm>>
      %dma_wait3A_251 = arith.constant 0 : i32
      %dma_wait3A_252 = tpu.memref_slice %arg5[%run_scoped3A_195, %dma_wait3A_251] : memref<2x64xi32, #tpu.memory_space<vmem>> -> memref<1x64xi32, #tpu.memory_space<vmem>>
      %dma_wait3A_253 = tpu.memref_squeeze %dma_wait3A_252 : memref<1x64xi32, #tpu.memory_space<vmem>> -> memref<64xi32, #tpu.memory_space<vmem>>
      %dma_wait3A_254 = tpu.memref_slice %arg3[%add3A_194] : memref<16384xi32, #tpu.memory_space<hbm>> -> memref<64xi32, #tpu.memory_space<hbm>>
      tpu.wait_dma2 semaphore(%run_scoped3A_238 : memref<!tpu.dma_semaphore, #tpu.memory_space<semaphore_mem>>) src(%dma_wait3A_254 : memref<64xi32, #tpu.memory_space<hbm>>) dst(%dma_wait3A_253 : memref<64xi32, #tpu.memory_space<vmem>>)
      tpu.yield
    }) : () -> ()
    %dma_start3A_196 = arith.constant 1 : i32
    %dma_start3A_197 = arith.constant 1 : i32
    %dma_start3A_198 = arith.constant 0 : i32
    %dma_start3A_199 = arith.constant 0 : i32
    %dma_start3A_200 = tpu.memref_slice %arg6[%dma_start3A_197, %dma_start3A_198, %dma_start3A_199] : memref<2x64x512xf32, #tpu.memory_space<vmem>> -> memref<1x64x512xf32, #tpu.memory_space<vmem>>
    %dma_start3A_201 = tpu.memref_squeeze %dma_start3A_200 : memref<1x64x512xf32, #tpu.memory_space<vmem>> -> memref<64x512xf32, #tpu.memory_space<vmem>>
    %dma_start3A_202 = arith.constant 0 : i32
    %dma_start3A_203 = tpu.memref_slice %arg5[%dma_start3A_196, %dma_start3A_202] : memref<2x64xi32, #tpu.memory_space<vmem>> -> memref<1x64xi32, #tpu.memory_space<vmem>>
    %dma_start3A_204 = tpu.memref_squeeze %dma_start3A_203 : memref<1x64xi32, #tpu.memory_space<vmem>> -> memref<64xi32, #tpu.memory_space<vmem>>
    %dma_start3A_205 = arith.constant 0 : i32
    %dma_start3A_206 = arith.constant 0 : i32
    %dma_start3A_207 = tpu.memref_slice %arg2[%dma_start3A_205, %dma_start3A_206] : memref<8192x512xf32, #tpu.memory_space<hbm>> -> memref<8192x512xf32, #tpu.memory_space<hbm>>
    tpu.enqueue_indirect_dma source(%dma_start3A_207 : memref<8192x512xf32, #tpu.memory_space<hbm>>) target(%dma_start3A_201 : memref<64x512xf32, #tpu.memory_space<vmem>>) offsets(%dma_start3A_204 : memref<64xi32, #tpu.memory_space<vmem>>) semaphore(%arg8 : memref<!tpu.dma_semaphore, #tpu.memory_space<semaphore_mem>>)
    %dma_wait3A_208 = arith.constant 0 : i32
    %dma_wait3A_209 = arith.constant 0 : i32
    %dma_wait3A_210 = arith.constant 0 : i32
    %dma_wait3A_211 = arith.constant 0 : i32
    %dma_wait3A_212 = tpu.memref_slice %arg6[%dma_wait3A_209, %dma_wait3A_210, %dma_wait3A_211] : memref<2x64x512xf32, #tpu.memory_space<vmem>> -> memref<1x64x512xf32, #tpu.memory_space<vmem>>
    %dma_wait3A_213 = tpu.memref_squeeze %dma_wait3A_212 : memref<1x64x512xf32, #tpu.memory_space<vmem>> -> memref<64x512xf32, #tpu.memory_space<vmem>>
    %dma_wait3A_214 = arith.constant 0 : i32
    %dma_wait3A_215 = tpu.memref_slice %arg5[%dma_wait3A_208, %dma_wait3A_214] : memref<2x64xi32, #tpu.memory_space<vmem>> -> memref<1x64xi32, #tpu.memory_space<vmem>>
    %dma_wait3A_216 = tpu.memref_squeeze %dma_wait3A_215 : memref<1x64xi32, #tpu.memory_space<vmem>> -> memref<64xi32, #tpu.memory_space<vmem>>
    %dma_wait3A_217 = arith.constant 0 : i32
    %dma_wait3A_218 = arith.constant 0 : i32
    %dma_wait3A_219 = tpu.memref_slice %arg2[%dma_wait3A_217, %dma_wait3A_218] : memref<8192x512xf32, #tpu.memory_space<hbm>> -> memref<8192x512xf32, #tpu.memory_space<hbm>>
    tpu.wait_indirect_dma semaphore(%arg7 : memref<!tpu.dma_semaphore, #tpu.memory_space<semaphore_mem>>) src(%dma_wait3A_219 : memref<8192x512xf32, #tpu.memory_space<hbm>>) dst(%dma_wait3A_213 : memref<64x512xf32, #tpu.memory_space<vmem>>)
    %add3A_220 = arith.constant 384 : i32
    %add3A_221 = arith.addi %mul3A_2, %add3A_220 : i32
    %run_scoped3A_222 = arith.constant 0 : i32
    "tpu.region"() ({
      %run_scoped3A_238 = tpu.sem_alloc : memref<!tpu.dma_semaphore, #tpu.memory_space<semaphore_mem>>
      %dma_start3A_239 = arith.constant 0 : i32
      %dma_start3A_240 = arith.constant 0 : i32
      %dma_start3A_241 = tpu.memref_slice %arg6[%run_scoped3A_222, %dma_start3A_239, %dma_start3A_240] : memref<2x64x512xf32, #tpu.memory_space<vmem>> -> memref<1x64x512xf32, #tpu.memory_space<vmem>>
      %dma_start3A_242 = tpu.memref_squeeze %dma_start3A_241 : memref<1x64x512xf32, #tpu.memory_space<vmem>> -> memref<64x512xf32, #tpu.memory_space<vmem>>
      %dma_start3A_243 = arith.constant 0 : i32
      %dma_start3A_244 = tpu.memref_slice %arg4[%add3A_221, %dma_start3A_243] : memref<16384x512xf32, #tpu.memory_space<hbm>> -> memref<64x512xf32, #tpu.memory_space<hbm>>
      %dma_start3A_245 = arith.constant 0 : i32
      %dma_start3A_246 = tpu.memref_slice %arg4[%add3A_221, %dma_start3A_245] : memref<16384x512xf32, #tpu.memory_space<hbm>> -> memref<64x512xf32, #tpu.memory_space<hbm>>
      %dma_start3A_247 = arith.constant 0 : i32
      %dma_start3A_248 = arith.constant 0 : i32
      %dma_start3A_249 = tpu.memref_slice %arg6[%run_scoped3A_222, %dma_start3A_247, %dma_start3A_248] : memref<2x64x512xf32, #tpu.memory_space<vmem>> -> memref<1x64x512xf32, #tpu.memory_space<vmem>>
      %dma_start3A_250 = tpu.memref_squeeze %dma_start3A_249 : memref<1x64x512xf32, #tpu.memory_space<vmem>> -> memref<64x512xf32, #tpu.memory_space<vmem>>
      tpu.enqueue_dma source(%dma_start3A_250 : memref<64x512xf32, #tpu.memory_space<vmem>>) target(%dma_start3A_246 : memref<64x512xf32, #tpu.memory_space<hbm>>) target_semaphore(%run_scoped3A_238 : memref<!tpu.dma_semaphore, #tpu.memory_space<semaphore_mem>>)
      %dma_wait3A_251 = arith.constant 0 : i32
      %dma_wait3A_252 = arith.constant 0 : i32
      %dma_wait3A_253 = tpu.memref_slice %arg6[%run_scoped3A_222, %dma_wait3A_251, %dma_wait3A_252] : memref<2x64x512xf32, #tpu.memory_space<vmem>> -> memref<1x64x512xf32, #tpu.memory_space<vmem>>
      %dma_wait3A_254 = tpu.memref_squeeze %dma_wait3A_253 : memref<1x64x512xf32, #tpu.memory_space<vmem>> -> memref<64x512xf32, #tpu.memory_space<vmem>>
      %dma_wait3A_255 = arith.constant 0 : i32
      %dma_wait3A_256 = tpu.memref_slice %arg4[%add3A_221, %dma_wait3A_255] : memref<16384x512xf32, #tpu.memory_space<hbm>> -> memref<64x512xf32, #tpu.memory_space<hbm>>
      %dma_wait3A_257 = arith.constant 0 : i32
      %dma_wait3A_258 = tpu.memref_slice %arg4[%add3A_221, %dma_wait3A_257] : memref<16384x512xf32, #tpu.memory_space<hbm>> -> memref<64x512xf32, #tpu.memory_space<hbm>>
      %dma_wait3A_259 = arith.constant 0 : i32
      %dma_wait3A_260 = arith.constant 0 : i32
      %dma_wait3A_261 = tpu.memref_slice %arg6[%run_scoped3A_222, %dma_wait3A_259, %dma_wait3A_260] : memref<2x64x512xf32, #tpu.memory_space<vmem>> -> memref<1x64x512xf32, #tpu.memory_space<vmem>>
      %dma_wait3A_262 = tpu.memref_squeeze %dma_wait3A_261 : memref<1x64x512xf32, #tpu.memory_space<vmem>> -> memref<64x512xf32, #tpu.memory_space<vmem>>
      tpu.wait_dma2 semaphore(%run_scoped3A_238 : memref<!tpu.dma_semaphore, #tpu.memory_space<semaphore_mem>>) src(%dma_wait3A_262 : memref<64x512xf32, #tpu.memory_space<vmem>>) dst(%dma_wait3A_258 : memref<64x512xf32, #tpu.memory_space<hbm>>)
      tpu.yield
    }) : () -> ()
    %dma_wait3A_223 = arith.constant 1 : i32
    %dma_wait3A_224 = arith.constant 1 : i32
    %dma_wait3A_225 = arith.constant 0 : i32
    %dma_wait3A_226 = arith.constant 0 : i32
    %dma_wait3A_227 = tpu.memref_slice %arg6[%dma_wait3A_224, %dma_wait3A_225, %dma_wait3A_226] : memref<2x64x512xf32, #tpu.memory_space<vmem>> -> memref<1x64x512xf32, #tpu.memory_space<vmem>>
    %dma_wait3A_228 = tpu.memref_squeeze %dma_wait3A_227 : memref<1x64x512xf32, #tpu.memory_space<vmem>> -> memref<64x512xf32, #tpu.memory_space<vmem>>
    %dma_wait3A_229 = arith.constant 0 : i32
    %dma_wait3A_230 = tpu.memref_slice %arg5[%dma_wait3A_223, %dma_wait3A_229] : memref<2x64xi32, #tpu.memory_space<vmem>> -> memref<1x64xi32, #tpu.memory_space<vmem>>
    %dma_wait3A_231 = tpu.memref_squeeze %dma_wait3A_230 : memref<1x64xi32, #tpu.memory_space<vmem>> -> memref<64xi32, #tpu.memory_space<vmem>>
    %dma_wait3A_232 = arith.constant 0 : i32
    %dma_wait3A_233 = arith.constant 0 : i32
    %dma_wait3A_234 = tpu.memref_slice %arg2[%dma_wait3A_232, %dma_wait3A_233] : memref<8192x512xf32, #tpu.memory_space<hbm>> -> memref<8192x512xf32, #tpu.memory_space<hbm>>
    tpu.wait_indirect_dma semaphore(%arg8 : memref<!tpu.dma_semaphore, #tpu.memory_space<semaphore_mem>>) src(%dma_wait3A_234 : memref<8192x512xf32, #tpu.memory_space<hbm>>) dst(%dma_wait3A_228 : memref<64x512xf32, #tpu.memory_space<vmem>>)
    %add3A_235 = arith.constant 448 : i32
    %add3A_236 = arith.addi %mul3A_2, %add3A_235 : i32
    %run_scoped3A_237 = arith.constant 1 : i32
    "tpu.region"() ({
      %run_scoped3A_238 = tpu.sem_alloc : memref<!tpu.dma_semaphore, #tpu.memory_space<semaphore_mem>>
      %dma_start3A_239 = arith.constant 0 : i32
      %dma_start3A_240 = arith.constant 0 : i32
      %dma_start3A_241 = tpu.memref_slice %arg6[%run_scoped3A_237, %dma_start3A_239, %dma_start3A_240] : memref<2x64x512xf32, #tpu.memory_space<vmem>> -> memref<1x64x512xf32, #tpu.memory_space<vmem>>
      %dma_start3A_242 = tpu.memref_squeeze %dma_start3A_241 : memref<1x64x512xf32, #tpu.memory_space<vmem>> -> memref<64x512xf32, #tpu.memory_space<vmem>>
      %dma_start3A_243 = arith.constant 0 : i32
      %dma_start3A_244 = tpu.memref_slice %arg4[%add3A_236, %dma_start3A_243] : memref<16384x512xf32, #tpu.memory_space<hbm>> -> memref<64x512xf32, #tpu.memory_space<hbm>>
      %dma_start3A_245 = arith.constant 0 : i32
      %dma_start3A_246 = tpu.memref_slice %arg4[%add3A_236, %dma_start3A_245] : memref<16384x512xf32, #tpu.memory_space<hbm>> -> memref<64x512xf32, #tpu.memory_space<hbm>>
      %dma_start3A_247 = arith.constant 0 : i32
      %dma_start3A_248 = arith.constant 0 : i32
      %dma_start3A_249 = tpu.memref_slice %arg6[%run_scoped3A_237, %dma_start3A_247, %dma_start3A_248] : memref<2x64x512xf32, #tpu.memory_space<vmem>> -> memref<1x64x512xf32, #tpu.memory_space<vmem>>
      %dma_start3A_250 = tpu.memref_squeeze %dma_start3A_249 : memref<1x64x512xf32, #tpu.memory_space<vmem>> -> memref<64x512xf32, #tpu.memory_space<vmem>>
      tpu.enqueue_dma source(%dma_start3A_250 : memref<64x512xf32, #tpu.memory_space<vmem>>) target(%dma_start3A_246 : memref<64x512xf32, #tpu.memory_space<hbm>>) target_semaphore(%run_scoped3A_238 : memref<!tpu.dma_semaphore, #tpu.memory_space<semaphore_mem>>)
      %dma_wait3A_251 = arith.constant 0 : i32
      %dma_wait3A_252 = arith.constant 0 : i32
      %dma_wait3A_253 = tpu.memref_slice %arg6[%run_scoped3A_237, %dma_wait3A_251, %dma_wait3A_252] : memref<2x64x512xf32, #tpu.memory_space<vmem>> -> memref<1x64x512xf32, #tpu.memory_space<vmem>>
      %dma_wait3A_254 = tpu.memref_squeeze %dma_wait3A_253 : memref<1x64x512xf32, #tpu.memory_space<vmem>> -> memref<64x512xf32, #tpu.memory_space<vmem>>
      %dma_wait3A_255 = arith.constant 0 : i32
      %dma_wait3A_256 = tpu.memref_slice %arg4[%add3A_236, %dma_wait3A_255] : memref<16384x512xf32, #tpu.memory_space<hbm>> -> memref<64x512xf32, #tpu.memory_space<hbm>>
      %dma_wait3A_257 = arith.constant 0 : i32
      %dma_wait3A_258 = tpu.memref_slice %arg4[%add3A_236, %dma_wait3A_257] : memref<16384x512xf32, #tpu.memory_space<hbm>> -> memref<64x512xf32, #tpu.memory_space<hbm>>
      %dma_wait3A_259 = arith.constant 0 : i32
      %dma_wait3A_260 = arith.constant 0 : i32
      %dma_wait3A_261 = tpu.memref_slice %arg6[%run_scoped3A_237, %dma_wait3A_259, %dma_wait3A_260] : memref<2x64x512xf32, #tpu.memory_space<vmem>> -> memref<1x64x512xf32, #tpu.memory_space<vmem>>
      %dma_wait3A_262 = tpu.memref_squeeze %dma_wait3A_261 : memref<1x64x512xf32, #tpu.memory_space<vmem>> -> memref<64x512xf32, #tpu.memory_space<vmem>>
      tpu.wait_dma2 semaphore(%run_scoped3A_238 : memref<!tpu.dma_semaphore, #tpu.memory_space<semaphore_mem>>) src(%dma_wait3A_262 : memref<64x512xf32, #tpu.memory_space<vmem>>) dst(%dma_wait3A_258 : memref<64x512xf32, #tpu.memory_space<hbm>>)
      tpu.yield
    }) : () -> ()
    return
  }
}

#map = affine_map<(d0, d1) -> (0, 0)>
#map1 = affine_map<(d0, d1) -> (0)>
module attributes {stable_mosaic.version = 14 : i64} {
  func.func @k(%arg0: i32, %arg1: i32, %arg2: memref<1000x512xf32, #tpu.memory_space<hbm>>, %arg3: memref<16384xi32, #tpu.memory_space<hbm>>, %arg4: memref<16384x512xf32, #tpu.memory_space<hbm>>, %arg5: memref<2x64xi32, #tpu.memory_space<vmem>>, %arg6: memref<2x64x512xf32, #tpu.memory_space<vmem>>, %arg7: memref<!tpu.dma_semaphore, #tpu.memory_space<semaphore_mem>>, %arg8: memref<!tpu.dma_semaphore, #tpu.memory_space<semaphore_mem>>) attributes {dimension_semantics = [#tpu.dimension_semantics<core_parallel>, #tpu.dimension_semantics<subcore_parallel>], iteration_bounds = array<i64: 2, 16>, scalar_prefetch = 0 : i64, scratch_operands = 4 : i64, tpu.core_type = #tpu.core_type<sc_vector_subcore>, window_params = [{transform_indices = #map}, {transform_indices = #map1}, {transform_indices = #map}]} {
    %mul3A = arith.constant 2 : i32
    %mul3A_0 = arith.muli %arg1, %mul3A : i32
    %add3A = arith.addi %mul3A_0, %arg0 : i32
    %mul3A_1 = arith.constant 512 : i32
    %mul3A_2 = arith.muli %add3A, %mul3A_1 : i32
    %run_scoped3A = arith.constant 0 : i32
    "tpu.region"() ({
      %run_scoped3A_238 = tpu.sem_alloc : memref<!tpu.dma_semaphore, #tpu.memory_space<semaphore_mem>>
      %dma_start3A_239 = arith.constant 0 : i32
      %dma_start3A_240 = tpu.memref_slice %arg5[%run_scoped3A, %dma_start3A_239] : memref<2x64xi32, #tpu.memory_space<vmem>> -> memref<1x64xi32, #tpu.memory_space<vmem>>
      %dma_start3A_241 = tpu.memref_squeeze %dma_start3A_240 : memref<1x64xi32, #tpu.memory_space<vmem>> -> memref<64xi32, #tpu.memory_space<vmem>>
      %dma_start3A_242 = tpu.memref_slice %arg3[%mul3A_2] : memref<16384xi32, #tpu.memory_space<hbm>> -> memref<64xi32, #tpu.memory_space<hbm>>
      %dma_start3A_243 = arith.constant 0 : i32
      %dma_start3A_244 = tpu.memref_slice %arg5[%run_scoped3A, %dma_start3A_243] : memref<2x64xi32, #tpu.memory_space<vmem>> -> memref<1x64xi32, #tpu.memory_space<vmem>>
      %dma_start3A_245 = tpu.memref_squeeze %dma_start3A_244 : memref<1x64xi32, #tpu.memory_space<vmem>> -> memref<64xi32, #tpu.memory_space<vmem>>
      %dma_start3A_246 = tpu.memref_slice %arg3[%mul3A_2] : memref<16384xi32, #tpu.memory_space<hbm>> -> memref<64xi32, #tpu.memory_space<hbm>>
      tpu.enqueue_dma source(%dma_start3A_246 : memref<64xi32, #tpu.memory_space<hbm>>) target(%dma_start3A_245 : memref<64xi32, #tpu.memory_space<vmem>>) target_semaphore(%run_scoped3A_238 : memref<!tpu.dma_semaphore, #tpu.memory_space<semaphore_mem>>)
      %dma_wait3A_247 = arith.constant 0 : i32
      %dma_wait3A_248 = tpu.memref_slice %arg5[%run_scoped3A, %dma_wait3A_247] : memref<2x64xi32, #tpu.memory_space<vmem>> -> memref<1x64xi32, #tpu.memory_space<vmem>>
      %dma_wait3A_249 = tpu.memref_squeeze %dma_wait3A_248 : memref<1x64xi32, #tpu.memory_space<vmem>> -> memref<64xi32, #tpu.memory_space<vmem>>
      %dma_wait3A_250 = tpu.memref_slice %arg3[%mul3A_2] : memref<16384xi32, #tpu.memory_space<hbm>> -> memref<64xi32, #tpu.memory_space<hbm>>
      %dma_wait3A_251 = arith.constant 0 : i32
      %dma_wait3A_252 = tpu.memref_slice %arg5[%run_scoped3A, %dma_wait3A_251] : memref<2x64xi32, #tpu.memory_space<vmem>> -> memref<1x64xi32, #tpu.memory_space<vmem>>
      %dma_wait3A_253 = tpu.memref_squeeze %dma_wait3A_252 : memref<1x64xi32, #tpu.memory_space<vmem>> -> memref<64xi32, #tpu.memory_space<vmem>>
      %dma_wait3A_254 = tpu.memref_slice %arg3[%mul3A_2] : memref<16384xi32, #tpu.memory_space<hbm>> -> memref<64xi32, #tpu.memory_space<hbm>>
      tpu.wait_dma2 semaphore(%run_scoped3A_238 : memref<!tpu.dma_semaphore, #tpu.memory_space<semaphore_mem>>) src(%dma_wait3A_254 : memref<64xi32, #tpu.memory_space<hbm>>) dst(%dma_wait3A_253 : memref<64xi32, #tpu.memory_space<vmem>>)
      tpu.yield
    }) : () -> ()
    %dma_start3A = arith.constant 0 : i32
    %dma_start3A_3 = arith.constant 0 : i32
    %dma_start3A_4 = arith.constant 0 : i32
    %dma_start3A_5 = arith.constant 0 : i32
    %dma_start3A_6 = tpu.memref_slice %arg6[%dma_start3A_3, %dma_start3A_4, %dma_start3A_5] : memref<2x64x512xf32, #tpu.memory_space<vmem>> -> memref<1x64x512xf32, #tpu.memory_space<vmem>>
    %dma_start3A_7 = tpu.memref_squeeze %dma_start3A_6 : memref<1x64x512xf32, #tpu.memory_space<vmem>> -> memref<64x512xf32, #tpu.memory_space<vmem>>
    %dma_start3A_8 = arith.constant 0 : i32
    %dma_start3A_9 = tpu.memref_slice %arg5[%dma_start3A, %dma_start3A_8] : memref<2x64xi32, #tpu.memory_space<vmem>> -> memref<1x64xi32, #tpu.memory_space<vmem>>
    %dma_start3A_10 = tpu.memref_squeeze %dma_start3A_9 : memref<1x64xi32, #tpu.memory_space<vmem>> -> memref<64xi32, #tpu.memory_space<vmem>>
    %dma_start3A_11 = arith.constant 0 : i32
    %dma_start3A_12 = arith.constant 0 : i32
    %dma_start3A_13 = tpu.memref_slice %arg2[%dma_start3A_11, %dma_start3A_12] : memref<1000x512xf32, #tpu.memory_space<hbm>> -> memref<1000x512xf32, #tpu.memory_space<hbm>>
    tpu.enqueue_indirect_dma source(%dma_start3A_13 : memref<1000x512xf32, #tpu.memory_space<hbm>>) target(%dma_start3A_7 : memref<64x512xf32, #tpu.memory_space<vmem>>) offsets(%dma_start3A_10 : memref<64xi32, #tpu.memory_space<vmem>>) semaphore(%arg7 : memref<!tpu.dma_semaphore, #tpu.memory_space<semaphore_mem>>)
    %add3A_14 = arith.constant 64 : i32
    %add3A_15 = arith.addi %mul3A_2, %add3A_14 : i32
    %run_scoped3A_16 = arith.constant 1 : i32
    "tpu.region"() ({
      %run_scoped3A_238 = tpu.sem_alloc : memref<!tpu.dma_semaphore, #tpu.memory_space<semaphore_mem>>
      %dma_start3A_239 = arith.constant 0 : i32
      %dma_start3A_240 = tpu.memref_slice %arg5[%run_scoped3A_16, %dma_start3A_239] : memref<2x64xi32, #tpu.memory_space<vmem>> -> memref<1x64xi32, #tpu.memory_space<vmem>>
      %dma_start3A_241 = tpu.memref_squeeze %dma_start3A_240 : memref<1x64xi32, #tpu.memory_space<vmem>> -> memref<64xi32, #tpu.memory_space<vmem>>
      %dma_start3A_242 = tpu.memref_slice %arg3[%add3A_15] : memref<16384xi32, #tpu.memory_space<hbm>> -> memref<64xi32, #tpu.memory_space<hbm>>
      %dma_start3A_243 = arith.constant 0 : i32
      %dma_start3A_244 = tpu.memref_slice %arg5[%run_scoped3A_16, %dma_start3A_243] : memref<2x64xi32, #tpu.memory_space<vmem>> -> memref<1x64xi32, #tpu.memory_space<vmem>>
      %dma_start3A_245 = tpu.memref_squeeze %dma_start3A_244 : memref<1x64xi32, #tpu.memory_space<vmem>> -> memref<64xi32, #tpu.memory_space<vmem>>
      %dma_start3A_246 = tpu.memref_slice %arg3[%add3A_15] : memref<16384xi32, #tpu.memory_space<hbm>> -> memref<64xi32, #tpu.memory_space<hbm>>
      tpu.enqueue_dma source(%dma_start3A_246 : memref<64xi32, #tpu.memory_space<hbm>>) target(%dma_start3A_245 : memref<64xi32, #tpu.memory_space<vmem>>) target_semaphore(%run_scoped3A_238 : memref<!tpu.dma_semaphore, #tpu.memory_space<semaphore_mem>>)
      %dma_wait3A_247 = arith.constant 0 : i32
      %dma_wait3A_248 = tpu.memref_slice %arg5[%run_scoped3A_16, %dma_wait3A_247] : memref<2x64xi32, #tpu.memory_space<vmem>> -> memref<1x64xi32, #tpu.memory_space<vmem>>
      %dma_wait3A_249 = tpu.memref_squeeze %dma_wait3A_248 : memref<1x64xi32, #tpu.memory_space<vmem>> -> memref<64xi32, #tpu.memory_space<vmem>>
      %dma_wait3A_250 = tpu.memref_slice %arg3[%add3A_15] : memref<16384xi32, #tpu.memory_space<hbm>> -> memref<64xi32, #tpu.memory_space<hbm>>
      %dma_wait3A_251 = arith.constant 0 : i32
      %dma_wait3A_252 = tpu.memref_slice %arg5[%run_scoped3A_16, %dma_wait3A_251] : memref<2x64xi32, #tpu.memory_space<vmem>> -> memref<1x64xi32, #tpu.memory_space<vmem>>
      %dma_wait3A_253 = tpu.memref_squeeze %dma_wait3A_252 : memref<1x64xi32, #tpu.memory_space<vmem>> -> memref<64xi32, #tpu.memory_space<vmem>>
      %dma_wait3A_254 = tpu.memref_slice %arg3[%add3A_15] : memref<16384xi32, #tpu.memory_space<hbm>> -> memref<64xi32, #tpu.memory_space<hbm>>
      tpu.wait_dma2 semaphore(%run_scoped3A_238 : memref<!tpu.dma_semaphore, #tpu.memory_space<semaphore_mem>>) src(%dma_wait3A_254 : memref<64xi32, #tpu.memory_space<hbm>>) dst(%dma_wait3A_253 : memref<64xi32, #tpu.memory_space<vmem>>)
      tpu.yield
    }) : () -> ()
    %dma_start3A_17 = arith.constant 1 : i32
    %dma_start3A_18 = arith.constant 1 : i32
    %dma_start3A_19 = arith.constant 0 : i32
    %dma_start3A_20 = arith.constant 0 : i32
    %dma_start3A_21 = tpu.memref_slice %arg6[%dma_start3A_18, %dma_start3A_19, %dma_start3A_20] : memref<2x64x512xf32, #tpu.memory_space<vmem>> -> memref<1x64x512xf32, #tpu.memory_space<vmem>>
    %dma_start3A_22 = tpu.memref_squeeze %dma_start3A_21 : memref<1x64x512xf32, #tpu.memory_space<vmem>> -> memref<64x512xf32, #tpu.memory_space<vmem>>
    %dma_start3A_23 = arith.constant 0 : i32
    %dma_start3A_24 = tpu.memref_slice %arg5[%dma_start3A_17, %dma_start3A_23] : memref<2x64xi32, #tpu.memory_space<vmem>> -> memref<1x64xi32, #tpu.memory_space<vmem>>
    %dma_start3A_25 = tpu.memref_squeeze %dma_start3A_24 : memref<1x64xi32, #tpu.memory_space<vmem>> -> memref<64xi32, #tpu.memory_space<vmem>>
    %dma_start3A_26 = arith.constant 0 : i32
    %dma_start3A_27 = arith.constant 0 : i32
    %dma_start3A_28 = tpu.memref_slice %arg2[%dma_start3A_26, %dma_start3A_27] : memref<1000x512xf32, #tpu.memory_space<hbm>> -> memref<1000x512xf32, #tpu.memory_space<hbm>>
    tpu.enqueue_indirect_dma source(%dma_start3A_28 : memref<1000x512xf32, #tpu.memory_space<hbm>>) target(%dma_start3A_22 : memref<64x512xf32, #tpu.memory_space<vmem>>) offsets(%dma_start3A_25 : memref<64xi32, #tpu.memory_space<vmem>>) semaphore(%arg8 : memref<!tpu.dma_semaphore, #tpu.memory_space<semaphore_mem>>)
    %dma_wait3A = arith.constant 0 : i32
    %dma_wait3A_29 = arith.constant 0 : i32
    %dma_wait3A_30 = arith.constant 0 : i32
    %dma_wait3A_31 = arith.constant 0 : i32
    %dma_wait3A_32 = tpu.memref_slice %arg6[%dma_wait3A_29, %dma_wait3A_30, %dma_wait3A_31] : memref<2x64x512xf32, #tpu.memory_space<vmem>> -> memref<1x64x512xf32, #tpu.memory_space<vmem>>
    %dma_wait3A_33 = tpu.memref_squeeze %dma_wait3A_32 : memref<1x64x512xf32, #tpu.memory_space<vmem>> -> memref<64x512xf32, #tpu.memory_space<vmem>>
    %dma_wait3A_34 = arith.constant 0 : i32
    %dma_wait3A_35 = tpu.memref_slice %arg5[%dma_wait3A, %dma_wait3A_34] : memref<2x64xi32, #tpu.memory_space<vmem>> -> memref<1x64xi32, #tpu.memory_space<vmem>>
    %dma_wait3A_36 = tpu.memref_squeeze %dma_wait3A_35 : memref<1x64xi32, #tpu.memory_space<vmem>> -> memref<64xi32, #tpu.memory_space<vmem>>
    %dma_wait3A_37 = arith.constant 0 : i32
    %dma_wait3A_38 = arith.constant 0 : i32
    %dma_wait3A_39 = tpu.memref_slice %arg2[%dma_wait3A_37, %dma_wait3A_38] : memref<1000x512xf32, #tpu.memory_space<hbm>> -> memref<1000x512xf32, #tpu.memory_space<hbm>>
    tpu.wait_indirect_dma semaphore(%arg7 : memref<!tpu.dma_semaphore, #tpu.memory_space<semaphore_mem>>) src(%dma_wait3A_39 : memref<1000x512xf32, #tpu.memory_space<hbm>>) dst(%dma_wait3A_33 : memref<64x512xf32, #tpu.memory_space<vmem>>)
    %add3A_40 = arith.constant 0 : i32
    %add3A_41 = arith.addi %mul3A_2, %add3A_40 : i32
    %run_scoped3A_42 = arith.constant 0 : i32
    "tpu.region"() ({
      %run_scoped3A_238 = tpu.sem_alloc : memref<!tpu.dma_semaphore, #tpu.memory_space<semaphore_mem>>
      %dma_start3A_239 = arith.constant 0 : i32
      %dma_start3A_240 = arith.constant 0 : i32
      %dma_start3A_241 = tpu.memref_slice %arg6[%run_scoped3A_42, %dma_start3A_239, %dma_start3A_240] : memref<2x64x512xf32, #tpu.memory_space<vmem>> -> memref<1x64x512xf32, #tpu.memory_space<vmem>>
      %dma_start3A_242 = tpu.memref_squeeze %dma_start3A_241 : memref<1x64x512xf32, #tpu.memory_space<vmem>> -> memref<64x512xf32, #tpu.memory_space<vmem>>
      %dma_start3A_243 = arith.constant 0 : i32
      %dma_start3A_244 = tpu.memref_slice %arg4[%add3A_41, %dma_start3A_243] : memref<16384x512xf32, #tpu.memory_space<hbm>> -> memref<64x512xf32, #tpu.memory_space<hbm>>
      %dma_start3A_245 = arith.constant 0 : i32
      %dma_start3A_246 = tpu.memref_slice %arg4[%add3A_41, %dma_start3A_245] : memref<16384x512xf32, #tpu.memory_space<hbm>> -> memref<64x512xf32, #tpu.memory_space<hbm>>
      %dma_start3A_247 = arith.constant 0 : i32
      %dma_start3A_248 = arith.constant 0 : i32
      %dma_start3A_249 = tpu.memref_slice %arg6[%run_scoped3A_42, %dma_start3A_247, %dma_start3A_248] : memref<2x64x512xf32, #tpu.memory_space<vmem>> -> memref<1x64x512xf32, #tpu.memory_space<vmem>>
      %dma_start3A_250 = tpu.memref_squeeze %dma_start3A_249 : memref<1x64x512xf32, #tpu.memory_space<vmem>> -> memref<64x512xf32, #tpu.memory_space<vmem>>
      tpu.enqueue_dma source(%dma_start3A_250 : memref<64x512xf32, #tpu.memory_space<vmem>>) target(%dma_start3A_246 : memref<64x512xf32, #tpu.memory_space<hbm>>) target_semaphore(%run_scoped3A_238 : memref<!tpu.dma_semaphore, #tpu.memory_space<semaphore_mem>>)
      %dma_wait3A_251 = arith.constant 0 : i32
      %dma_wait3A_252 = arith.constant 0 : i32
      %dma_wait3A_253 = tpu.memref_slice %arg6[%run_scoped3A_42, %dma_wait3A_251, %dma_wait3A_252] : memref<2x64x512xf32, #tpu.memory_space<vmem>> -> memref<1x64x512xf32, #tpu.memory_space<vmem>>
      %dma_wait3A_254 = tpu.memref_squeeze %dma_wait3A_253 : memref<1x64x512xf32, #tpu.memory_space<vmem>> -> memref<64x512xf32, #tpu.memory_space<vmem>>
      %dma_wait3A_255 = arith.constant 0 : i32
      %dma_wait3A_256 = tpu.memref_slice %arg4[%add3A_41, %dma_wait3A_255] : memref<16384x512xf32, #tpu.memory_space<hbm>> -> memref<64x512xf32, #tpu.memory_space<hbm>>
      %dma_wait3A_257 = arith.constant 0 : i32
      %dma_wait3A_258 = tpu.memref_slice %arg4[%add3A_41, %dma_wait3A_257] : memref<16384x512xf32, #tpu.memory_space<hbm>> -> memref<64x512xf32, #tpu.memory_space<hbm>>
      %dma_wait3A_259 = arith.constant 0 : i32
      %dma_wait3A_260 = arith.constant 0 : i32
      %dma_wait3A_261 = tpu.memref_slice %arg6[%run_scoped3A_42, %dma_wait3A_259, %dma_wait3A_260] : memref<2x64x512xf32, #tpu.memory_space<vmem>> -> memref<1x64x512xf32, #tpu.memory_space<vmem>>
      %dma_wait3A_262 = tpu.memref_squeeze %dma_wait3A_261 : memref<1x64x512xf32, #tpu.memory_space<vmem>> -> memref<64x512xf32, #tpu.memory_space<vmem>>
      tpu.wait_dma2 semaphore(%run_scoped3A_238 : memref<!tpu.dma_semaphore, #tpu.memory_space<semaphore_mem>>) src(%dma_wait3A_262 : memref<64x512xf32, #tpu.memory_space<vmem>>) dst(%dma_wait3A_258 : memref<64x512xf32, #tpu.memory_space<hbm>>)
      tpu.yield
    }) : () -> ()
    %add3A_43 = arith.constant 128 : i32
    %add3A_44 = arith.addi %mul3A_2, %add3A_43 : i32
    %run_scoped3A_45 = arith.constant 0 : i32
    "tpu.region"() ({
      %run_scoped3A_238 = tpu.sem_alloc : memref<!tpu.dma_semaphore, #tpu.memory_space<semaphore_mem>>
      %dma_start3A_239 = arith.constant 0 : i32
      %dma_start3A_240 = tpu.memref_slice %arg5[%run_scoped3A_45, %dma_start3A_239] : memref<2x64xi32, #tpu.memory_space<vmem>> -> memref<1x64xi32, #tpu.memory_space<vmem>>
      %dma_start3A_241 = tpu.memref_squeeze %dma_start3A_240 : memref<1x64xi32, #tpu.memory_space<vmem>> -> memref<64xi32, #tpu.memory_space<vmem>>
      %dma_start3A_242 = tpu.memref_slice %arg3[%add3A_44] : memref<16384xi32, #tpu.memory_space<hbm>> -> memref<64xi32, #tpu.memory_space<hbm>>
      %dma_start3A_243 = arith.constant 0 : i32
      %dma_start3A_244 = tpu.memref_slice %arg5[%run_scoped3A_45, %dma_start3A_243] : memref<2x64xi32, #tpu.memory_space<vmem>> -> memref<1x64xi32, #tpu.memory_space<vmem>>
      %dma_start3A_245 = tpu.memref_squeeze %dma_start3A_244 : memref<1x64xi32, #tpu.memory_space<vmem>> -> memref<64xi32, #tpu.memory_space<vmem>>
      %dma_start3A_246 = tpu.memref_slice %arg3[%add3A_44] : memref<16384xi32, #tpu.memory_space<hbm>> -> memref<64xi32, #tpu.memory_space<hbm>>
      tpu.enqueue_dma source(%dma_start3A_246 : memref<64xi32, #tpu.memory_space<hbm>>) target(%dma_start3A_245 : memref<64xi32, #tpu.memory_space<vmem>>) target_semaphore(%run_scoped3A_238 : memref<!tpu.dma_semaphore, #tpu.memory_space<semaphore_mem>>)
      %dma_wait3A_247 = arith.constant 0 : i32
      %dma_wait3A_248 = tpu.memref_slice %arg5[%run_scoped3A_45, %dma_wait3A_247] : memref<2x64xi32, #tpu.memory_space<vmem>> -> memref<1x64xi32, #tpu.memory_space<vmem>>
      %dma_wait3A_249 = tpu.memref_squeeze %dma_wait3A_248 : memref<1x64xi32, #tpu.memory_space<vmem>> -> memref<64xi32, #tpu.memory_space<vmem>>
      %dma_wait3A_250 = tpu.memref_slice %arg3[%add3A_44] : memref<16384xi32, #tpu.memory_space<hbm>> -> memref<64xi32, #tpu.memory_space<hbm>>
      %dma_wait3A_251 = arith.constant 0 : i32
      %dma_wait3A_252 = tpu.memref_slice %arg5[%run_scoped3A_45, %dma_wait3A_251] : memref<2x64xi32, #tpu.memory_space<vmem>> -> memref<1x64xi32, #tpu.memory_space<vmem>>
      %dma_wait3A_253 = tpu.memref_squeeze %dma_wait3A_252 : memref<1x64xi32, #tpu.memory_space<vmem>> -> memref<64xi32, #tpu.memory_space<vmem>>
      %dma_wait3A_254 = tpu.memref_slice %arg3[%add3A_44] : memref<16384xi32, #tpu.memory_space<hbm>> -> memref<64xi32, #tpu.memory_space<hbm>>
      tpu.wait_dma2 semaphore(%run_scoped3A_238 : memref<!tpu.dma_semaphore, #tpu.memory_space<semaphore_mem>>) src(%dma_wait3A_254 : memref<64xi32, #tpu.memory_space<hbm>>) dst(%dma_wait3A_253 : memref<64xi32, #tpu.memory_space<vmem>>)
      tpu.yield
    }) : () -> ()
    %dma_start3A_46 = arith.constant 0 : i32
    %dma_start3A_47 = arith.constant 0 : i32
    %dma_start3A_48 = arith.constant 0 : i32
    %dma_start3A_49 = arith.constant 0 : i32
    %dma_start3A_50 = tpu.memref_slice %arg6[%dma_start3A_47, %dma_start3A_48, %dma_start3A_49] : memref<2x64x512xf32, #tpu.memory_space<vmem>> -> memref<1x64x512xf32, #tpu.memory_space<vmem>>
    %dma_start3A_51 = tpu.memref_squeeze %dma_start3A_50 : memref<1x64x512xf32, #tpu.memory_space<vmem>> -> memref<64x512xf32, #tpu.memory_space<vmem>>
    %dma_start3A_52 = arith.constant 0 : i32
    %dma_start3A_53 = tpu.memref_slice %arg5[%dma_start3A_46, %dma_start3A_52] : memref<2x64xi32, #tpu.memory_space<vmem>> -> memref<1x64xi32, #tpu.memory_space<vmem>>
    %dma_start3A_54 = tpu.memref_squeeze %dma_start3A_53 : memref<1x64xi32, #tpu.memory_space<vmem>> -> memref<64xi32, #tpu.memory_space<vmem>>
    %dma_start3A_55 = arith.constant 0 : i32
    %dma_start3A_56 = arith.constant 0 : i32
    %dma_start3A_57 = tpu.memref_slice %arg2[%dma_start3A_55, %dma_start3A_56] : memref<1000x512xf32, #tpu.memory_space<hbm>> -> memref<1000x512xf32, #tpu.memory_space<hbm>>
    tpu.enqueue_indirect_dma source(%dma_start3A_57 : memref<1000x512xf32, #tpu.memory_space<hbm>>) target(%dma_start3A_51 : memref<64x512xf32, #tpu.memory_space<vmem>>) offsets(%dma_start3A_54 : memref<64xi32, #tpu.memory_space<vmem>>) semaphore(%arg7 : memref<!tpu.dma_semaphore, #tpu.memory_space<semaphore_mem>>)
    %dma_wait3A_58 = arith.constant 1 : i32
    %dma_wait3A_59 = arith.constant 1 : i32
    %dma_wait3A_60 = arith.constant 0 : i32
    %dma_wait3A_61 = arith.constant 0 : i32
    %dma_wait3A_62 = tpu.memref_slice %arg6[%dma_wait3A_59, %dma_wait3A_60, %dma_wait3A_61] : memref<2x64x512xf32, #tpu.memory_space<vmem>> -> memref<1x64x512xf32, #tpu.memory_space<vmem>>
    %dma_wait3A_63 = tpu.memref_squeeze %dma_wait3A_62 : memref<1x64x512xf32, #tpu.memory_space<vmem>> -> memref<64x512xf32, #tpu.memory_space<vmem>>
    %dma_wait3A_64 = arith.constant 0 : i32
    %dma_wait3A_65 = tpu.memref_slice %arg5[%dma_wait3A_58, %dma_wait3A_64] : memref<2x64xi32, #tpu.memory_space<vmem>> -> memref<1x64xi32, #tpu.memory_space<vmem>>
    %dma_wait3A_66 = tpu.memref_squeeze %dma_wait3A_65 : memref<1x64xi32, #tpu.memory_space<vmem>> -> memref<64xi32, #tpu.memory_space<vmem>>
    %dma_wait3A_67 = arith.constant 0 : i32
    %dma_wait3A_68 = arith.constant 0 : i32
    %dma_wait3A_69 = tpu.memref_slice %arg2[%dma_wait3A_67, %dma_wait3A_68] : memref<1000x512xf32, #tpu.memory_space<hbm>> -> memref<1000x512xf32, #tpu.memory_space<hbm>>
    tpu.wait_indirect_dma semaphore(%arg8 : memref<!tpu.dma_semaphore, #tpu.memory_space<semaphore_mem>>) src(%dma_wait3A_69 : memref<1000x512xf32, #tpu.memory_space<hbm>>) dst(%dma_wait3A_63 : memref<64x512xf32, #tpu.memory_space<vmem>>)
    %add3A_70 = arith.constant 64 : i32
    %add3A_71 = arith.addi %mul3A_2, %add3A_70 : i32
    %run_scoped3A_72 = arith.constant 1 : i32
    "tpu.region"() ({
      %run_scoped3A_238 = tpu.sem_alloc : memref<!tpu.dma_semaphore, #tpu.memory_space<semaphore_mem>>
      %dma_start3A_239 = arith.constant 0 : i32
      %dma_start3A_240 = arith.constant 0 : i32
      %dma_start3A_241 = tpu.memref_slice %arg6[%run_scoped3A_72, %dma_start3A_239, %dma_start3A_240] : memref<2x64x512xf32, #tpu.memory_space<vmem>> -> memref<1x64x512xf32, #tpu.memory_space<vmem>>
      %dma_start3A_242 = tpu.memref_squeeze %dma_start3A_241 : memref<1x64x512xf32, #tpu.memory_space<vmem>> -> memref<64x512xf32, #tpu.memory_space<vmem>>
      %dma_start3A_243 = arith.constant 0 : i32
      %dma_start3A_244 = tpu.memref_slice %arg4[%add3A_71, %dma_start3A_243] : memref<16384x512xf32, #tpu.memory_space<hbm>> -> memref<64x512xf32, #tpu.memory_space<hbm>>
      %dma_start3A_245 = arith.constant 0 : i32
      %dma_start3A_246 = tpu.memref_slice %arg4[%add3A_71, %dma_start3A_245] : memref<16384x512xf32, #tpu.memory_space<hbm>> -> memref<64x512xf32, #tpu.memory_space<hbm>>
      %dma_start3A_247 = arith.constant 0 : i32
      %dma_start3A_248 = arith.constant 0 : i32
      %dma_start3A_249 = tpu.memref_slice %arg6[%run_scoped3A_72, %dma_start3A_247, %dma_start3A_248] : memref<2x64x512xf32, #tpu.memory_space<vmem>> -> memref<1x64x512xf32, #tpu.memory_space<vmem>>
      %dma_start3A_250 = tpu.memref_squeeze %dma_start3A_249 : memref<1x64x512xf32, #tpu.memory_space<vmem>> -> memref<64x512xf32, #tpu.memory_space<vmem>>
      tpu.enqueue_dma source(%dma_start3A_250 : memref<64x512xf32, #tpu.memory_space<vmem>>) target(%dma_start3A_246 : memref<64x512xf32, #tpu.memory_space<hbm>>) target_semaphore(%run_scoped3A_238 : memref<!tpu.dma_semaphore, #tpu.memory_space<semaphore_mem>>)
      %dma_wait3A_251 = arith.constant 0 : i32
      %dma_wait3A_252 = arith.constant 0 : i32
      %dma_wait3A_253 = tpu.memref_slice %arg6[%run_scoped3A_72, %dma_wait3A_251, %dma_wait3A_252] : memref<2x64x512xf32, #tpu.memory_space<vmem>> -> memref<1x64x512xf32, #tpu.memory_space<vmem>>
      %dma_wait3A_254 = tpu.memref_squeeze %dma_wait3A_253 : memref<1x64x512xf32, #tpu.memory_space<vmem>> -> memref<64x512xf32, #tpu.memory_space<vmem>>
      %dma_wait3A_255 = arith.constant 0 : i32
      %dma_wait3A_256 = tpu.memref_slice %arg4[%add3A_71, %dma_wait3A_255] : memref<16384x512xf32, #tpu.memory_space<hbm>> -> memref<64x512xf32, #tpu.memory_space<hbm>>
      %dma_wait3A_257 = arith.constant 0 : i32
      %dma_wait3A_258 = tpu.memref_slice %arg4[%add3A_71, %dma_wait3A_257] : memref<16384x512xf32, #tpu.memory_space<hbm>> -> memref<64x512xf32, #tpu.memory_space<hbm>>
      %dma_wait3A_259 = arith.constant 0 : i32
      %dma_wait3A_260 = arith.constant 0 : i32
      %dma_wait3A_261 = tpu.memref_slice %arg6[%run_scoped3A_72, %dma_wait3A_259, %dma_wait3A_260] : memref<2x64x512xf32, #tpu.memory_space<vmem>> -> memref<1x64x512xf32, #tpu.memory_space<vmem>>
      %dma_wait3A_262 = tpu.memref_squeeze %dma_wait3A_261 : memref<1x64x512xf32, #tpu.memory_space<vmem>> -> memref<64x512xf32, #tpu.memory_space<vmem>>
      tpu.wait_dma2 semaphore(%run_scoped3A_238 : memref<!tpu.dma_semaphore, #tpu.memory_space<semaphore_mem>>) src(%dma_wait3A_262 : memref<64x512xf32, #tpu.memory_space<vmem>>) dst(%dma_wait3A_258 : memref<64x512xf32, #tpu.memory_space<hbm>>)
      tpu.yield
    }) : () -> ()
    %add3A_73 = arith.constant 192 : i32
    %add3A_74 = arith.addi %mul3A_2, %add3A_73 : i32
    %run_scoped3A_75 = arith.constant 1 : i32
    "tpu.region"() ({
      %run_scoped3A_238 = tpu.sem_alloc : memref<!tpu.dma_semaphore, #tpu.memory_space<semaphore_mem>>
      %dma_start3A_239 = arith.constant 0 : i32
      %dma_start3A_240 = tpu.memref_slice %arg5[%run_scoped3A_75, %dma_start3A_239] : memref<2x64xi32, #tpu.memory_space<vmem>> -> memref<1x64xi32, #tpu.memory_space<vmem>>
      %dma_start3A_241 = tpu.memref_squeeze %dma_start3A_240 : memref<1x64xi32, #tpu.memory_space<vmem>> -> memref<64xi32, #tpu.memory_space<vmem>>
      %dma_start3A_242 = tpu.memref_slice %arg3[%add3A_74] : memref<16384xi32, #tpu.memory_space<hbm>> -> memref<64xi32, #tpu.memory_space<hbm>>
      %dma_start3A_243 = arith.constant 0 : i32
      %dma_start3A_244 = tpu.memref_slice %arg5[%run_scoped3A_75, %dma_start3A_243] : memref<2x64xi32, #tpu.memory_space<vmem>> -> memref<1x64xi32, #tpu.memory_space<vmem>>
      %dma_start3A_245 = tpu.memref_squeeze %dma_start3A_244 : memref<1x64xi32, #tpu.memory_space<vmem>> -> memref<64xi32, #tpu.memory_space<vmem>>
      %dma_start3A_246 = tpu.memref_slice %arg3[%add3A_74] : memref<16384xi32, #tpu.memory_space<hbm>> -> memref<64xi32, #tpu.memory_space<hbm>>
      tpu.enqueue_dma source(%dma_start3A_246 : memref<64xi32, #tpu.memory_space<hbm>>) target(%dma_start3A_245 : memref<64xi32, #tpu.memory_space<vmem>>) target_semaphore(%run_scoped3A_238 : memref<!tpu.dma_semaphore, #tpu.memory_space<semaphore_mem>>)
      %dma_wait3A_247 = arith.constant 0 : i32
      %dma_wait3A_248 = tpu.memref_slice %arg5[%run_scoped3A_75, %dma_wait3A_247] : memref<2x64xi32, #tpu.memory_space<vmem>> -> memref<1x64xi32, #tpu.memory_space<vmem>>
      %dma_wait3A_249 = tpu.memref_squeeze %dma_wait3A_248 : memref<1x64xi32, #tpu.memory_space<vmem>> -> memref<64xi32, #tpu.memory_space<vmem>>
      %dma_wait3A_250 = tpu.memref_slice %arg3[%add3A_74] : memref<16384xi32, #tpu.memory_space<hbm>> -> memref<64xi32, #tpu.memory_space<hbm>>
      %dma_wait3A_251 = arith.constant 0 : i32
      %dma_wait3A_252 = tpu.memref_slice %arg5[%run_scoped3A_75, %dma_wait3A_251] : memref<2x64xi32, #tpu.memory_space<vmem>> -> memref<1x64xi32, #tpu.memory_space<vmem>>
      %dma_wait3A_253 = tpu.memref_squeeze %dma_wait3A_252 : memref<1x64xi32, #tpu.memory_space<vmem>> -> memref<64xi32, #tpu.memory_space<vmem>>
      %dma_wait3A_254 = tpu.memref_slice %arg3[%add3A_74] : memref<16384xi32, #tpu.memory_space<hbm>> -> memref<64xi32, #tpu.memory_space<hbm>>
      tpu.wait_dma2 semaphore(%run_scoped3A_238 : memref<!tpu.dma_semaphore, #tpu.memory_space<semaphore_mem>>) src(%dma_wait3A_254 : memref<64xi32, #tpu.memory_space<hbm>>) dst(%dma_wait3A_253 : memref<64xi32, #tpu.memory_space<vmem>>)
      tpu.yield
    }) : () -> ()
    %dma_start3A_76 = arith.constant 1 : i32
    %dma_start3A_77 = arith.constant 1 : i32
    %dma_start3A_78 = arith.constant 0 : i32
    %dma_start3A_79 = arith.constant 0 : i32
    %dma_start3A_80 = tpu.memref_slice %arg6[%dma_start3A_77, %dma_start3A_78, %dma_start3A_79] : memref<2x64x512xf32, #tpu.memory_space<vmem>> -> memref<1x64x512xf32, #tpu.memory_space<vmem>>
    %dma_start3A_81 = tpu.memref_squeeze %dma_start3A_80 : memref<1x64x512xf32, #tpu.memory_space<vmem>> -> memref<64x512xf32, #tpu.memory_space<vmem>>
    %dma_start3A_82 = arith.constant 0 : i32
    %dma_start3A_83 = tpu.memref_slice %arg5[%dma_start3A_76, %dma_start3A_82] : memref<2x64xi32, #tpu.memory_space<vmem>> -> memref<1x64xi32, #tpu.memory_space<vmem>>
    %dma_start3A_84 = tpu.memref_squeeze %dma_start3A_83 : memref<1x64xi32, #tpu.memory_space<vmem>> -> memref<64xi32, #tpu.memory_space<vmem>>
    %dma_start3A_85 = arith.constant 0 : i32
    %dma_start3A_86 = arith.constant 0 : i32
    %dma_start3A_87 = tpu.memref_slice %arg2[%dma_start3A_85, %dma_start3A_86] : memref<1000x512xf32, #tpu.memory_space<hbm>> -> memref<1000x512xf32, #tpu.memory_space<hbm>>
    tpu.enqueue_indirect_dma source(%dma_start3A_87 : memref<1000x512xf32, #tpu.memory_space<hbm>>) target(%dma_start3A_81 : memref<64x512xf32, #tpu.memory_space<vmem>>) offsets(%dma_start3A_84 : memref<64xi32, #tpu.memory_space<vmem>>) semaphore(%arg8 : memref<!tpu.dma_semaphore, #tpu.memory_space<semaphore_mem>>)
    %dma_wait3A_88 = arith.constant 0 : i32
    %dma_wait3A_89 = arith.constant 0 : i32
    %dma_wait3A_90 = arith.constant 0 : i32
    %dma_wait3A_91 = arith.constant 0 : i32
    %dma_wait3A_92 = tpu.memref_slice %arg6[%dma_wait3A_89, %dma_wait3A_90, %dma_wait3A_91] : memref<2x64x512xf32, #tpu.memory_space<vmem>> -> memref<1x64x512xf32, #tpu.memory_space<vmem>>
    %dma_wait3A_93 = tpu.memref_squeeze %dma_wait3A_92 : memref<1x64x512xf32, #tpu.memory_space<vmem>> -> memref<64x512xf32, #tpu.memory_space<vmem>>
    %dma_wait3A_94 = arith.constant 0 : i32
    %dma_wait3A_95 = tpu.memref_slice %arg5[%dma_wait3A_88, %dma_wait3A_94] : memref<2x64xi32, #tpu.memory_space<vmem>> -> memref<1x64xi32, #tpu.memory_space<vmem>>
    %dma_wait3A_96 = tpu.memref_squeeze %dma_wait3A_95 : memref<1x64xi32, #tpu.memory_space<vmem>> -> memref<64xi32, #tpu.memory_space<vmem>>
    %dma_wait3A_97 = arith.constant 0 : i32
    %dma_wait3A_98 = arith.constant 0 : i32
    %dma_wait3A_99 = tpu.memref_slice %arg2[%dma_wait3A_97, %dma_wait3A_98] : memref<1000x512xf32, #tpu.memory_space<hbm>> -> memref<1000x512xf32, #tpu.memory_space<hbm>>
    tpu.wait_indirect_dma semaphore(%arg7 : memref<!tpu.dma_semaphore, #tpu.memory_space<semaphore_mem>>) src(%dma_wait3A_99 : memref<1000x512xf32, #tpu.memory_space<hbm>>) dst(%dma_wait3A_93 : memref<64x512xf32, #tpu.memory_space<vmem>>)
    %add3A_100 = arith.constant 128 : i32
    %add3A_101 = arith.addi %mul3A_2, %add3A_100 : i32
    %run_scoped3A_102 = arith.constant 0 : i32
    "tpu.region"() ({
      %run_scoped3A_238 = tpu.sem_alloc : memref<!tpu.dma_semaphore, #tpu.memory_space<semaphore_mem>>
      %dma_start3A_239 = arith.constant 0 : i32
      %dma_start3A_240 = arith.constant 0 : i32
      %dma_start3A_241 = tpu.memref_slice %arg6[%run_scoped3A_102, %dma_start3A_239, %dma_start3A_240] : memref<2x64x512xf32, #tpu.memory_space<vmem>> -> memref<1x64x512xf32, #tpu.memory_space<vmem>>
      %dma_start3A_242 = tpu.memref_squeeze %dma_start3A_241 : memref<1x64x512xf32, #tpu.memory_space<vmem>> -> memref<64x512xf32, #tpu.memory_space<vmem>>
      %dma_start3A_243 = arith.constant 0 : i32
      %dma_start3A_244 = tpu.memref_slice %arg4[%add3A_101, %dma_start3A_243] : memref<16384x512xf32, #tpu.memory_space<hbm>> -> memref<64x512xf32, #tpu.memory_space<hbm>>
      %dma_start3A_245 = arith.constant 0 : i32
      %dma_start3A_246 = tpu.memref_slice %arg4[%add3A_101, %dma_start3A_245] : memref<16384x512xf32, #tpu.memory_space<hbm>> -> memref<64x512xf32, #tpu.memory_space<hbm>>
      %dma_start3A_247 = arith.constant 0 : i32
      %dma_start3A_248 = arith.constant 0 : i32
      %dma_start3A_249 = tpu.memref_slice %arg6[%run_scoped3A_102, %dma_start3A_247, %dma_start3A_248] : memref<2x64x512xf32, #tpu.memory_space<vmem>> -> memref<1x64x512xf32, #tpu.memory_space<vmem>>
      %dma_start3A_250 = tpu.memref_squeeze %dma_start3A_249 : memref<1x64x512xf32, #tpu.memory_space<vmem>> -> memref<64x512xf32, #tpu.memory_space<vmem>>
      tpu.enqueue_dma source(%dma_start3A_250 : memref<64x512xf32, #tpu.memory_space<vmem>>) target(%dma_start3A_246 : memref<64x512xf32, #tpu.memory_space<hbm>>) target_semaphore(%run_scoped3A_238 : memref<!tpu.dma_semaphore, #tpu.memory_space<semaphore_mem>>)
      %dma_wait3A_251 = arith.constant 0 : i32
      %dma_wait3A_252 = arith.constant 0 : i32
      %dma_wait3A_253 = tpu.memref_slice %arg6[%run_scoped3A_102, %dma_wait3A_251, %dma_wait3A_252] : memref<2x64x512xf32, #tpu.memory_space<vmem>> -> memref<1x64x512xf32, #tpu.memory_space<vmem>>
      %dma_wait3A_254 = tpu.memref_squeeze %dma_wait3A_253 : memref<1x64x512xf32, #tpu.memory_space<vmem>> -> memref<64x512xf32, #tpu.memory_space<vmem>>
      %dma_wait3A_255 = arith.constant 0 : i32
      %dma_wait3A_256 = tpu.memref_slice %arg4[%add3A_101, %dma_wait3A_255] : memref<16384x512xf32, #tpu.memory_space<hbm>> -> memref<64x512xf32, #tpu.memory_space<hbm>>
      %dma_wait3A_257 = arith.constant 0 : i32
      %dma_wait3A_258 = tpu.memref_slice %arg4[%add3A_101, %dma_wait3A_257] : memref<16384x512xf32, #tpu.memory_space<hbm>> -> memref<64x512xf32, #tpu.memory_space<hbm>>
      %dma_wait3A_259 = arith.constant 0 : i32
      %dma_wait3A_260 = arith.constant 0 : i32
      %dma_wait3A_261 = tpu.memref_slice %arg6[%run_scoped3A_102, %dma_wait3A_259, %dma_wait3A_260] : memref<2x64x512xf32, #tpu.memory_space<vmem>> -> memref<1x64x512xf32, #tpu.memory_space<vmem>>
      %dma_wait3A_262 = tpu.memref_squeeze %dma_wait3A_261 : memref<1x64x512xf32, #tpu.memory_space<vmem>> -> memref<64x512xf32, #tpu.memory_space<vmem>>
      tpu.wait_dma2 semaphore(%run_scoped3A_238 : memref<!tpu.dma_semaphore, #tpu.memory_space<semaphore_mem>>) src(%dma_wait3A_262 : memref<64x512xf32, #tpu.memory_space<vmem>>) dst(%dma_wait3A_258 : memref<64x512xf32, #tpu.memory_space<hbm>>)
      tpu.yield
    }) : () -> ()
    %add3A_103 = arith.constant 256 : i32
    %add3A_104 = arith.addi %mul3A_2, %add3A_103 : i32
    %run_scoped3A_105 = arith.constant 0 : i32
    "tpu.region"() ({
      %run_scoped3A_238 = tpu.sem_alloc : memref<!tpu.dma_semaphore, #tpu.memory_space<semaphore_mem>>
      %dma_start3A_239 = arith.constant 0 : i32
      %dma_start3A_240 = tpu.memref_slice %arg5[%run_scoped3A_105, %dma_start3A_239] : memref<2x64xi32, #tpu.memory_space<vmem>> -> memref<1x64xi32, #tpu.memory_space<vmem>>
      %dma_start3A_241 = tpu.memref_squeeze %dma_start3A_240 : memref<1x64xi32, #tpu.memory_space<vmem>> -> memref<64xi32, #tpu.memory_space<vmem>>
      %dma_start3A_242 = tpu.memref_slice %arg3[%add3A_104] : memref<16384xi32, #tpu.memory_space<hbm>> -> memref<64xi32, #tpu.memory_space<hbm>>
      %dma_start3A_243 = arith.constant 0 : i32
      %dma_start3A_244 = tpu.memref_slice %arg5[%run_scoped3A_105, %dma_start3A_243] : memref<2x64xi32, #tpu.memory_space<vmem>> -> memref<1x64xi32, #tpu.memory_space<vmem>>
      %dma_start3A_245 = tpu.memref_squeeze %dma_start3A_244 : memref<1x64xi32, #tpu.memory_space<vmem>> -> memref<64xi32, #tpu.memory_space<vmem>>
      %dma_start3A_246 = tpu.memref_slice %arg3[%add3A_104] : memref<16384xi32, #tpu.memory_space<hbm>> -> memref<64xi32, #tpu.memory_space<hbm>>
      tpu.enqueue_dma source(%dma_start3A_246 : memref<64xi32, #tpu.memory_space<hbm>>) target(%dma_start3A_245 : memref<64xi32, #tpu.memory_space<vmem>>) target_semaphore(%run_scoped3A_238 : memref<!tpu.dma_semaphore, #tpu.memory_space<semaphore_mem>>)
      %dma_wait3A_247 = arith.constant 0 : i32
      %dma_wait3A_248 = tpu.memref_slice %arg5[%run_scoped3A_105, %dma_wait3A_247] : memref<2x64xi32, #tpu.memory_space<vmem>> -> memref<1x64xi32, #tpu.memory_space<vmem>>
      %dma_wait3A_249 = tpu.memref_squeeze %dma_wait3A_248 : memref<1x64xi32, #tpu.memory_space<vmem>> -> memref<64xi32, #tpu.memory_space<vmem>>
      %dma_wait3A_250 = tpu.memref_slice %arg3[%add3A_104] : memref<16384xi32, #tpu.memory_space<hbm>> -> memref<64xi32, #tpu.memory_space<hbm>>
      %dma_wait3A_251 = arith.constant 0 : i32
      %dma_wait3A_252 = tpu.memref_slice %arg5[%run_scoped3A_105, %dma_wait3A_251] : memref<2x64xi32, #tpu.memory_space<vmem>> -> memref<1x64xi32, #tpu.memory_space<vmem>>
      %dma_wait3A_253 = tpu.memref_squeeze %dma_wait3A_252 : memref<1x64xi32, #tpu.memory_space<vmem>> -> memref<64xi32, #tpu.memory_space<vmem>>
      %dma_wait3A_254 = tpu.memref_slice %arg3[%add3A_104] : memref<16384xi32, #tpu.memory_space<hbm>> -> memref<64xi32, #tpu.memory_space<hbm>>
      tpu.wait_dma2 semaphore(%run_scoped3A_238 : memref<!tpu.dma_semaphore, #tpu.memory_space<semaphore_mem>>) src(%dma_wait3A_254 : memref<64xi32, #tpu.memory_space<hbm>>) dst(%dma_wait3A_253 : memref<64xi32, #tpu.memory_space<vmem>>)
      tpu.yield
    }) : () -> ()
    %dma_start3A_106 = arith.constant 0 : i32
    %dma_start3A_107 = arith.constant 0 : i32
    %dma_start3A_108 = arith.constant 0 : i32
    %dma_start3A_109 = arith.constant 0 : i32
    %dma_start3A_110 = tpu.memref_slice %arg6[%dma_start3A_107, %dma_start3A_108, %dma_start3A_109] : memref<2x64x512xf32, #tpu.memory_space<vmem>> -> memref<1x64x512xf32, #tpu.memory_space<vmem>>
    %dma_start3A_111 = tpu.memref_squeeze %dma_start3A_110 : memref<1x64x512xf32, #tpu.memory_space<vmem>> -> memref<64x512xf32, #tpu.memory_space<vmem>>
    %dma_start3A_112 = arith.constant 0 : i32
    %dma_start3A_113 = tpu.memref_slice %arg5[%dma_start3A_106, %dma_start3A_112] : memref<2x64xi32, #tpu.memory_space<vmem>> -> memref<1x64xi32, #tpu.memory_space<vmem>>
    %dma_start3A_114 = tpu.memref_squeeze %dma_start3A_113 : memref<1x64xi32, #tpu.memory_space<vmem>> -> memref<64xi32, #tpu.memory_space<vmem>>
    %dma_start3A_115 = arith.constant 0 : i32
    %dma_start3A_116 = arith.constant 0 : i32
    %dma_start3A_117 = tpu.memref_slice %arg2[%dma_start3A_115, %dma_start3A_116] : memref<1000x512xf32, #tpu.memory_space<hbm>> -> memref<1000x512xf32, #tpu.memory_space<hbm>>
    tpu.enqueue_indirect_dma source(%dma_start3A_117 : memref<1000x512xf32, #tpu.memory_space<hbm>>) target(%dma_start3A_111 : memref<64x512xf32, #tpu.memory_space<vmem>>) offsets(%dma_start3A_114 : memref<64xi32, #tpu.memory_space<vmem>>) semaphore(%arg7 : memref<!tpu.dma_semaphore, #tpu.memory_space<semaphore_mem>>)
    %dma_wait3A_118 = arith.constant 1 : i32
    %dma_wait3A_119 = arith.constant 1 : i32
    %dma_wait3A_120 = arith.constant 0 : i32
    %dma_wait3A_121 = arith.constant 0 : i32
    %dma_wait3A_122 = tpu.memref_slice %arg6[%dma_wait3A_119, %dma_wait3A_120, %dma_wait3A_121] : memref<2x64x512xf32, #tpu.memory_space<vmem>> -> memref<1x64x512xf32, #tpu.memory_space<vmem>>
    %dma_wait3A_123 = tpu.memref_squeeze %dma_wait3A_122 : memref<1x64x512xf32, #tpu.memory_space<vmem>> -> memref<64x512xf32, #tpu.memory_space<vmem>>
    %dma_wait3A_124 = arith.constant 0 : i32
    %dma_wait3A_125 = tpu.memref_slice %arg5[%dma_wait3A_118, %dma_wait3A_124] : memref<2x64xi32, #tpu.memory_space<vmem>> -> memref<1x64xi32, #tpu.memory_space<vmem>>
    %dma_wait3A_126 = tpu.memref_squeeze %dma_wait3A_125 : memref<1x64xi32, #tpu.memory_space<vmem>> -> memref<64xi32, #tpu.memory_space<vmem>>
    %dma_wait3A_127 = arith.constant 0 : i32
    %dma_wait3A_128 = arith.constant 0 : i32
    %dma_wait3A_129 = tpu.memref_slice %arg2[%dma_wait3A_127, %dma_wait3A_128] : memref<1000x512xf32, #tpu.memory_space<hbm>> -> memref<1000x512xf32, #tpu.memory_space<hbm>>
    tpu.wait_indirect_dma semaphore(%arg8 : memref<!tpu.dma_semaphore, #tpu.memory_space<semaphore_mem>>) src(%dma_wait3A_129 : memref<1000x512xf32, #tpu.memory_space<hbm>>) dst(%dma_wait3A_123 : memref<64x512xf32, #tpu.memory_space<vmem>>)
    %add3A_130 = arith.constant 192 : i32
    %add3A_131 = arith.addi %mul3A_2, %add3A_130 : i32
    %run_scoped3A_132 = arith.constant 1 : i32
    "tpu.region"() ({
      %run_scoped3A_238 = tpu.sem_alloc : memref<!tpu.dma_semaphore, #tpu.memory_space<semaphore_mem>>
      %dma_start3A_239 = arith.constant 0 : i32
      %dma_start3A_240 = arith.constant 0 : i32
      %dma_start3A_241 = tpu.memref_slice %arg6[%run_scoped3A_132, %dma_start3A_239, %dma_start3A_240] : memref<2x64x512xf32, #tpu.memory_space<vmem>> -> memref<1x64x512xf32, #tpu.memory_space<vmem>>
      %dma_start3A_242 = tpu.memref_squeeze %dma_start3A_241 : memref<1x64x512xf32, #tpu.memory_space<vmem>> -> memref<64x512xf32, #tpu.memory_space<vmem>>
      %dma_start3A_243 = arith.constant 0 : i32
      %dma_start3A_244 = tpu.memref_slice %arg4[%add3A_131, %dma_start3A_243] : memref<16384x512xf32, #tpu.memory_space<hbm>> -> memref<64x512xf32, #tpu.memory_space<hbm>>
      %dma_start3A_245 = arith.constant 0 : i32
      %dma_start3A_246 = tpu.memref_slice %arg4[%add3A_131, %dma_start3A_245] : memref<16384x512xf32, #tpu.memory_space<hbm>> -> memref<64x512xf32, #tpu.memory_space<hbm>>
      %dma_start3A_247 = arith.constant 0 : i32
      %dma_start3A_248 = arith.constant 0 : i32
      %dma_start3A_249 = tpu.memref_slice %arg6[%run_scoped3A_132, %dma_start3A_247, %dma_start3A_248] : memref<2x64x512xf32, #tpu.memory_space<vmem>> -> memref<1x64x512xf32, #tpu.memory_space<vmem>>
      %dma_start3A_250 = tpu.memref_squeeze %dma_start3A_249 : memref<1x64x512xf32, #tpu.memory_space<vmem>> -> memref<64x512xf32, #tpu.memory_space<vmem>>
      tpu.enqueue_dma source(%dma_start3A_250 : memref<64x512xf32, #tpu.memory_space<vmem>>) target(%dma_start3A_246 : memref<64x512xf32, #tpu.memory_space<hbm>>) target_semaphore(%run_scoped3A_238 : memref<!tpu.dma_semaphore, #tpu.memory_space<semaphore_mem>>)
      %dma_wait3A_251 = arith.constant 0 : i32
      %dma_wait3A_252 = arith.constant 0 : i32
      %dma_wait3A_253 = tpu.memref_slice %arg6[%run_scoped3A_132, %dma_wait3A_251, %dma_wait3A_252] : memref<2x64x512xf32, #tpu.memory_space<vmem>> -> memref<1x64x512xf32, #tpu.memory_space<vmem>>
      %dma_wait3A_254 = tpu.memref_squeeze %dma_wait3A_253 : memref<1x64x512xf32, #tpu.memory_space<vmem>> -> memref<64x512xf32, #tpu.memory_space<vmem>>
      %dma_wait3A_255 = arith.constant 0 : i32
      %dma_wait3A_256 = tpu.memref_slice %arg4[%add3A_131, %dma_wait3A_255] : memref<16384x512xf32, #tpu.memory_space<hbm>> -> memref<64x512xf32, #tpu.memory_space<hbm>>
      %dma_wait3A_257 = arith.constant 0 : i32
      %dma_wait3A_258 = tpu.memref_slice %arg4[%add3A_131, %dma_wait3A_257] : memref<16384x512xf32, #tpu.memory_space<hbm>> -> memref<64x512xf32, #tpu.memory_space<hbm>>
      %dma_wait3A_259 = arith.constant 0 : i32
      %dma_wait3A_260 = arith.constant 0 : i32
      %dma_wait3A_261 = tpu.memref_slice %arg6[%run_scoped3A_132, %dma_wait3A_259, %dma_wait3A_260] : memref<2x64x512xf32, #tpu.memory_space<vmem>> -> memref<1x64x512xf32, #tpu.memory_space<vmem>>
      %dma_wait3A_262 = tpu.memref_squeeze %dma_wait3A_261 : memref<1x64x512xf32, #tpu.memory_space<vmem>> -> memref<64x512xf32, #tpu.memory_space<vmem>>
      tpu.wait_dma2 semaphore(%run_scoped3A_238 : memref<!tpu.dma_semaphore, #tpu.memory_space<semaphore_mem>>) src(%dma_wait3A_262 : memref<64x512xf32, #tpu.memory_space<vmem>>) dst(%dma_wait3A_258 : memref<64x512xf32, #tpu.memory_space<hbm>>)
      tpu.yield
    }) : () -> ()
    %add3A_133 = arith.constant 320 : i32
    %add3A_134 = arith.addi %mul3A_2, %add3A_133 : i32
    %run_scoped3A_135 = arith.constant 1 : i32
    "tpu.region"() ({
      %run_scoped3A_238 = tpu.sem_alloc : memref<!tpu.dma_semaphore, #tpu.memory_space<semaphore_mem>>
      %dma_start3A_239 = arith.constant 0 : i32
      %dma_start3A_240 = tpu.memref_slice %arg5[%run_scoped3A_135, %dma_start3A_239] : memref<2x64xi32, #tpu.memory_space<vmem>> -> memref<1x64xi32, #tpu.memory_space<vmem>>
      %dma_start3A_241 = tpu.memref_squeeze %dma_start3A_240 : memref<1x64xi32, #tpu.memory_space<vmem>> -> memref<64xi32, #tpu.memory_space<vmem>>
      %dma_start3A_242 = tpu.memref_slice %arg3[%add3A_134] : memref<16384xi32, #tpu.memory_space<hbm>> -> memref<64xi32, #tpu.memory_space<hbm>>
      %dma_start3A_243 = arith.constant 0 : i32
      %dma_start3A_244 = tpu.memref_slice %arg5[%run_scoped3A_135, %dma_start3A_243] : memref<2x64xi32, #tpu.memory_space<vmem>> -> memref<1x64xi32, #tpu.memory_space<vmem>>
      %dma_start3A_245 = tpu.memref_squeeze %dma_start3A_244 : memref<1x64xi32, #tpu.memory_space<vmem>> -> memref<64xi32, #tpu.memory_space<vmem>>
      %dma_start3A_246 = tpu.memref_slice %arg3[%add3A_134] : memref<16384xi32, #tpu.memory_space<hbm>> -> memref<64xi32, #tpu.memory_space<hbm>>
      tpu.enqueue_dma source(%dma_start3A_246 : memref<64xi32, #tpu.memory_space<hbm>>) target(%dma_start3A_245 : memref<64xi32, #tpu.memory_space<vmem>>) target_semaphore(%run_scoped3A_238 : memref<!tpu.dma_semaphore, #tpu.memory_space<semaphore_mem>>)
      %dma_wait3A_247 = arith.constant 0 : i32
      %dma_wait3A_248 = tpu.memref_slice %arg5[%run_scoped3A_135, %dma_wait3A_247] : memref<2x64xi32, #tpu.memory_space<vmem>> -> memref<1x64xi32, #tpu.memory_space<vmem>>
      %dma_wait3A_249 = tpu.memref_squeeze %dma_wait3A_248 : memref<1x64xi32, #tpu.memory_space<vmem>> -> memref<64xi32, #tpu.memory_space<vmem>>
      %dma_wait3A_250 = tpu.memref_slice %arg3[%add3A_134] : memref<16384xi32, #tpu.memory_space<hbm>> -> memref<64xi32, #tpu.memory_space<hbm>>
      %dma_wait3A_251 = arith.constant 0 : i32
      %dma_wait3A_252 = tpu.memref_slice %arg5[%run_scoped3A_135, %dma_wait3A_251] : memref<2x64xi32, #tpu.memory_space<vmem>> -> memref<1x64xi32, #tpu.memory_space<vmem>>
      %dma_wait3A_253 = tpu.memref_squeeze %dma_wait3A_252 : memref<1x64xi32, #tpu.memory_space<vmem>> -> memref<64xi32, #tpu.memory_space<vmem>>
      %dma_wait3A_254 = tpu.memref_slice %arg3[%add3A_134] : memref<16384xi32, #tpu.memory_space<hbm>> -> memref<64xi32, #tpu.memory_space<hbm>>
      tpu.wait_dma2 semaphore(%run_scoped3A_238 : memref<!tpu.dma_semaphore, #tpu.memory_space<semaphore_mem>>) src(%dma_wait3A_254 : memref<64xi32, #tpu.memory_space<hbm>>) dst(%dma_wait3A_253 : memref<64xi32, #tpu.memory_space<vmem>>)
      tpu.yield
    }) : () -> ()
    %dma_start3A_136 = arith.constant 1 : i32
    %dma_start3A_137 = arith.constant 1 : i32
    %dma_start3A_138 = arith.constant 0 : i32
    %dma_start3A_139 = arith.constant 0 : i32
    %dma_start3A_140 = tpu.memref_slice %arg6[%dma_start3A_137, %dma_start3A_138, %dma_start3A_139] : memref<2x64x512xf32, #tpu.memory_space<vmem>> -> memref<1x64x512xf32, #tpu.memory_space<vmem>>
    %dma_start3A_141 = tpu.memref_squeeze %dma_start3A_140 : memref<1x64x512xf32, #tpu.memory_space<vmem>> -> memref<64x512xf32, #tpu.memory_space<vmem>>
    %dma_start3A_142 = arith.constant 0 : i32
    %dma_start3A_143 = tpu.memref_slice %arg5[%dma_start3A_136, %dma_start3A_142] : memref<2x64xi32, #tpu.memory_space<vmem>> -> memref<1x64xi32, #tpu.memory_space<vmem>>
    %dma_start3A_144 = tpu.memref_squeeze %dma_start3A_143 : memref<1x64xi32, #tpu.memory_space<vmem>> -> memref<64xi32, #tpu.memory_space<vmem>>
    %dma_start3A_145 = arith.constant 0 : i32
    %dma_start3A_146 = arith.constant 0 : i32
    %dma_start3A_147 = tpu.memref_slice %arg2[%dma_start3A_145, %dma_start3A_146] : memref<1000x512xf32, #tpu.memory_space<hbm>> -> memref<1000x512xf32, #tpu.memory_space<hbm>>
    tpu.enqueue_indirect_dma source(%dma_start3A_147 : memref<1000x512xf32, #tpu.memory_space<hbm>>) target(%dma_start3A_141 : memref<64x512xf32, #tpu.memory_space<vmem>>) offsets(%dma_start3A_144 : memref<64xi32, #tpu.memory_space<vmem>>) semaphore(%arg8 : memref<!tpu.dma_semaphore, #tpu.memory_space<semaphore_mem>>)
    %dma_wait3A_148 = arith.constant 0 : i32
    %dma_wait3A_149 = arith.constant 0 : i32
    %dma_wait3A_150 = arith.constant 0 : i32
    %dma_wait3A_151 = arith.constant 0 : i32
    %dma_wait3A_152 = tpu.memref_slice %arg6[%dma_wait3A_149, %dma_wait3A_150, %dma_wait3A_151] : memref<2x64x512xf32, #tpu.memory_space<vmem>> -> memref<1x64x512xf32, #tpu.memory_space<vmem>>
    %dma_wait3A_153 = tpu.memref_squeeze %dma_wait3A_152 : memref<1x64x512xf32, #tpu.memory_space<vmem>> -> memref<64x512xf32, #tpu.memory_space<vmem>>
    %dma_wait3A_154 = arith.constant 0 : i32
    %dma_wait3A_155 = tpu.memref_slice %arg5[%dma_wait3A_148, %dma_wait3A_154] : memref<2x64xi32, #tpu.memory_space<vmem>> -> memref<1x64xi32, #tpu.memory_space<vmem>>
    %dma_wait3A_156 = tpu.memref_squeeze %dma_wait3A_155 : memref<1x64xi32, #tpu.memory_space<vmem>> -> memref<64xi32, #tpu.memory_space<vmem>>
    %dma_wait3A_157 = arith.constant 0 : i32
    %dma_wait3A_158 = arith.constant 0 : i32
    %dma_wait3A_159 = tpu.memref_slice %arg2[%dma_wait3A_157, %dma_wait3A_158] : memref<1000x512xf32, #tpu.memory_space<hbm>> -> memref<1000x512xf32, #tpu.memory_space<hbm>>
    tpu.wait_indirect_dma semaphore(%arg7 : memref<!tpu.dma_semaphore, #tpu.memory_space<semaphore_mem>>) src(%dma_wait3A_159 : memref<1000x512xf32, #tpu.memory_space<hbm>>) dst(%dma_wait3A_153 : memref<64x512xf32, #tpu.memory_space<vmem>>)
    %add3A_160 = arith.constant 256 : i32
    %add3A_161 = arith.addi %mul3A_2, %add3A_160 : i32
    %run_scoped3A_162 = arith.constant 0 : i32
    "tpu.region"() ({
      %run_scoped3A_238 = tpu.sem_alloc : memref<!tpu.dma_semaphore, #tpu.memory_space<semaphore_mem>>
      %dma_start3A_239 = arith.constant 0 : i32
      %dma_start3A_240 = arith.constant 0 : i32
      %dma_start3A_241 = tpu.memref_slice %arg6[%run_scoped3A_162, %dma_start3A_239, %dma_start3A_240] : memref<2x64x512xf32, #tpu.memory_space<vmem>> -> memref<1x64x512xf32, #tpu.memory_space<vmem>>
      %dma_start3A_242 = tpu.memref_squeeze %dma_start3A_241 : memref<1x64x512xf32, #tpu.memory_space<vmem>> -> memref<64x512xf32, #tpu.memory_space<vmem>>
      %dma_start3A_243 = arith.constant 0 : i32
      %dma_start3A_244 = tpu.memref_slice %arg4[%add3A_161, %dma_start3A_243] : memref<16384x512xf32, #tpu.memory_space<hbm>> -> memref<64x512xf32, #tpu.memory_space<hbm>>
      %dma_start3A_245 = arith.constant 0 : i32
      %dma_start3A_246 = tpu.memref_slice %arg4[%add3A_161, %dma_start3A_245] : memref<16384x512xf32, #tpu.memory_space<hbm>> -> memref<64x512xf32, #tpu.memory_space<hbm>>
      %dma_start3A_247 = arith.constant 0 : i32
      %dma_start3A_248 = arith.constant 0 : i32
      %dma_start3A_249 = tpu.memref_slice %arg6[%run_scoped3A_162, %dma_start3A_247, %dma_start3A_248] : memref<2x64x512xf32, #tpu.memory_space<vmem>> -> memref<1x64x512xf32, #tpu.memory_space<vmem>>
      %dma_start3A_250 = tpu.memref_squeeze %dma_start3A_249 : memref<1x64x512xf32, #tpu.memory_space<vmem>> -> memref<64x512xf32, #tpu.memory_space<vmem>>
      tpu.enqueue_dma source(%dma_start3A_250 : memref<64x512xf32, #tpu.memory_space<vmem>>) target(%dma_start3A_246 : memref<64x512xf32, #tpu.memory_space<hbm>>) target_semaphore(%run_scoped3A_238 : memref<!tpu.dma_semaphore, #tpu.memory_space<semaphore_mem>>)
      %dma_wait3A_251 = arith.constant 0 : i32
      %dma_wait3A_252 = arith.constant 0 : i32
      %dma_wait3A_253 = tpu.memref_slice %arg6[%run_scoped3A_162, %dma_wait3A_251, %dma_wait3A_252] : memref<2x64x512xf32, #tpu.memory_space<vmem>> -> memref<1x64x512xf32, #tpu.memory_space<vmem>>
      %dma_wait3A_254 = tpu.memref_squeeze %dma_wait3A_253 : memref<1x64x512xf32, #tpu.memory_space<vmem>> -> memref<64x512xf32, #tpu.memory_space<vmem>>
      %dma_wait3A_255 = arith.constant 0 : i32
      %dma_wait3A_256 = tpu.memref_slice %arg4[%add3A_161, %dma_wait3A_255] : memref<16384x512xf32, #tpu.memory_space<hbm>> -> memref<64x512xf32, #tpu.memory_space<hbm>>
      %dma_wait3A_257 = arith.constant 0 : i32
      %dma_wait3A_258 = tpu.memref_slice %arg4[%add3A_161, %dma_wait3A_257] : memref<16384x512xf32, #tpu.memory_space<hbm>> -> memref<64x512xf32, #tpu.memory_space<hbm>>
      %dma_wait3A_259 = arith.constant 0 : i32
      %dma_wait3A_260 = arith.constant 0 : i32
      %dma_wait3A_261 = tpu.memref_slice %arg6[%run_scoped3A_162, %dma_wait3A_259, %dma_wait3A_260] : memref<2x64x512xf32, #tpu.memory_space<vmem>> -> memref<1x64x512xf32, #tpu.memory_space<vmem>>
      %dma_wait3A_262 = tpu.memref_squeeze %dma_wait3A_261 : memref<1x64x512xf32, #tpu.memory_space<vmem>> -> memref<64x512xf32, #tpu.memory_space<vmem>>
      tpu.wait_dma2 semaphore(%run_scoped3A_238 : memref<!tpu.dma_semaphore, #tpu.memory_space<semaphore_mem>>) src(%dma_wait3A_262 : memref<64x512xf32, #tpu.memory_space<vmem>>) dst(%dma_wait3A_258 : memref<64x512xf32, #tpu.memory_space<hbm>>)
      tpu.yield
    }) : () -> ()
    %add3A_163 = arith.constant 384 : i32
    %add3A_164 = arith.addi %mul3A_2, %add3A_163 : i32
    %run_scoped3A_165 = arith.constant 0 : i32
    "tpu.region"() ({
      %run_scoped3A_238 = tpu.sem_alloc : memref<!tpu.dma_semaphore, #tpu.memory_space<semaphore_mem>>
      %dma_start3A_239 = arith.constant 0 : i32
      %dma_start3A_240 = tpu.memref_slice %arg5[%run_scoped3A_165, %dma_start3A_239] : memref<2x64xi32, #tpu.memory_space<vmem>> -> memref<1x64xi32, #tpu.memory_space<vmem>>
      %dma_start3A_241 = tpu.memref_squeeze %dma_start3A_240 : memref<1x64xi32, #tpu.memory_space<vmem>> -> memref<64xi32, #tpu.memory_space<vmem>>
      %dma_start3A_242 = tpu.memref_slice %arg3[%add3A_164] : memref<16384xi32, #tpu.memory_space<hbm>> -> memref<64xi32, #tpu.memory_space<hbm>>
      %dma_start3A_243 = arith.constant 0 : i32
      %dma_start3A_244 = tpu.memref_slice %arg5[%run_scoped3A_165, %dma_start3A_243] : memref<2x64xi32, #tpu.memory_space<vmem>> -> memref<1x64xi32, #tpu.memory_space<vmem>>
      %dma_start3A_245 = tpu.memref_squeeze %dma_start3A_244 : memref<1x64xi32, #tpu.memory_space<vmem>> -> memref<64xi32, #tpu.memory_space<vmem>>
      %dma_start3A_246 = tpu.memref_slice %arg3[%add3A_164] : memref<16384xi32, #tpu.memory_space<hbm>> -> memref<64xi32, #tpu.memory_space<hbm>>
      tpu.enqueue_dma source(%dma_start3A_246 : memref<64xi32, #tpu.memory_space<hbm>>) target(%dma_start3A_245 : memref<64xi32, #tpu.memory_space<vmem>>) target_semaphore(%run_scoped3A_238 : memref<!tpu.dma_semaphore, #tpu.memory_space<semaphore_mem>>)
      %dma_wait3A_247 = arith.constant 0 : i32
      %dma_wait3A_248 = tpu.memref_slice %arg5[%run_scoped3A_165, %dma_wait3A_247] : memref<2x64xi32, #tpu.memory_space<vmem>> -> memref<1x64xi32, #tpu.memory_space<vmem>>
      %dma_wait3A_249 = tpu.memref_squeeze %dma_wait3A_248 : memref<1x64xi32, #tpu.memory_space<vmem>> -> memref<64xi32, #tpu.memory_space<vmem>>
      %dma_wait3A_250 = tpu.memref_slice %arg3[%add3A_164] : memref<16384xi32, #tpu.memory_space<hbm>> -> memref<64xi32, #tpu.memory_space<hbm>>
      %dma_wait3A_251 = arith.constant 0 : i32
      %dma_wait3A_252 = tpu.memref_slice %arg5[%run_scoped3A_165, %dma_wait3A_251] : memref<2x64xi32, #tpu.memory_space<vmem>> -> memref<1x64xi32, #tpu.memory_space<vmem>>
      %dma_wait3A_253 = tpu.memref_squeeze %dma_wait3A_252 : memref<1x64xi32, #tpu.memory_space<vmem>> -> memref<64xi32, #tpu.memory_space<vmem>>
      %dma_wait3A_254 = tpu.memref_slice %arg3[%add3A_164] : memref<16384xi32, #tpu.memory_space<hbm>> -> memref<64xi32, #tpu.memory_space<hbm>>
      tpu.wait_dma2 semaphore(%run_scoped3A_238 : memref<!tpu.dma_semaphore, #tpu.memory_space<semaphore_mem>>) src(%dma_wait3A_254 : memref<64xi32, #tpu.memory_space<hbm>>) dst(%dma_wait3A_253 : memref<64xi32, #tpu.memory_space<vmem>>)
      tpu.yield
    }) : () -> ()
    %dma_start3A_166 = arith.constant 0 : i32
    %dma_start3A_167 = arith.constant 0 : i32
    %dma_start3A_168 = arith.constant 0 : i32
    %dma_start3A_169 = arith.constant 0 : i32
    %dma_start3A_170 = tpu.memref_slice %arg6[%dma_start3A_167, %dma_start3A_168, %dma_start3A_169] : memref<2x64x512xf32, #tpu.memory_space<vmem>> -> memref<1x64x512xf32, #tpu.memory_space<vmem>>
    %dma_start3A_171 = tpu.memref_squeeze %dma_start3A_170 : memref<1x64x512xf32, #tpu.memory_space<vmem>> -> memref<64x512xf32, #tpu.memory_space<vmem>>
    %dma_start3A_172 = arith.constant 0 : i32
    %dma_start3A_173 = tpu.memref_slice %arg5[%dma_start3A_166, %dma_start3A_172] : memref<2x64xi32, #tpu.memory_space<vmem>> -> memref<1x64xi32, #tpu.memory_space<vmem>>
    %dma_start3A_174 = tpu.memref_squeeze %dma_start3A_173 : memref<1x64xi32, #tpu.memory_space<vmem>> -> memref<64xi32, #tpu.memory_space<vmem>>
    %dma_start3A_175 = arith.constant 0 : i32
    %dma_start3A_176 = arith.constant 0 : i32
    %dma_start3A_177 = tpu.memref_slice %arg2[%dma_start3A_175, %dma_start3A_176] : memref<1000x512xf32, #tpu.memory_space<hbm>> -> memref<1000x512xf32, #tpu.memory_space<hbm>>
    tpu.enqueue_indirect_dma source(%dma_start3A_177 : memref<1000x512xf32, #tpu.memory_space<hbm>>) target(%dma_start3A_171 : memref<64x512xf32, #tpu.memory_space<vmem>>) offsets(%dma_start3A_174 : memref<64xi32, #tpu.memory_space<vmem>>) semaphore(%arg7 : memref<!tpu.dma_semaphore, #tpu.memory_space<semaphore_mem>>)
    %dma_wait3A_178 = arith.constant 1 : i32
    %dma_wait3A_179 = arith.constant 1 : i32
    %dma_wait3A_180 = arith.constant 0 : i32
    %dma_wait3A_181 = arith.constant 0 : i32
    %dma_wait3A_182 = tpu.memref_slice %arg6[%dma_wait3A_179, %dma_wait3A_180, %dma_wait3A_181] : memref<2x64x512xf32, #tpu.memory_space<vmem>> -> memref<1x64x512xf32, #tpu.memory_space<vmem>>
    %dma_wait3A_183 = tpu.memref_squeeze %dma_wait3A_182 : memref<1x64x512xf32, #tpu.memory_space<vmem>> -> memref<64x512xf32, #tpu.memory_space<vmem>>
    %dma_wait3A_184 = arith.constant 0 : i32
    %dma_wait3A_185 = tpu.memref_slice %arg5[%dma_wait3A_178, %dma_wait3A_184] : memref<2x64xi32, #tpu.memory_space<vmem>> -> memref<1x64xi32, #tpu.memory_space<vmem>>
    %dma_wait3A_186 = tpu.memref_squeeze %dma_wait3A_185 : memref<1x64xi32, #tpu.memory_space<vmem>> -> memref<64xi32, #tpu.memory_space<vmem>>
    %dma_wait3A_187 = arith.constant 0 : i32
    %dma_wait3A_188 = arith.constant 0 : i32
    %dma_wait3A_189 = tpu.memref_slice %arg2[%dma_wait3A_187, %dma_wait3A_188] : memref<1000x512xf32, #tpu.memory_space<hbm>> -> memref<1000x512xf32, #tpu.memory_space<hbm>>
    tpu.wait_indirect_dma semaphore(%arg8 : memref<!tpu.dma_semaphore, #tpu.memory_space<semaphore_mem>>) src(%dma_wait3A_189 : memref<1000x512xf32, #tpu.memory_space<hbm>>) dst(%dma_wait3A_183 : memref<64x512xf32, #tpu.memory_space<vmem>>)
    %add3A_190 = arith.constant 320 : i32
    %add3A_191 = arith.addi %mul3A_2, %add3A_190 : i32
    %run_scoped3A_192 = arith.constant 1 : i32
    "tpu.region"() ({
      %run_scoped3A_238 = tpu.sem_alloc : memref<!tpu.dma_semaphore, #tpu.memory_space<semaphore_mem>>
      %dma_start3A_239 = arith.constant 0 : i32
      %dma_start3A_240 = arith.constant 0 : i32
      %dma_start3A_241 = tpu.memref_slice %arg6[%run_scoped3A_192, %dma_start3A_239, %dma_start3A_240] : memref<2x64x512xf32, #tpu.memory_space<vmem>> -> memref<1x64x512xf32, #tpu.memory_space<vmem>>
      %dma_start3A_242 = tpu.memref_squeeze %dma_start3A_241 : memref<1x64x512xf32, #tpu.memory_space<vmem>> -> memref<64x512xf32, #tpu.memory_space<vmem>>
      %dma_start3A_243 = arith.constant 0 : i32
      %dma_start3A_244 = tpu.memref_slice %arg4[%add3A_191, %dma_start3A_243] : memref<16384x512xf32, #tpu.memory_space<hbm>> -> memref<64x512xf32, #tpu.memory_space<hbm>>
      %dma_start3A_245 = arith.constant 0 : i32
      %dma_start3A_246 = tpu.memref_slice %arg4[%add3A_191, %dma_start3A_245] : memref<16384x512xf32, #tpu.memory_space<hbm>> -> memref<64x512xf32, #tpu.memory_space<hbm>>
      %dma_start3A_247 = arith.constant 0 : i32
      %dma_start3A_248 = arith.constant 0 : i32
      %dma_start3A_249 = tpu.memref_slice %arg6[%run_scoped3A_192, %dma_start3A_247, %dma_start3A_248] : memref<2x64x512xf32, #tpu.memory_space<vmem>> -> memref<1x64x512xf32, #tpu.memory_space<vmem>>
      %dma_start3A_250 = tpu.memref_squeeze %dma_start3A_249 : memref<1x64x512xf32, #tpu.memory_space<vmem>> -> memref<64x512xf32, #tpu.memory_space<vmem>>
      tpu.enqueue_dma source(%dma_start3A_250 : memref<64x512xf32, #tpu.memory_space<vmem>>) target(%dma_start3A_246 : memref<64x512xf32, #tpu.memory_space<hbm>>) target_semaphore(%run_scoped3A_238 : memref<!tpu.dma_semaphore, #tpu.memory_space<semaphore_mem>>)
      %dma_wait3A_251 = arith.constant 0 : i32
      %dma_wait3A_252 = arith.constant 0 : i32
      %dma_wait3A_253 = tpu.memref_slice %arg6[%run_scoped3A_192, %dma_wait3A_251, %dma_wait3A_252] : memref<2x64x512xf32, #tpu.memory_space<vmem>> -> memref<1x64x512xf32, #tpu.memory_space<vmem>>
      %dma_wait3A_254 = tpu.memref_squeeze %dma_wait3A_253 : memref<1x64x512xf32, #tpu.memory_space<vmem>> -> memref<64x512xf32, #tpu.memory_space<vmem>>
      %dma_wait3A_255 = arith.constant 0 : i32
      %dma_wait3A_256 = tpu.memref_slice %arg4[%add3A_191, %dma_wait3A_255] : memref<16384x512xf32, #tpu.memory_space<hbm>> -> memref<64x512xf32, #tpu.memory_space<hbm>>
      %dma_wait3A_257 = arith.constant 0 : i32
      %dma_wait3A_258 = tpu.memref_slice %arg4[%add3A_191, %dma_wait3A_257] : memref<16384x512xf32, #tpu.memory_space<hbm>> -> memref<64x512xf32, #tpu.memory_space<hbm>>
      %dma_wait3A_259 = arith.constant 0 : i32
      %dma_wait3A_260 = arith.constant 0 : i32
      %dma_wait3A_261 = tpu.memref_slice %arg6[%run_scoped3A_192, %dma_wait3A_259, %dma_wait3A_260] : memref<2x64x512xf32, #tpu.memory_space<vmem>> -> memref<1x64x512xf32, #tpu.memory_space<vmem>>
      %dma_wait3A_262 = tpu.memref_squeeze %dma_wait3A_261 : memref<1x64x512xf32, #tpu.memory_space<vmem>> -> memref<64x512xf32, #tpu.memory_space<vmem>>
      tpu.wait_dma2 semaphore(%run_scoped3A_238 : memref<!tpu.dma_semaphore, #tpu.memory_space<semaphore_mem>>) src(%dma_wait3A_262 : memref<64x512xf32, #tpu.memory_space<vmem>>) dst(%dma_wait3A_258 : memref<64x512xf32, #tpu.memory_space<hbm>>)
      tpu.yield
    }) : () -> ()
    %add3A_193 = arith.constant 448 : i32
    %add3A_194 = arith.addi %mul3A_2, %add3A_193 : i32
    %run_scoped3A_195 = arith.constant 1 : i32
    "tpu.region"() ({
      %run_scoped3A_238 = tpu.sem_alloc : memref<!tpu.dma_semaphore, #tpu.memory_space<semaphore_mem>>
      %dma_start3A_239 = arith.constant 0 : i32
      %dma_start3A_240 = tpu.memref_slice %arg5[%run_scoped3A_195, %dma_start3A_239] : memref<2x64xi32, #tpu.memory_space<vmem>> -> memref<1x64xi32, #tpu.memory_space<vmem>>
      %dma_start3A_241 = tpu.memref_squeeze %dma_start3A_240 : memref<1x64xi32, #tpu.memory_space<vmem>> -> memref<64xi32, #tpu.memory_space<vmem>>
      %dma_start3A_242 = tpu.memref_slice %arg3[%add3A_194] : memref<16384xi32, #tpu.memory_space<hbm>> -> memref<64xi32, #tpu.memory_space<hbm>>
      %dma_start3A_243 = arith.constant 0 : i32
      %dma_start3A_244 = tpu.memref_slice %arg5[%run_scoped3A_195, %dma_start3A_243] : memref<2x64xi32, #tpu.memory_space<vmem>> -> memref<1x64xi32, #tpu.memory_space<vmem>>
      %dma_start3A_245 = tpu.memref_squeeze %dma_start3A_244 : memref<1x64xi32, #tpu.memory_space<vmem>> -> memref<64xi32, #tpu.memory_space<vmem>>
      %dma_start3A_246 = tpu.memref_slice %arg3[%add3A_194] : memref<16384xi32, #tpu.memory_space<hbm>> -> memref<64xi32, #tpu.memory_space<hbm>>
      tpu.enqueue_dma source(%dma_start3A_246 : memref<64xi32, #tpu.memory_space<hbm>>) target(%dma_start3A_245 : memref<64xi32, #tpu.memory_space<vmem>>) target_semaphore(%run_scoped3A_238 : memref<!tpu.dma_semaphore, #tpu.memory_space<semaphore_mem>>)
      %dma_wait3A_247 = arith.constant 0 : i32
      %dma_wait3A_248 = tpu.memref_slice %arg5[%run_scoped3A_195, %dma_wait3A_247] : memref<2x64xi32, #tpu.memory_space<vmem>> -> memref<1x64xi32, #tpu.memory_space<vmem>>
      %dma_wait3A_249 = tpu.memref_squeeze %dma_wait3A_248 : memref<1x64xi32, #tpu.memory_space<vmem>> -> memref<64xi32, #tpu.memory_space<vmem>>
      %dma_wait3A_250 = tpu.memref_slice %arg3[%add3A_194] : memref<16384xi32, #tpu.memory_space<hbm>> -> memref<64xi32, #tpu.memory_space<hbm>>
      %dma_wait3A_251 = arith.constant 0 : i32
      %dma_wait3A_252 = tpu.memref_slice %arg5[%run_scoped3A_195, %dma_wait3A_251] : memref<2x64xi32, #tpu.memory_space<vmem>> -> memref<1x64xi32, #tpu.memory_space<vmem>>
      %dma_wait3A_253 = tpu.memref_squeeze %dma_wait3A_252 : memref<1x64xi32, #tpu.memory_space<vmem>> -> memref<64xi32, #tpu.memory_space<vmem>>
      %dma_wait3A_254 = tpu.memref_slice %arg3[%add3A_194] : memref<16384xi32, #tpu.memory_space<hbm>> -> memref<64xi32, #tpu.memory_space<hbm>>
      tpu.wait_dma2 semaphore(%run_scoped3A_238 : memref<!tpu.dma_semaphore, #tpu.memory_space<semaphore_mem>>) src(%dma_wait3A_254 : memref<64xi32, #tpu.memory_space<hbm>>) dst(%dma_wait3A_253 : memref<64xi32, #tpu.memory_space<vmem>>)
      tpu.yield
    }) : () -> ()
    %dma_start3A_196 = arith.constant 1 : i32
    %dma_start3A_197 = arith.constant 1 : i32
    %dma_start3A_198 = arith.constant 0 : i32
    %dma_start3A_199 = arith.constant 0 : i32
    %dma_start3A_200 = tpu.memref_slice %arg6[%dma_start3A_197, %dma_start3A_198, %dma_start3A_199] : memref<2x64x512xf32, #tpu.memory_space<vmem>> -> memref<1x64x512xf32, #tpu.memory_space<vmem>>
    %dma_start3A_201 = tpu.memref_squeeze %dma_start3A_200 : memref<1x64x512xf32, #tpu.memory_space<vmem>> -> memref<64x512xf32, #tpu.memory_space<vmem>>
    %dma_start3A_202 = arith.constant 0 : i32
    %dma_start3A_203 = tpu.memref_slice %arg5[%dma_start3A_196, %dma_start3A_202] : memref<2x64xi32, #tpu.memory_space<vmem>> -> memref<1x64xi32, #tpu.memory_space<vmem>>
    %dma_start3A_204 = tpu.memref_squeeze %dma_start3A_203 : memref<1x64xi32, #tpu.memory_space<vmem>> -> memref<64xi32, #tpu.memory_space<vmem>>
    %dma_start3A_205 = arith.constant 0 : i32
    %dma_start3A_206 = arith.constant 0 : i32
    %dma_start3A_207 = tpu.memref_slice %arg2[%dma_start3A_205, %dma_start3A_206] : memref<1000x512xf32, #tpu.memory_space<hbm>> -> memref<1000x512xf32, #tpu.memory_space<hbm>>
    tpu.enqueue_indirect_dma source(%dma_start3A_207 : memref<1000x512xf32, #tpu.memory_space<hbm>>) target(%dma_start3A_201 : memref<64x512xf32, #tpu.memory_space<vmem>>) offsets(%dma_start3A_204 : memref<64xi32, #tpu.memory_space<vmem>>) semaphore(%arg8 : memref<!tpu.dma_semaphore, #tpu.memory_space<semaphore_mem>>)
    %dma_wait3A_208 = arith.constant 0 : i32
    %dma_wait3A_209 = arith.constant 0 : i32
    %dma_wait3A_210 = arith.constant 0 : i32
    %dma_wait3A_211 = arith.constant 0 : i32
    %dma_wait3A_212 = tpu.memref_slice %arg6[%dma_wait3A_209, %dma_wait3A_210, %dma_wait3A_211] : memref<2x64x512xf32, #tpu.memory_space<vmem>> -> memref<1x64x512xf32, #tpu.memory_space<vmem>>
    %dma_wait3A_213 = tpu.memref_squeeze %dma_wait3A_212 : memref<1x64x512xf32, #tpu.memory_space<vmem>> -> memref<64x512xf32, #tpu.memory_space<vmem>>
    %dma_wait3A_214 = arith.constant 0 : i32
    %dma_wait3A_215 = tpu.memref_slice %arg5[%dma_wait3A_208, %dma_wait3A_214] : memref<2x64xi32, #tpu.memory_space<vmem>> -> memref<1x64xi32, #tpu.memory_space<vmem>>
    %dma_wait3A_216 = tpu.memref_squeeze %dma_wait3A_215 : memref<1x64xi32, #tpu.memory_space<vmem>> -> memref<64xi32, #tpu.memory_space<vmem>>
    %dma_wait3A_217 = arith.constant 0 : i32
    %dma_wait3A_218 = arith.constant 0 : i32
    %dma_wait3A_219 = tpu.memref_slice %arg2[%dma_wait3A_217, %dma_wait3A_218] : memref<1000x512xf32, #tpu.memory_space<hbm>> -> memref<1000x512xf32, #tpu.memory_space<hbm>>
    tpu.wait_indirect_dma semaphore(%arg7 : memref<!tpu.dma_semaphore, #tpu.memory_space<semaphore_mem>>) src(%dma_wait3A_219 : memref<1000x512xf32, #tpu.memory_space<hbm>>) dst(%dma_wait3A_213 : memref<64x512xf32, #tpu.memory_space<vmem>>)
    %add3A_220 = arith.constant 384 : i32
    %add3A_221 = arith.addi %mul3A_2, %add3A_220 : i32
    %run_scoped3A_222 = arith.constant 0 : i32
    "tpu.region"() ({
      %run_scoped3A_238 = tpu.sem_alloc : memref<!tpu.dma_semaphore, #tpu.memory_space<semaphore_mem>>
      %dma_start3A_239 = arith.constant 0 : i32
      %dma_start3A_240 = arith.constant 0 : i32
      %dma_start3A_241 = tpu.memref_slice %arg6[%run_scoped3A_222, %dma_start3A_239, %dma_start3A_240] : memref<2x64x512xf32, #tpu.memory_space<vmem>> -> memref<1x64x512xf32, #tpu.memory_space<vmem>>
      %dma_start3A_242 = tpu.memref_squeeze %dma_start3A_241 : memref<1x64x512xf32, #tpu.memory_space<vmem>> -> memref<64x512xf32, #tpu.memory_space<vmem>>
      %dma_start3A_243 = arith.constant 0 : i32
      %dma_start3A_244 = tpu.memref_slice %arg4[%add3A_221, %dma_start3A_243] : memref<16384x512xf32, #tpu.memory_space<hbm>> -> memref<64x512xf32, #tpu.memory_space<hbm>>
      %dma_start3A_245 = arith.constant 0 : i32
      %dma_start3A_246 = tpu.memref_slice %arg4[%add3A_221, %dma_start3A_245] : memref<16384x512xf32, #tpu.memory_space<hbm>> -> memref<64x512xf32, #tpu.memory_space<hbm>>
      %dma_start3A_247 = arith.constant 0 : i32
      %dma_start3A_248 = arith.constant 0 : i32
      %dma_start3A_249 = tpu.memref_slice %arg6[%run_scoped3A_222, %dma_start3A_247, %dma_start3A_248] : memref<2x64x512xf32, #tpu.memory_space<vmem>> -> memref<1x64x512xf32, #tpu.memory_space<vmem>>
      %dma_start3A_250 = tpu.memref_squeeze %dma_start3A_249 : memref<1x64x512xf32, #tpu.memory_space<vmem>> -> memref<64x512xf32, #tpu.memory_space<vmem>>
      tpu.enqueue_dma source(%dma_start3A_250 : memref<64x512xf32, #tpu.memory_space<vmem>>) target(%dma_start3A_246 : memref<64x512xf32, #tpu.memory_space<hbm>>) target_semaphore(%run_scoped3A_238 : memref<!tpu.dma_semaphore, #tpu.memory_space<semaphore_mem>>)
      %dma_wait3A_251 = arith.constant 0 : i32
      %dma_wait3A_252 = arith.constant 0 : i32
      %dma_wait3A_253 = tpu.memref_slice %arg6[%run_scoped3A_222, %dma_wait3A_251, %dma_wait3A_252] : memref<2x64x512xf32, #tpu.memory_space<vmem>> -> memref<1x64x512xf32, #tpu.memory_space<vmem>>
      %dma_wait3A_254 = tpu.memref_squeeze %dma_wait3A_253 : memref<1x64x512xf32, #tpu.memory_space<vmem>> -> memref<64x512xf32, #tpu.memory_space<vmem>>
      %dma_wait3A_255 = arith.constant 0 : i32
      %dma_wait3A_256 = tpu.memref_slice %arg4[%add3A_221, %dma_wait3A_255] : memref<16384x512xf32, #tpu.memory_space<hbm>> -> memref<64x512xf32, #tpu.memory_space<hbm>>
      %dma_wait3A_257 = arith.constant 0 : i32
      %dma_wait3A_258 = tpu.memref_slice %arg4[%add3A_221, %dma_wait3A_257] : memref<16384x512xf32, #tpu.memory_space<hbm>> -> memref<64x512xf32, #tpu.memory_space<hbm>>
      %dma_wait3A_259 = arith.constant 0 : i32
      %dma_wait3A_260 = arith.constant 0 : i32
      %dma_wait3A_261 = tpu.memref_slice %arg6[%run_scoped3A_222, %dma_wait3A_259, %dma_wait3A_260] : memref<2x64x512xf32, #tpu.memory_space<vmem>> -> memref<1x64x512xf32, #tpu.memory_space<vmem>>
      %dma_wait3A_262 = tpu.memref_squeeze %dma_wait3A_261 : memref<1x64x512xf32, #tpu.memory_space<vmem>> -> memref<64x512xf32, #tpu.memory_space<vmem>>
      tpu.wait_dma2 semaphore(%run_scoped3A_238 : memref<!tpu.dma_semaphore, #tpu.memory_space<semaphore_mem>>) src(%dma_wait3A_262 : memref<64x512xf32, #tpu.memory_space<vmem>>) dst(%dma_wait3A_258 : memref<64x512xf32, #tpu.memory_space<hbm>>)
      tpu.yield
    }) : () -> ()
    %dma_wait3A_223 = arith.constant 1 : i32
    %dma_wait3A_224 = arith.constant 1 : i32
    %dma_wait3A_225 = arith.constant 0 : i32
    %dma_wait3A_226 = arith.constant 0 : i32
    %dma_wait3A_227 = tpu.memref_slice %arg6[%dma_wait3A_224, %dma_wait3A_225, %dma_wait3A_226] : memref<2x64x512xf32, #tpu.memory_space<vmem>> -> memref<1x64x512xf32, #tpu.memory_space<vmem>>
    %dma_wait3A_228 = tpu.memref_squeeze %dma_wait3A_227 : memref<1x64x512xf32, #tpu.memory_space<vmem>> -> memref<64x512xf32, #tpu.memory_space<vmem>>
    %dma_wait3A_229 = arith.constant 0 : i32
    %dma_wait3A_230 = tpu.memref_slice %arg5[%dma_wait3A_223, %dma_wait3A_229] : memref<2x64xi32, #tpu.memory_space<vmem>> -> memref<1x64xi32, #tpu.memory_space<vmem>>
    %dma_wait3A_231 = tpu.memref_squeeze %dma_wait3A_230 : memref<1x64xi32, #tpu.memory_space<vmem>> -> memref<64xi32, #tpu.memory_space<vmem>>
    %dma_wait3A_232 = arith.constant 0 : i32
    %dma_wait3A_233 = arith.constant 0 : i32
    %dma_wait3A_234 = tpu.memref_slice %arg2[%dma_wait3A_232, %dma_wait3A_233] : memref<1000x512xf32, #tpu.memory_space<hbm>> -> memref<1000x512xf32, #tpu.memory_space<hbm>>
    tpu.wait_indirect_dma semaphore(%arg8 : memref<!tpu.dma_semaphore, #tpu.memory_space<semaphore_mem>>) src(%dma_wait3A_234 : memref<1000x512xf32, #tpu.memory_space<hbm>>) dst(%dma_wait3A_228 : memref<64x512xf32, #tpu.memory_space<vmem>>)
    %add3A_235 = arith.constant 448 : i32
    %add3A_236 = arith.addi %mul3A_2, %add3A_235 : i32
    %run_scoped3A_237 = arith.constant 1 : i32
    "tpu.region"() ({
      %run_scoped3A_238 = tpu.sem_alloc : memref<!tpu.dma_semaphore, #tpu.memory_space<semaphore_mem>>
      %dma_start3A_239 = arith.constant 0 : i32
      %dma_start3A_240 = arith.constant 0 : i32
      %dma_start3A_241 = tpu.memref_slice %arg6[%run_scoped3A_237, %dma_start3A_239, %dma_start3A_240] : memref<2x64x512xf32, #tpu.memory_space<vmem>> -> memref<1x64x512xf32, #tpu.memory_space<vmem>>
      %dma_start3A_242 = tpu.memref_squeeze %dma_start3A_241 : memref<1x64x512xf32, #tpu.memory_space<vmem>> -> memref<64x512xf32, #tpu.memory_space<vmem>>
      %dma_start3A_243 = arith.constant 0 : i32
      %dma_start3A_244 = tpu.memref_slice %arg4[%add3A_236, %dma_start3A_243] : memref<16384x512xf32, #tpu.memory_space<hbm>> -> memref<64x512xf32, #tpu.memory_space<hbm>>
      %dma_start3A_245 = arith.constant 0 : i32
      %dma_start3A_246 = tpu.memref_slice %arg4[%add3A_236, %dma_start3A_245] : memref<16384x512xf32, #tpu.memory_space<hbm>> -> memref<64x512xf32, #tpu.memory_space<hbm>>
      %dma_start3A_247 = arith.constant 0 : i32
      %dma_start3A_248 = arith.constant 0 : i32
      %dma_start3A_249 = tpu.memref_slice %arg6[%run_scoped3A_237, %dma_start3A_247, %dma_start3A_248] : memref<2x64x512xf32, #tpu.memory_space<vmem>> -> memref<1x64x512xf32, #tpu.memory_space<vmem>>
      %dma_start3A_250 = tpu.memref_squeeze %dma_start3A_249 : memref<1x64x512xf32, #tpu.memory_space<vmem>> -> memref<64x512xf32, #tpu.memory_space<vmem>>
      tpu.enqueue_dma source(%dma_start3A_250 : memref<64x512xf32, #tpu.memory_space<vmem>>) target(%dma_start3A_246 : memref<64x512xf32, #tpu.memory_space<hbm>>) target_semaphore(%run_scoped3A_238 : memref<!tpu.dma_semaphore, #tpu.memory_space<semaphore_mem>>)
      %dma_wait3A_251 = arith.constant 0 : i32
      %dma_wait3A_252 = arith.constant 0 : i32
      %dma_wait3A_253 = tpu.memref_slice %arg6[%run_scoped3A_237, %dma_wait3A_251, %dma_wait3A_252] : memref<2x64x512xf32, #tpu.memory_space<vmem>> -> memref<1x64x512xf32, #tpu.memory_space<vmem>>
      %dma_wait3A_254 = tpu.memref_squeeze %dma_wait3A_253 : memref<1x64x512xf32, #tpu.memory_space<vmem>> -> memref<64x512xf32, #tpu.memory_space<vmem>>
      %dma_wait3A_255 = arith.constant 0 : i32
      %dma_wait3A_256 = tpu.memref_slice %arg4[%add3A_236, %dma_wait3A_255] : memref<16384x512xf32, #tpu.memory_space<hbm>> -> memref<64x512xf32, #tpu.memory_space<hbm>>
      %dma_wait3A_257 = arith.constant 0 : i32
      %dma_wait3A_258 = tpu.memref_slice %arg4[%add3A_236, %dma_wait3A_257] : memref<16384x512xf32, #tpu.memory_space<hbm>> -> memref<64x512xf32, #tpu.memory_space<hbm>>
      %dma_wait3A_259 = arith.constant 0 : i32
      %dma_wait3A_260 = arith.constant 0 : i32
      %dma_wait3A_261 = tpu.memref_slice %arg6[%run_scoped3A_237, %dma_wait3A_259, %dma_wait3A_260] : memref<2x64x512xf32, #tpu.memory_space<vmem>> -> memref<1x64x512xf32, #tpu.memory_space<vmem>>
      %dma_wait3A_262 = tpu.memref_squeeze %dma_wait3A_261 : memref<1x64x512xf32, #tpu.memory_space<vmem>> -> memref<64x512xf32, #tpu.memory_space<vmem>>
      tpu.wait_dma2 semaphore(%run_scoped3A_238 : memref<!tpu.dma_semaphore, #tpu.memory_space<semaphore_mem>>) src(%dma_wait3A_262 : memref<64x512xf32, #tpu.memory_space<vmem>>) dst(%dma_wait3A_258 : memref<64x512xf32, #tpu.memory_space<hbm>>)
      tpu.yield
    }) : () -> ()
    return
  }
}

module attributes {stable_mosaic.version = 14 : i64} {
  func.func @_attn_body(%arg0: i32, %arg1: memref<256x512xf32, #tpu.memory_space<vmem>>, %arg2: memref<256x512xf32, #tpu.memory_space<vmem>>, %arg3: memref<1024x512xf32, #tpu.memory_space<vmem>>, %arg4: memref<256x512xf32, #tpu.memory_space<vmem>>, %arg5: memref<256x512xf32, #tpu.memory_space<vmem>>, %arg6: memref<1024x512xf32, #tpu.memory_space<vmem>>, %arg7: memref<256x512xf32, #tpu.memory_space<vmem>>, %arg8: memref<256x512xf32, #tpu.memory_space<vmem>>) attributes {dimension_semantics = [#tpu.dimension_semantics<arbitrary>], iteration_bounds = array<i64: 64>, scalar_prefetch = 0 : i64, scratch_operands = 0 : i64, tpu.core_type = #tpu.core_type<tc>, window_params = [{transform_indices = @transform_0, window_bounds = array<i64: 256, 512>}, {transform_indices = @transform_1, window_bounds = array<i64: 256, 512>}, {pipeline_mode = #tpu.pipeline_mode<synchronous>, transform_indices = @transform_2, window_bounds = array<i64: 1024, 512>}, {transform_indices = @transform_3, window_bounds = array<i64: 256, 512>}, {transform_indices = @transform_4, window_bounds = array<i64: 256, 512>}, {pipeline_mode = #tpu.pipeline_mode<synchronous>, transform_indices = @transform_5, window_bounds = array<i64: 1024, 512>}, {transform_indices = @transform_6, window_bounds = array<i64: 256, 512>}, {transform_indices = @transform_7, window_bounds = array<i64: 256, 512>}]} {
    %get3A = arith.constant 0 : index
    %get3A_0 = arith.constant 0 : index
    %get3A_1 = vector.load %arg6[%get3A, %get3A_0] : memref<1024x512xf32, #tpu.memory_space<vmem>>, vector<1024x512xf32>
    %mul3A = arith.mulf %get3A_1, %get3A_1 : vector<1024x512xf32>
    %reduce_sum3A = arith.constant dense<0.000000e+00> : vector<1024xf32>
    %reduce_sum3A_2 = vector.multi_reduction <add>, %mul3A, %reduce_sum3A [1] : vector<1024x512xf32> to vector<1024xf32>
    %broadcast_in_dim3A = vector.shape_cast %reduce_sum3A_2 : vector<1024xf32> to vector<1024x1xf32>
    %sqrt3A = math.sqrt %broadcast_in_dim3A : vector<1024x1xf32>
    %max3A = arith.constant 9.99999993E-9 : f32
    %max3A_3 = vector.broadcast %max3A : f32 to vector<1024x1xf32>
    %max3A_4 = arith.maximumf %sqrt3A, %max3A_3 : vector<1024x1xf32>
    %div3A = vector.broadcast %max3A_4 : vector<1024x1xf32> to vector<1024x512xf32>
    %div3A_5 = arith.divf %get3A_1, %div3A : vector<1024x512xf32>
    %get3A_6 = arith.constant 0 : index
    %get3A_7 = arith.constant 0 : index
    %get3A_8 = vector.load %arg1[%get3A_6, %get3A_7] : memref<256x512xf32, #tpu.memory_space<vmem>>, vector<256x512xf32>
    %mul3A_9 = arith.mulf %get3A_8, %get3A_8 : vector<256x512xf32>
    %reduce_sum3A_10 = arith.constant dense<0.000000e+00> : vector<256xf32>
    %reduce_sum3A_11 = vector.multi_reduction <add>, %mul3A_9, %reduce_sum3A_10 [1] : vector<256x512xf32> to vector<256xf32>
    %broadcast_in_dim3A_12 = vector.shape_cast %reduce_sum3A_11 : vector<256xf32> to vector<256x1xf32>
    %sqrt3A_13 = math.sqrt %broadcast_in_dim3A_12 : vector<256x1xf32>
    %max3A_14 = arith.constant 9.99999993E-9 : f32
    %max3A_15 = vector.broadcast %max3A_14 : f32 to vector<256x1xf32>
    %max3A_16 = arith.maximumf %sqrt3A_13, %max3A_15 : vector<256x1xf32>
    %div3A_17 = vector.broadcast %max3A_16 : vector<256x1xf32> to vector<256x512xf32>
    %div3A_18 = arith.divf %get3A_8, %div3A_17 : vector<256x512xf32>
    %dot_general3A = arith.constant dense<0.000000e+00> : vector<256x1024xf32>
    %dot_general3A_19 = tpu.matmul %div3A_18, %div3A_5, %dot_general3A {dimension_numbers = #tpu.dot_dimension_numbers<[1], [1], [0], [0], [0, 0, 1, 0], [], []>, transpose_lhs_hint = false} : vector<256x512xf32>, vector<1024x512xf32>, vector<256x1024xf32> -> vector<256x1024xf32>
    %get3A_20 = arith.constant 0 : index
    %get3A_21 = arith.constant 0 : index
    %get3A_22 = vector.load %arg3[%get3A_20, %get3A_21] : memref<1024x512xf32, #tpu.memory_space<vmem>>, vector<1024x512xf32>
    %mul3A_23 = arith.mulf %get3A_22, %get3A_22 : vector<1024x512xf32>
    %reduce_sum3A_24 = arith.constant dense<0.000000e+00> : vector<1024xf32>
    %reduce_sum3A_25 = vector.multi_reduction <add>, %mul3A_23, %reduce_sum3A_24 [1] : vector<1024x512xf32> to vector<1024xf32>
    %broadcast_in_dim3A_26 = vector.shape_cast %reduce_sum3A_25 : vector<1024xf32> to vector<1024x1xf32>
    %sqrt3A_27 = math.sqrt %broadcast_in_dim3A_26 : vector<1024x1xf32>
    %max3A_28 = arith.constant 9.99999993E-9 : f32
    %max3A_29 = vector.broadcast %max3A_28 : f32 to vector<1024x1xf32>
    %max3A_30 = arith.maximumf %sqrt3A_27, %max3A_29 : vector<1024x1xf32>
    %div3A_31 = vector.broadcast %max3A_30 : vector<1024x1xf32> to vector<1024x512xf32>
    %div3A_32 = arith.divf %get3A_22, %div3A_31 : vector<1024x512xf32>
    %get3A_33 = arith.constant 0 : index
    %get3A_34 = arith.constant 0 : index
    %get3A_35 = vector.load %arg2[%get3A_33, %get3A_34] : memref<256x512xf32, #tpu.memory_space<vmem>>, vector<256x512xf32>
    %mul3A_36 = arith.mulf %get3A_35, %get3A_35 : vector<256x512xf32>
    %reduce_sum3A_37 = arith.constant dense<0.000000e+00> : vector<256xf32>
    %reduce_sum3A_38 = vector.multi_reduction <add>, %mul3A_36, %reduce_sum3A_37 [1] : vector<256x512xf32> to vector<256xf32>
    %broadcast_in_dim3A_39 = vector.shape_cast %reduce_sum3A_38 : vector<256xf32> to vector<256x1xf32>
    %sqrt3A_40 = math.sqrt %broadcast_in_dim3A_39 : vector<256x1xf32>
    %max3A_41 = arith.constant 9.99999993E-9 : f32
    %max3A_42 = vector.broadcast %max3A_41 : f32 to vector<256x1xf32>
    %max3A_43 = arith.maximumf %sqrt3A_40, %max3A_42 : vector<256x1xf32>
    %div3A_44 = vector.broadcast %max3A_43 : vector<256x1xf32> to vector<256x512xf32>
    %div3A_45 = arith.divf %get3A_35, %div3A_44 : vector<256x512xf32>
    %dot_general3A_46 = arith.constant dense<0.000000e+00> : vector<256x1024xf32>
    %dot_general3A_47 = tpu.matmul %div3A_45, %div3A_32, %dot_general3A_46 {dimension_numbers = #tpu.dot_dimension_numbers<[1], [1], [0], [0], [0, 0, 1, 0], [], []>, transpose_lhs_hint = false} : vector<256x512xf32>, vector<1024x512xf32>, vector<256x1024xf32> -> vector<256x1024xf32>
    %mul3A_48 = arith.constant 0.699999988 : f32
    %mul3A_49 = vector.broadcast %mul3A_48 : f32 to vector<256x1024xf32>
    %mul3A_50 = arith.mulf %mul3A_49, %dot_general3A_47 : vector<256x1024xf32>
    %mul3A_51 = arith.constant 3.000000e-01 : f32
    %mul3A_52 = vector.broadcast %mul3A_51 : f32 to vector<256x1024xf32>
    %mul3A_53 = arith.mulf %mul3A_52, %dot_general3A_19 : vector<256x1024xf32>
    %add3A = arith.addf %mul3A_50, %mul3A_53 : vector<256x1024xf32>
    %iota3A = tpu.iota {dimensions = array<i32: 1>} : vector<256x1024xi32>
    %lt3A = arith.constant 1000 : i32
    %lt3A_54 = vector.broadcast %lt3A : i32 to vector<256x1024xi32>
    %lt3A_55 = arith.cmpi slt, %iota3A, %lt3A_54 : vector<256x1024xi32>
    %div3A_56 = arith.constant 1.000000e-01 : f32
    %div3A_57 = vector.broadcast %div3A_56 : f32 to vector<256x1024xf32>
    %div3A_58 = arith.divf %add3A, %div3A_57 : vector<256x1024xf32>
    %jit3A = arith.constant -1.000000e+30 : f32
    %broadcast_in_dim3A_59 = vector.broadcast %jit3A : f32 to vector<256x1024xf32>
    %select_n3A = arith.select %lt3A_55, %div3A_58, %broadcast_in_dim3A_59 : vector<256x1024xi1>, vector<256x1024xf32>
    %reduce_max3A = arith.constant dense<0xFF800000> : vector<256xf32>
    %reduce_max3A_60 = vector.multi_reduction <maximumf>, %select_n3A, %reduce_max3A [1] : vector<256x1024xf32> to vector<256xf32>
    %broadcast_in_dim3A_61 = vector.shape_cast %reduce_max3A_60 : vector<256xf32> to vector<256x1xf32>
    %sub3A = vector.broadcast %broadcast_in_dim3A_61 : vector<256x1xf32> to vector<256x1024xf32>
    %sub3A_62 = arith.subf %select_n3A, %sub3A : vector<256x1024xf32>
    %exp3A = math.exp %sub3A_62 : vector<256x1024xf32>
    %reduce_sum3A_63 = arith.constant dense<0.000000e+00> : vector<256xf32>
    %reduce_sum3A_64 = vector.multi_reduction <add>, %exp3A, %reduce_sum3A_63 [1] : vector<256x1024xf32> to vector<256xf32>
    %broadcast_in_dim3A_65 = vector.shape_cast %reduce_sum3A_64 : vector<256xf32> to vector<256x1xf32>
    %div3A_66 = vector.broadcast %broadcast_in_dim3A_65 : vector<256x1xf32> to vector<256x1024xf32>
    %div3A_67 = arith.divf %exp3A, %div3A_66 : vector<256x1024xf32>
    %get3A_68 = arith.constant 0 : index
    %get3A_69 = arith.constant 0 : index
    %get3A_70 = vector.load %arg6[%get3A_68, %get3A_69] : memref<1024x512xf32, #tpu.memory_space<vmem>>, vector<1024x512xf32>
    %dot_general3A_71 = arith.constant dense<0.000000e+00> : vector<256x512xf32>
    %dot_general3A_72 = tpu.matmul %div3A_67, %get3A_70, %dot_general3A_71 {dimension_numbers = #tpu.dot_dimension_numbers<[1], [0], [0], [1], [0, 0, 1, 1], [], []>, transpose_lhs_hint = false} : vector<256x1024xf32>, vector<1024x512xf32>, vector<256x512xf32> -> vector<256x512xf32>
    %swap3A = arith.constant 0 : index
    %swap3A_73 = arith.constant 0 : index
    %swap3A_74 = vector.load %arg7[%swap3A, %swap3A_73] : memref<256x512xf32, #tpu.memory_space<vmem>>, vector<256x512xf32>
    tpu.vector_store %arg7[%swap3A, %swap3A_73], %dot_general3A_72 {strides = array<i32>} : memref<256x512xf32, #tpu.memory_space<vmem>>, vector<256x512xf32>,
    %get3A_75 = arith.constant 0 : index
    %get3A_76 = arith.constant 0 : index
    %get3A_77 = vector.load %arg4[%get3A_75, %get3A_76] : memref<256x512xf32, #tpu.memory_space<vmem>>, vector<256x512xf32>
    %get3A_78 = arith.constant 0 : index
    %get3A_79 = arith.constant 0 : index
    %get3A_80 = vector.load %arg5[%get3A_78, %get3A_79] : memref<256x512xf32, #tpu.memory_space<vmem>>, vector<256x512xf32>
    %add3A_81 = arith.addf %get3A_77, %get3A_80 : vector<256x512xf32>
    %swap3A_82 = arith.constant 0 : index
    %swap3A_83 = arith.constant 0 : index
    %swap3A_84 = vector.load %arg8[%swap3A_82, %swap3A_83] : memref<256x512xf32, #tpu.memory_space<vmem>>, vector<256x512xf32>
    tpu.vector_store %arg8[%swap3A_82, %swap3A_83], %add3A_81 {strides = array<i32>} : memref<256x512xf32, #tpu.memory_space<vmem>>, vector<256x512xf32>,
    return
  }
  func.func @transform_0(%arg0: i32) -> (i32, i32) {
    %c0_i32 = arith.constant 0 : i32
    %c0_i32_0 = arith.constant 0 : i32
    return %arg0, %c0_i32 : i32, i32
  }
  func.func @transform_1(%arg0: i32) -> (i32, i32) {
    %c0_i32 = arith.constant 0 : i32
    %c0_i32_0 = arith.constant 0 : i32
    return %arg0, %c0_i32 : i32, i32
  }
  func.func @transform_2(%arg0: i32) -> (i32, i32) {
    %c0_i32 = arith.constant 0 : i32
    %c0_i32_0 = arith.constant 0 : i32
    %c0_i32_1 = arith.constant 0 : i32
    return %c0_i32, %c0_i32_0 : i32, i32
  }
  func.func @transform_3(%arg0: i32) -> (i32, i32) {
    %c0_i32 = arith.constant 0 : i32
    %c0_i32_0 = arith.constant 0 : i32
    return %arg0, %c0_i32 : i32, i32
  }
  func.func @transform_4(%arg0: i32) -> (i32, i32) {
    %c0_i32 = arith.constant 0 : i32
    %c0_i32_0 = arith.constant 0 : i32
    return %arg0, %c0_i32 : i32, i32
  }
  func.func @transform_5(%arg0: i32) -> (i32, i32) {
    %c0_i32 = arith.constant 0 : i32
    %c0_i32_0 = arith.constant 0 : i32
    %c0_i32_1 = arith.constant 0 : i32
    return %c0_i32, %c0_i32_0 : i32, i32
  }
  func.func @transform_6(%arg0: i32) -> (i32, i32) {
    %c0_i32 = arith.constant 0 : i32
    %c0_i32_0 = arith.constant 0 : i32
    return %arg0, %c0_i32 : i32, i32
  }
  func.func @transform_7(%arg0: i32) -> (i32, i32) {
    %c0_i32 = arith.constant 0 : i32
    %c0_i32_0 = arith.constant 0 : i32
    return %arg0, %c0_i32 : i32, i32
  }
}

</mosaic_0001>

<sc_bundles>
// kernel: kernel.5.cloned.1.call-start
scs
__scs_entry_jumppad:
0x0: {  	(pc) =	sbr.rel $0x88, $3  }
0x1: {  	(tag) =	ssettag $0x0;
	lr =	simm.s32 $0x1  }
0x2: {  	[smem:$0x3F9B] =	sst lr;
	_ =	strace $0xD0000000  }
0x3: {  	_ = 	snop  }
0x4: {  	_ = 	snop  }
0x5: {  	_ = 	snop  }
0x6: {  	_ = 	snop  }
0x7: {  	_ = 	snop  }
__scs_overlays_trampoline_lowered:
0x8: {  	[smem:$0x3FAA] =	sst s0  }
0x9: {  	[smem:$0x3FAB] =	sst s1  }
0xa: {  	[smem:$0x3FAC] =	sst s2  }
0xb: {  	[smem:$0x3FAD] =	sst s3  }
0xc: {  	[smem:$0x3FAE] =	sst s4  }
0xd: {  	[smem:$0x3FAF] =	sst s5  }
0xe: {  	[smem:$0x3FB0] =	sst s6  }
0xf: {  	[smem:$0x3FB1] =	sst s7  }
0x10: {  	[smem:$0x3FB2] =	sst s8  }
0x11: {  	[smem:$0x3FB3] =	sst s9;
	s0 =	simm.s32 @!p0 $0x0  }
0x12: {  	s1 =	sld [smem:$0x3F99];
	s0 =	simm.s32 @p0 $0x1  }
0x13: {  	[smem:$0x3FB4] =	sst s0;
	s0 =	simm.s32 @!p1 $0x0  }
0x14: {  	s2 =	sld [smem:$0x3F98];
	s0 =	simm.s32 @p1 $0x1  }
0x15: {  	[smem:$0x3FB5] =	sst s0;
	s0 =	simm.s32 @!p2 $0x0  }
0x16: {  	s3 =	sld [smem:$0x3FDB];
	s0 =	simm.s32 @p2 $0x1  }
0x17: {  	s4 =	simm.s32 $0x1BF5;
	[smem:$0x3FB7] =	sst s0  }
0x18: {  	s0 =	sld [smem:$0x3F9A];
	_ =	swait.ge [sflag:s4], $0x0  }
0x19: {  	s7 =	sld [smem:$0x3F9B]  }
0x1a: {  	s8 =	sadd.s32 $0xFFFFE003, lr  }
0x1b: {  	s9 =	sadd.s32 $0xFFFFFEF7, lr;
	s5 =	simm.s32 $0xFFFFFFFF;
	p2 =	slt.u32 s8, $0xFFFFF086  }
0x1c: {  	p1 =	slt.u32 s9, $0xF7A;
	s5 =	simm.s32 @!p2 $0x0  }
0x1d: {  	s5 =	simm.s32 @p1 $0x1;
	p0 =	seq.s32 s7, s2  }
0x1e: {  	s7 =	smul.u32 @!p0 $0xF7A, s2;
	p2 =	seq.s32 @!p0 s5, $0x0  }
0x1f: {  	s9 =	smul.u32 $0xF7A, s1;
	s8 =	simm.s32 @!p0 $0x1BF5;
	p2 =	por !p2, p0  }
0x20: {  	[sflag:s8] =	ssyncset.s32 @!p0 $0xFFFFF086;
	s6 =	sadd.s32 @!p0 s3, s7;
	s7 =	simm.s32 @!p0 $0x108  }
0x21: {  	s3 =	sadd.s32 s3, s9;
	s6 =	sadd.s32 @!p0 $0x88, s6;
	s7 =	simm.s32 @p2 $0x1082  }
0x22: {  	[simem:s7], [sflag:s8] =	dma.local @!p0 [hbm:s6], $0xF7A  }
0x23: {  	s9 =	sor.u32 $0xD0000000, s2;
	s6 =	simm.s32 $0x108;
	_ =	swait.ge @!p0 [sflag:s8], $0x0  }
0x24: {  	s3 =	sadd.s32 $0x88, s3;
	s6 =	simm.s32 @!p1 $0x1082;
	[sflag:s4] =	ssyncset.s32 $0xFFFFF086  }
0x25: {  	[simem:s6], [sflag:s4] =	dma.local [hbm:s3], $0xF7A  }
0x26: {  	[smem:$0x3F9B] =	sst s1;
	(tag) =	ssettag s2;
	_ =	strace s9  }
0x27: {  	s1 =	sld [smem:$0x3FAB]  }
0x28: {  	s2 =	sld [smem:$0x3FAC]  }
0x29: {  	s4 =	sld [smem:$0x3FAE]  }
0x2a: {  	p0 =	seq.s32 s5, $0x0;
	s5 =	sld [smem:$0x3FAF]  }
0x2b: {  	s6 =	sld [smem:$0x3FB0]  }
0x2c: {  	s7 =	sld [smem:$0x3FB1]  }
0x2d: {  	s3 =	simm.s32 $0x108;
	s8 =	sld [smem:$0x3FB2]  }
0x2e: {  	s3 =	simm.s32 @!p0 $0x1082;
	s9 =	sld [smem:$0x3FB3]  }
0x2f: {  	lr =	sadd.s32 s0, s3;
	s0 =	sld [smem:$0x3FAA]  }
0x30: {  	s3 =	sld [smem:$0x3FAD]  }
0x31: {  	[smem:$0x3FB6] =	sst s10  }
0x32: {  	s10 =	sld [smem:$0x3FB4];
	_ =	sdelay $0x3  }
0x33: {  	p0 =	seq.s32 s10, $0x1;
	s10 =	sld [smem:$0x3FB6];
	_ =	sdelay $0x3  }
0x34: {  	[smem:$0x3FB6] =	sst s10  }
0x35: {  	s10 =	sld [smem:$0x3FB5];
	_ =	sdelay $0x3  }
0x36: {  	p1 =	seq.s32 s10, $0x1;
	s10 =	sld [smem:$0x3FB6];
	_ =	sdelay $0x3  }
0x37: {  	[smem:$0x3FB6] =	sst s10  }
0x38: {  	s10 =	sld [smem:$0x3FB7]  }
0x39: {  	_ = 	snop;
	(pc) =	sbr.ind lr, $3  }
0x3a: {  	_ = 	snop  }
0x3b: {  	_ = 	snop  }
0x3c: {  	p2 =	seq.s32 s10, $0x1;
	s10 =	sld [smem:$0x3FB6]  }
0x3d: {  	_ =	shalt  }
0x3e: {  	_ =	shalt  }
0x3f: {  	_ =	shalt  }
0x40: {  	_ =	shalt  }
0x41: {  	_ =	shalt  }
0x42: {  	_ =	shalt  }
0x43: {  	_ =	shalt  }
0x44: {  	_ =	shalt  }
0x45: {  	_ =	shalt  }
0x46: {  	_ =	shalt  }
0x47: {  	_ =	shalt  }
0x48: {  	_ =	shalt  }
0x49: {  	_ =	shalt  }
0x4a: {  	_ =	shalt  }
0x4b: {  	_ =	shalt  }
0x4c: {  	_ =	shalt  }
0x4d: {  	_ =	shalt  }
0x4e: {  	_ =	shalt  }
0x4f: {  	_ =	shalt  }
0x50: {  	_ =	shalt  }
0x51: {  	_ =	shalt  }
0x52: {  	_ =	shalt  }
0x53: {  	_ =	shalt  }
0x54: {  	_ =	shalt  }
0x55: {  	_ =	shalt  }
0x56: {  	_ =	shalt  }
0x57: {  	_ =	shalt  }
0x58: {  	_ =	shalt  }
0x59: {  	_ =	shalt  }
0x5a: {  	_ =	shalt  }
0x5b: {  	_ =	shalt  }
0x5c: {  	_ =	shalt  }
0x5d: {  	_ =	shalt  }
0x5e: {  	_ =	shalt  }
0x5f: {  	_ =	shalt  }
0x60: {  	_ =	shalt  }
0x61: {  	_ =	shalt  }
0x62: {  	_ =	shalt  }
0x63: {  	_ =	shalt  }
0x64: {  	_ =	shalt  }
0x65: {  	_ =	shalt  }
0x66: {  	_ =	shalt  }
0x67: {  	_ =	shalt  }
0x68: {  	_ =	shalt  }
0x69: {  	_ =	shalt  }
0x6a: {  	_ =	shalt  }
0x6b: {  	_ =	shalt  }
0x6c: {  	_ =	shalt  }
0x6d: {  	_ =	shalt  }
0x6e: {  	_ =	shalt  }
0x6f: {  	_ =	shalt  }
0x70: {  	_ =	shalt  }
0x71: {  	_ =	shalt  }
0x72: {  	_ =	shalt  }
0x73: {  	_ =	shalt  }
0x74: {  	_ =	shalt  }
0x75: {  	_ =	shalt  }
0x76: {  	_ =	shalt  }
0x77: {  	_ =	shalt  }
0x78: {  	_ =	shalt  }
0x79: {  	_ =	shalt  }
0x7a: {  	_ =	shalt  }
0x7b: {  	_ =	shalt  }
0x7c: {  	_ =	shalt  }
0x7d: {  	_ =	shalt  }
0x7e: {  	_ =	shalt  }
0x7f: {  	_ =	shalt  }
0x80: {  	_ =	shalt  }
0x81: {  	_ =	shalt  }
0x82: {  	_ =	shalt  }
0x83: {  	_ =	shalt  }
0x84: {  	_ =	shalt  }
0x85: {  	_ =	shalt  }
0x86: {  	_ =	shalt  }
0x87: {  	_ =	shalt  }
.Lfunc_end0:
.L_simem_size_0:
called_computation_lowered:
.L_overlay_start_0:
0x88: {  	s2 =	sld [smem:$0x3FD9]  }
0x89: {  	s3 =	sld [smem:$0x3FFE];
	_ =	sdelay $0x1  }
0x8a: {  	s1 =	srdreg.scid  }
0x8b: {  	s0 =	sand.u32 $0x1, s1  }
0x8c: {  	s14 =	sshll.u32 s0, $0xA;
	s2 =	sadd.s32 s3, s2  }
0x8d: {  	s2 =	sadd.s32 s2, s14  }
0x8e: {  	[smem:$0x3FC2] =	sst s2  }
0x8f: {  	_ = 	snop  }
0x90: {  	s2 =	sld [smem:$0x3FD0];
	_ =	sdelay $0x2  }
0x91: {  	s4 =	simm.s32 $0xB;
	s5 =	simm.s32 $0x10;
	s15 =	sld [smem:$0x3FC6]  }
0x92: {  	[smem:s5], [sflag:s4] =	dma.local [hbm:s2], $0x1  }
0x93: {  	_ =	swait.eq [sflag:s4], $0x1  }
0x94: {  	[sflag:s4] =	ssyncset.done $0x0  }
0x95: {  	[sflag:s4] =	ssyncadd.s32 $0xFFFFFFFF  }
0x96: {  	s16 =	sld [smem:$0x10];
	(tm) =	ssettm $0x1  }
0x97: {  	s17 =	sld [smem:$0x3FFB];
	_ =	sdelay $0x3  }
0x98: {  	_ =	strace s17  }
0x99: {  	s4 =	sld [smem:$0x3FFC];
	_ =	sdelay $0x3  }
0x9a: {  	_ =	strace s4  }
0x9b: {  	s4 =	sld [smem:$0x3FFD];
	_ =	sdelay $0x3  }
0x9c: {  	_ =	strace s4  }
0x9d: {  	_ =	strace $0x8FFFFFFF  }
0x9e: {  	s18 =	sld [smem:$0x3FDB];
	_ =	sdelay $0x1  }
0x9f: {  	s19 =	simm.s32 $_scs_section_size  }
0xa0: {  	s6 =	simm.s32 $_size__tile_overlayer_lowered;
	s7 =	simm.s32 $_tile_overlayer_lowered  }
0xa1: {  	s22 =	simm.s32 $0x1BFF;
	s21 =	sshll.u32 s7, $0x1;
	s4 =	sadd.s32 s19, s18  }
0xa2: {  	s8 =	simm.s32 $0x0;
	s20 =	sshll.u32 s6, $0x1;
	s6 =	sadd.s32 s21, s4  }
0xa3: {  	[timem:s8], [sflag:s22] =	dma.local [hbm:s6], s20  }
0xa4: {  	_ =	swait.ge [sflag:s22], s20  }
0xa5: {  	s5 =	ssub.s32 $0x0, s20;
	[sflag:s22] =	ssyncset.done $0x0  }
0xa6: {  	[sflag:s22] =	ssyncadd.s32 s5;
	_ =	sdelay $0x1  }
0xa7: {  	s23 =	simm.s32 $0x1B8B  }
0xa8: {  	_ =	swait.ge [sflag:s23], $0x1  }
0xa9: {  	[sflag:s23] =	ssyncset.done $0x0  }
0xaa: {  	s25 =	simm.s32 $0x1B8E;
	s24 =	sld [smem:$0x3FFE];
	[sflag:s23] =	ssyncadd.s32 $0xFFFFFFFF  }
0xab: {  	s26 =	simm.s32 $execute0_lowered;
	[smem:$0x3FD2] =	sst s25  }
0xac: {  	s6 =	sshll.u32 s26, $0x1;
	_ =	strace $0x80000046;
	[dreg:$0x1] =	wrdreg $0xFFFFFFFF  }
0xad: {  	s28 =	simm.s32 $_size_execute0_lowered;
	s4 =	sadd.s32 s4, s6;
	[dreg:$0x0] =	wrdreg $0x0  }
0xae: {  	s6 =	sshll.u32 s28, $0x1;
	[dreg:$0x2] =	wrdreg s4  }
0xaf: {  	[dreg:$0x3] =	wrdreg s6  }
0xb0: {  	[dreg:$0x4] =	wrdreg $0xC0  }
0xb1: {  	_ =	task [dreg:s8], $0x5FFFF  }
0xb2: {  	[dreg:$0x1] =	wrdreg $0xFFFFFFFF  }
0xb3: {  	[dreg:$0x0] =	wrdreg $0x60  }
0xb4: {  	[dreg:$0x2] =	wrdreg s15  }
0xb5: {  	[dreg:$0x3] =	wrdreg s16  }
0xb6: {  	[dreg:$0x4] =	wrdreg s24  }
0xb7: {  	[dreg:$0x5] =	wrdreg $0x9  }
0xb8: {  	_ =	task.clear_ibuf [dreg:s8], $0x6FFFF;
	_ =	strace $0x90000046  }
0xb9: {  	s29 =	simm.s32 $0x9;
	_ =	strace $0x80000048  }
0xba: {  	_ =	swait.ge [sflag:s29], $0x1  }
0xbb: {  	[sflag:s29] =	ssyncadd.s32 $0xFFFFFFFF  }
0xbc: {  	_ =	strace $0x90000048  }
0xbd: {  	_ =	sfence  }
0xbe: {  	s30 =	sld [smem:$0x0];
	_ =	sdelay $0x2  }
0xbf: {  	s31 =	sshll.u32 s1, $0xD;
	s1 =	sshrl.u32 s1, $0x2  }
0xc0: {  	s3 =	sand.u32 $0x4000, s31;
	s1 =	sadd.s32 s1, s30  }
0xc1: {  	s0 =	sor.u32 s3, s0;
	s1 =	sshll.u32 s1, $0x11  }
0xc2: {  	s0 =	sor.u32 s1, s0  }
0xc3: {  	s0 =	sadd.s32 $0x8F2B, s0  }
0xc4: {  	[sflag:s0] =	ssyncadd.remote.s32 $0x1  }
0xc5: {  	_ =	sfence.sel $0xFFFF  }
0xc6: {  	[dreg:$0x0] =	wrdreg $0xFFFFFFFF;
	(pc) =	sbr.abs _section_cstart, $3  }
0xc7: {  	[dreg:$0x1] =	wrdreg $0xFFFFFFFF  }
0xc8: {  	_ =	task.clear_ibuf [dreg:s8], $0x2FFFF;
	_ =	strace $0x9FFFFFFF  }
0xc9: {  	(tm) =	ssettm $0x7FFFFFFF  }
tec
execute0_lowered:
.L_overlay_start_1:
0x0: {  	(tag) =	ssettag $0x1  }
0x1: {  	s1 =	rddreg [dreg:$0x0];
	s0 =	srdreg.scid  }
0x2: {  	s2 =	rddreg [dreg:$0x1];
	s3 =	stileid.u32;
	s4 =	sand.u32 $0x1, s0  }
0x3: {  	s0 =	rddreg [dreg:$0x2];
	s5 =	sshll.u32 s3, $0xA;
	s3 =	simm.s32 $0x0  }
0x4: {  	s31 =	simm.s32 $0x100;
	s6 =	sshll.u32 s4, $0x9;
	[smem:$0x7FF] =	sst s3  }
0x5: {  	s4 =	ssub.s32 $0x2, s4;
	s5 =	sor.u32 s6, s5;
	_ =	strace $0x80000047  }
0x6: {  	s23 =	sshrl.u32 s4, $0x1;
	s6 =	sshrl.u32 s5, $0x3;
	s7 =	sor.u32 $0x40, s5  }
0x7: {  	s26 =	sshll.u32 s5, $0x6;
	s29 =	sor.u32 $0x80, s5;
	s9 =	sor.u32 $0xC0, s5  }
0x8: {  	s14 =	sor.u32 $0x100, s5;
	s17 =	sor.u32 $0x140, s5;
	s22 =	sor.u32 $0x180, s5  }
0x9: {  	s5 =	sor.u32 $0x1C0, s5;
	s6 =	sadd.s32 s2, s6;
	s8 =	sshrl.u32 s7, $0x3  }
0xa: {  	s28 =	sadd.s32 s0, s26;
	s30 =	sshrl.u32 s29, $0x3;
	s7 =	sshll.u32 s7, $0x6  }
0xb: {  	s10 =	sshrl.u32 s9, $0x3;
	s12 =	sshll.u32 s29, $0x6;
	[dreg:$0x4] =	wrdreg s6  }
0xc: {  	s15 =	sshrl.u32 s14, $0x3;
	s25 =	sadd.s32 s2, s8;
	[dreg:$0x6] =	wrdreg s28  }
0xd: {  	s16 =	sshll.u32 s9, $0x6;
	s6 =	sadd.s32 s2, s30;
	[dreg:$0x5] =	wrdreg s25  }
0xe: {  	s19 =	sshrl.u32 s17, $0x3;
	s7 =	sadd.s32 s0, s7;
	[dreg:$0x7] =	wrdreg s6  }
0xf: {  	s24 =	sshrl.u32 s22, $0x3;
	s11 =	sadd.s32 s2, s10;
	[dreg:$0x8] =	wrdreg s7  }
0x10: {  	s9 =	sshll.u32 s17, $0x6;
	s13 =	sadd.s32 s0, s12;
	[dreg:$0x9] =	wrdreg s11  }
0x11: {  	s26 =	sshrl.u32 s5, $0x3;
	s18 =	sadd.s32 s0, s16;
	[dreg:$0xa] =	wrdreg s13  }
0x12: {  	s5 =	sshll.u32 s5, $0x6;
	s20 =	sadd.s32 s2, s19;
	[dreg:$0xc] =	wrdreg s18  }
0x13: {  	s28 =	sshll.u32 s22, $0x6;
	s6 =	sadd.s32 s2, s15;
	[dreg:$0xd] =	wrdreg s20  }
0x14: {  	s30 =	ssub.s32 s4, s23;
	s25 =	sadd.s32 s0, s9;
	[dreg:$0xb] =	wrdreg s6  }
0x15: {  	s7 =	sshll.u32 s14, $0x6;
	s29 =	sadd.s32 s0, s28;
	[dreg:$0x10] =	wrdreg s25  }
0x16: {  	s4 =	sadd.s32 $0x100, s1;
	s21 =	sadd.s32 s0, s7;
	[dreg:$0x12] =	wrdreg s29  }
0x17: {  	s16 =	simm.s32 $0x2;
	s6 =	sadd.s32 s2, s24;
	[dreg:$0xe] =	wrdreg s21  }
0x18: {  	v2 =	vlaneseq.u32;
	s15 =	simm.s32 $0x1;
	s2 =	sadd.s32 s2, s26;
	[dreg:$0xf] =	wrdreg s6  }
0x19: {  	vm0 =	vmmov $0xffff;
	v1 =	vshrl.u32 v2, $0x3;
	s0 =	sadd.s32 s0, s5;
	s5 =	smax.u32 s30, $0x1;
	[dreg:$0x11] =	wrdreg s2  }
0x1a: {  	v0 =	vand.u32 $0x7, v2;
	v2 =	vor.u32 $0x8, v2;
	v1 =	vmul.u32 $0x8, v1;
	s24 =	simm.s32 $0x8100;
	[dreg:$0x13] =	wrdreg s0;
	s6 =	simm.s32 $0x3  }
.LBB2_1:
0x1b: {  	s17 =	rddreg [dreg:$0x4]  }
0x1c: {  	[tilespmem:s3], [sflag:$0x3] =	stream.linear.gather [hbm4b:s17+s3], $0x40, $0x38;
	[tilespmem:$0x10100] =	vst v63  }
0x1d: {  	_ =	swait.ge [sflag:s6], $0x40  }
0x1e: {  	[sflag:s6] =	ssyncset.done $0x0  }
0x1f: {  	[sflag:s6] =	ssyncadd.s32 $0xFFFFFFC0  }
0x20: {  	v3 =	vld [tilespmem:$0x0];
	_ =	sdelay $0x4  }
0x21: {  	v4 =	vshll.u32 v3, $0x2  }
0x22: {  	v3 =	vand.u32 $0x7, v3;
	v4 =	vand.u32 $0xFFFFFFE0, v4  }
0x23: {  	v3 =	vor.u32 v3, v4  }
0x24: {  	v4 =	vperm.xlane v3, v0;
	_ =	sdelay $0x1  }
0x25: {  	v4 =	vadd.s32 v1, v4;
	_ =	sdelay $0x1  }
0x26: {  	v3 =	vperm.xlane v3, v2;
	_ =	sdelay $0x1  }
0x27: {  	v3 =	vadd.s32 v1, v3  }
0x28: {  	[tilespmem:s31], [sflag:$0x1] =	stream.indirect_vreg.gather [hbm4b:s1+s3], $0x80, v4, vm0, $0xb8;
	[tilespmem:$0x10100] =	vst v63  }
0x29: {  	s0 =	simm.s32 $0x900  }
0x2a: {  	[tilespmem:s0], [sflag:$0x1] =	stream.indirect_vreg.gather [hbm4b:s4+s3], $0x80, v4, vm0, $0xb8;
	[tilespmem:$0x10100] =	vst v63  }
0x2b: {  	s19 =	simm.s32 $0x1100  }
0x2c: {  	[tilespmem:s19], [sflag:$0x1] =	stream.indirect_vreg.gather [hbm4b:s1+s3], $0x80, v3, vm0, $0xb8;
	[tilespmem:$0x10100] =	vst v63  }
0x2d: {  	s20 =	simm.s32 $0x1900  }
0x2e: {  	[tilespmem:s20], [sflag:$0x1] =	stream.indirect_vreg.gather [hbm4b:s4+s3], $0x80, v3, vm0, $0xb8;
	[tilespmem:$0x10100] =	vst v63  }
0x2f: {  	v3 =	vld [tilespmem:$0x10];
	_ =	sdelay $0x4  }
0x30: {  	v33 =	vshll.u32 v3, $0x2  }
0x31: {  	v3 =	vand.u32 $0x7, v3;
	v4 =	vand.u32 $0xFFFFFFE0, v33  }
0x32: {  	v3 =	vor.u32 v3, v4  }
0x33: {  	v4 =	vperm.xlane v3, v0;
	_ =	sdelay $0x1  }
0x34: {  	v4 =	vadd.s32 v1, v4;
	_ =	sdelay $0x1  }
0x35: {  	v3 =	vperm.xlane v3, v2;
	_ =	sdelay $0x1  }
0x36: {  	s21 =	simm.s32 $0x2100;
	v3 =	vadd.s32 v1, v3  }
0x37: {  	[tilespmem:s21], [sflag:$0x1] =	stream.indirect_vreg.gather [hbm4b:s1+s3], $0x80, v4, vm0, $0xb8;
	[tilespmem:$0x10100] =	vst v63  }
0x38: {  	s22 =	simm.s32 $0x2900  }
0x39: {  	[tilespmem:s22], [sflag:$0x1] =	stream.indirect_vreg.gather [hbm4b:s4+s3], $0x80, v4, vm0, $0xb8;
	[tilespmem:$0x10100] =	vst v63  }
0x3a: {  	s23 =	simm.s32 $0x3100  }
0x3b: {  	[tilespmem:s23], [sflag:$0x1] =	stream.indirect_vreg.gather [hbm4b:s1+s3], $0x80, v3, vm0, $0xb8;
	[tilespmem:$0x10100] =	vst v63  }
0x3c: {  	s25 =	simm.s32 $0x3900  }
0x3d: {  	[tilespmem:s25], [sflag:$0x1] =	stream.indirect_vreg.gather [hbm4b:s4+s3], $0x80, v3, vm0, $0xb8;
	[tilespmem:$0x10100] =	vst v63  }
0x3e: {  	v3 =	vld [tilespmem:$0x20];
	_ =	sdelay $0x4  }
0x3f: {  	v34 =	vshll.u32 v3, $0x2  }
0x40: {  	v3 =	vand.u32 $0x7, v3;
	v4 =	vand.u32 $0xFFFFFFE0, v34  }
0x41: {  	v3 =	vor.u32 v3, v4  }
0x42: {  	v4 =	vperm.xlane v3, v0;
	_ =	sdelay $0x1  }
0x43: {  	v4 =	vadd.s32 v1, v4;
	_ =	sdelay $0x1  }
0x44: {  	v3 =	vperm.xlane v3, v2;
	_ =	sdelay $0x1  }
0x45: {  	s26 =	simm.s32 $0x4100;
	v3 =	vadd.s32 v1, v3  }
0x46: {  	[tilespmem:s26], [sflag:$0x1] =	stream.indirect_vreg.gather [hbm4b:s1+s3], $0x80, v4, vm0, $0xb8;
	[tilespmem:$0x10100] =	vst v63  }
0x47: {  	s28 =	simm.s32 $0x4900  }
0x48: {  	[tilespmem:s28], [sflag:$0x1] =	stream.indirect_vreg.gather [hbm4b:s4+s3], $0x80, v4, vm0, $0xb8;
	[tilespmem:$0x10100] =	vst v63  }
0x49: {  	s29 =	simm.s32 $0x5100  }
0x4a: {  	[tilespmem:s29], [sflag:$0x1] =	stream.indirect_vreg.gather [hbm4b:s1+s3], $0x80, v3, vm0, $0xb8;
	[tilespmem:$0x10100] =	vst v63  }
0x4b: {  	s30 =	simm.s32 $0x5900  }
0x4c: {  	[tilespmem:s30], [sflag:$0x1] =	stream.indirect_vreg.gather [hbm4b:s4+s3], $0x80, v3, vm0, $0xb8;
	[tilespmem:$0x10100] =	vst v63  }
0x4d: {  	v3 =	vld [tilespmem:$0x30];
	_ =	sdelay $0x4  }
0x4e: {  	v35 =	vshll.u32 v3, $0x2  }
0x4f: {  	v3 =	vand.u32 $0x7, v3;
	v4 =	vand.u32 $0xFFFFFFE0, v35  }
0x50: {  	v3 =	vor.u32 v3, v4  }
0x51: {  	v4 =	vperm.xlane v3, v0;
	_ =	sdelay $0x1  }
0x52: {  	v4 =	vadd.s32 v1, v4;
	_ =	sdelay $0x1  }
0x53: {  	v3 =	vperm.xlane v3, v2;
	_ =	sdelay $0x1  }
0x54: {  	s2 =	simm.s32 $0x6100;
	v3 =	vadd.s32 v1, v3  }
0x55: {  	[tilespmem:s2], [sflag:$0x1] =	stream.indirect_vreg.gather [hbm4b:s1+s3], $0x80, v4, vm0, $0xb8;
	[tilespmem:$0x10100] =	vst v63  }
0x56: {  	s7 =	simm.s32 $0x6900  }
0x57: {  	[tilespmem:s7], [sflag:$0x1] =	stream.indirect_vreg.gather [hbm4b:s4+s3], $0x80, v4, vm0, $0xb8;
	[tilespmem:$0x10100] =	vst v63  }
0x58: {  	s8 =	simm.s32 $0x7100  }
0x59: {  	[tilespmem:s8], [sflag:$0x1] =	stream.indirect_vreg.gather [hbm4b:s1+s3], $0x80, v3, vm0, $0xb8;
	[tilespmem:$0x10100] =	vst v63  }
0x5a: {  	s11 =	simm.s32 $0x7900  }
0x5b: {  	[tilespmem:s11], [sflag:$0x1] =	stream.indirect_vreg.gather [hbm4b:s4+s3], $0x80, v3, vm0, $0xb8;
	[tilespmem:$0x10100] =	vst v63  }
0x5c: {  	s12 =	simm.s32 $0x80;
	s9 =	rddreg [dreg:$0x5]  }
0x5d: {  	[tilespmem:s12], [sflag:$0x3] =	stream.linear.gather [hbm4b:s9+s3], $0x40, $0x38;
	[tilespmem:$0x10100] =	vst v63  }
0x5e: {  	_ =	swait.ge [sflag:s6], $0x40  }
0x5f: {  	[sflag:s6] =	ssyncset.done $0x0  }
0x60: {  	[sflag:s6] =	ssyncadd.s32 $0xFFFFFFC0  }
0x61: {  	v3 =	vld [tilespmem:$0x80];
	_ =	sdelay $0x4  }
0x62: {  	v36 =	vshll.u32 v3, $0x2  }
0x63: {  	v3 =	vand.u32 $0x7, v3;
	v4 =	vand.u32 $0xFFFFFFE0, v36  }
0x64: {  	v3 =	vor.u32 v3, v4  }
0x65: {  	v4 =	vperm.xlane v3, v0;
	_ =	sdelay $0x1  }
0x66: {  	v4 =	vadd.s32 v1, v4;
	_ =	sdelay $0x1  }
0x67: {  	v3 =	vperm.xlane v3, v2;
	_ =	sdelay $0x1  }
0x68: {  	v3 =	vadd.s32 v1, v3  }
0x69: {  	[tilespmem:s24], [sflag:$0x2] =	stream.indirect_vreg.gather [hbm4b:s1+s3], $0x80, v4, vm0, $0xb8;
	[tilespmem:$0x10100] =	vst v63  }
0x6a: {  	s17 =	simm.s32 $0x8900  }
0x6b: {  	[tilespmem:s17], [sflag:$0x2] =	stream.indirect_vreg.gather [hbm4b:s4+s3], $0x80, v4, vm0, $0xb8;
	[tilespmem:$0x10100] =	vst v63  }
0x6c: {  	s19 =	simm.s32 $0x9100  }
0x6d: {  	[tilespmem:s19], [sflag:$0x2] =	stream.indirect_vreg.gather [hbm4b:s1+s3], $0x80, v3, vm0, $0xb8;
	[tilespmem:$0x10100] =	vst v63  }
0x6e: {  	s20 =	simm.s32 $0x9900  }
0x6f: {  	[tilespmem:s20], [sflag:$0x2] =	stream.indirect_vreg.gather [hbm4b:s4+s3], $0x80, v3, vm0, $0xb8;
	[tilespmem:$0x10100] =	vst v63  }
0x70: {  	v3 =	vld [tilespmem:$0x90];
	_ =	sdelay $0x4  }
0x71: {  	v37 =	vshll.u32 v3, $0x2  }
0x72: {  	v3 =	vand.u32 $0x7, v3;
	v4 =	vand.u32 $0xFFFFFFE0, v37  }
0x73: {  	v3 =	vor.u32 v3, v4  }
0x74: {  	v4 =	vperm.xlane v3, v0;
	_ =	sdelay $0x1  }
0x75: {  	v4 =	vadd.s32 v1, v4;
	_ =	sdelay $0x1  }
0x76: {  	v3 =	vperm.xlane v3, v2;
	_ =	sdelay $0x1  }
0x77: {  	s21 =	simm.s32 $0xA100;
	v3 =	vadd.s32 v1, v3  }
0x78: {  	[tilespmem:s21], [sflag:$0x2] =	stream.indirect_vreg.gather [hbm4b:s1+s3], $0x80, v4, vm0, $0xb8;
	[tilespmem:$0x10100] =	vst v63  }
0x79: {  	s22 =	simm.s32 $0xA900  }
0x7a: {  	[tilespmem:s22], [sflag:$0x2] =	stream.indirect_vreg.gather [hbm4b:s4+s3], $0x80, v4, vm0, $0xb8;
	[tilespmem:$0x10100] =	vst v63  }
0x7b: {  	s23 =	simm.s32 $0xB100  }
0x7c: {  	[tilespmem:s23], [sflag:$0x2] =	stream.indirect_vreg.gather [hbm4b:s1+s3], $0x80, v3, vm0, $0xb8;
	[tilespmem:$0x10100] =	vst v63  }
0x7d: {  	s25 =	simm.s32 $0xB900  }
0x7e: {  	[tilespmem:s25], [sflag:$0x2] =	stream.indirect_vreg.gather [hbm4b:s4+s3], $0x80, v3, vm0, $0xb8;
	[tilespmem:$0x10100] =	vst v63  }
0x7f: {  	v3 =	vld [tilespmem:$0xA0];
	_ =	sdelay $0x4  }
0x80: {  	v38 =	vshll.u32 v3, $0x2  }
0x81: {  	v3 =	vand.u32 $0x7, v3;
	v4 =	vand.u32 $0xFFFFFFE0, v38  }
0x82: {  	v3 =	vor.u32 v3, v4  }
0x83: {  	v4 =	vperm.xlane v3, v0;
	_ =	sdelay $0x1  }
0x84: {  	v4 =	vadd.s32 v1, v4;
	_ =	sdelay $0x1  }
0x85: {  	v3 =	vperm.xlane v3, v2;
	_ =	sdelay $0x1  }
0x86: {  	s28 =	simm.s32 $0xC100;
	v3 =	vadd.s32 v1, v3  }
0x87: {  	[tilespmem:s28], [sflag:$0x2] =	stream.indirect_vreg.gather [hbm4b:s1+s3], $0x80, v4, vm0, $0xb8;
	[tilespmem:$0x10100] =	vst v63  }
0x88: {  	s30 =	simm.s32 $0xC900  }
0x89: {  	[tilespmem:s30], [sflag:$0x2] =	stream.indirect_vreg.gather [hbm4b:s4+s3], $0x80, v4, vm0, $0xb8;
	[tilespmem:$0x10100] =	vst v63  }
0x8a: {  	s0 =	simm.s32 $0xD100  }
0x8b: {  	[tilespmem:s0], [sflag:$0x2] =	stream.indirect_vreg.gather [hbm4b:s1+s3], $0x80, v3, vm0, $0xb8;
	[tilespmem:$0x10100] =	vst v63  }
0x8c: {  	s8 =	simm.s32 $0xD900  }
0x8d: {  	[tilespmem:s8], [sflag:$0x2] =	stream.indirect_vreg.gather [hbm4b:s4+s3], $0x80, v3, vm0, $0xb8;
	[tilespmem:$0x10100] =	vst v63  }
0x8e: {  	v3 =	vld [tilespmem:$0xB0];
	_ =	sdelay $0x4  }
0x8f: {  	v39 =	vshll.u32 v3, $0x2  }
0x90: {  	v3 =	vand.u32 $0x7, v3;
	v4 =	vand.u32 $0xFFFFFFE0, v39  }
0x91: {  	v3 =	vor.u32 v3, v4  }
0x92: {  	v4 =	vperm.xlane v3, v0;
	_ =	sdelay $0x1  }
0x93: {  	v4 =	vadd.s32 v1, v4;
	_ =	sdelay $0x1  }
0x94: {  	v3 =	vperm.xlane v3, v2;
	_ =	sdelay $0x1  }
0x95: {  	s9 =	simm.s32 $0xE100;
	v3 =	vadd.s32 v1, v3  }
0x96: {  	[tilespmem:s9], [sflag:$0x2] =	stream.indirect_vreg.gather [hbm4b:s1+s3], $0x80, v4, vm0, $0xb8;
	[tilespmem:$0x10100] =	vst v63  }
0x97: {  	s11 =	simm.s32 $0xE900  }
0x98: {  	[tilespmem:s11], [sflag:$0x2] =	stream.indirect_vreg.gather [hbm4b:s4+s3], $0x80, v4, vm0, $0xb8;
	[tilespmem:$0x10100] =	vst v63  }
0x99: {  	s12 =	simm.s32 $0xF100  }
0x9a: {  	[tilespmem:s12], [sflag:$0x2] =	stream.indirect_vreg.gather [hbm4b:s1+s3], $0x80, v3, vm0, $0xb8;
	[tilespmem:$0x10100] =	vst v63  }
0x9b: {  	s19 =	simm.s32 $0xF900  }
0x9c: {  	[tilespmem:s19], [sflag:$0x2] =	stream.indirect_vreg.gather [hbm4b:s4+s3], $0x80, v3, vm0, $0xb8;
	[tilespmem:$0x10100] =	vst v63  }
0x9d: {  	_ =	swait.ge [sflag:s15], $0x8000  }
0x9e: {  	[sflag:s15] =	ssyncset.done $0x0  }
0x9f: {  	s20 =	rddreg [dreg:$0x6];
	[sflag:s15] =	ssyncadd.s32 $0xFFFF8000  }
0xa0: {  	[hbm4b:s20+s3] =	stream.linear.scatter [tilespmem:s31], [sflag:$0x3], $0x8000, $0x38;
	[tilespmem:$0x10100] =	vst v63  }
0xa1: {  	_ =	swait.ge [sflag:s6], $0x8000  }
0xa2: {  	[sflag:s6] =	ssyncset.done $0x0  }
0xa3: {  	s21 =	rddreg [dreg:$0x7];
	[sflag:s6] =	ssyncadd.s32 $0xFFFF8000  }
0xa4: {  	[tilespmem:s3], [sflag:$0x3] =	stream.linear.gather [hbm4b:s21+s3], $0x40, $0x38;
	[tilespmem:$0x10100] =	vst v63  }
0xa5: {  	_ =	swait.ge [sflag:s6], $0x40  }
0xa6: {  	[sflag:s6] =	ssyncset.done $0x0  }
0xa7: {  	[sflag:s6] =	ssyncadd.s32 $0xFFFFFFC0  }
0xa8: {  	v3 =	vld [tilespmem:$0x0];
	_ =	sdelay $0x4  }
0xa9: {  	v40 =	vshll.u32 v3, $0x2  }
0xaa: {  	v3 =	vand.u32 $0x7, v3;
	v4 =	vand.u32 $0xFFFFFFE0, v40  }
0xab: {  	v3 =	vor.u32 v3, v4  }
0xac: {  	v4 =	vperm.xlane v3, v0;
	_ =	sdelay $0x1  }
0xad: {  	v4 =	vadd.s32 v1, v4;
	_ =	sdelay $0x1  }
0xae: {  	v3 =	vperm.xlane v3, v2;
	_ =	sdelay $0x1  }
0xaf: {  	v3 =	vadd.s32 v1, v3  }
0xb0: {  	[tilespmem:s31], [sflag:$0x1] =	stream.indirect_vreg.gather [hbm4b:s1+s3], $0x80, v4, vm0, $0xb8;
	[tilespmem:$0x10100] =	vst v63  }
0xb1: {  	s8 =	simm.s32 $0x900  }
0xb2: {  	[tilespmem:s8], [sflag:$0x1] =	stream.indirect_vreg.gather [hbm4b:s4+s3], $0x80, v4, vm0, $0xb8;
	[tilespmem:$0x10100] =	vst v63  }
0xb3: {  	s9 =	simm.s32 $0x1100  }
0xb4: {  	[tilespmem:s9], [sflag:$0x1] =	stream.indirect_vreg.gather [hbm4b:s1+s3], $0x80, v3, vm0, $0xb8;
	[tilespmem:$0x10100] =	vst v63  }
0xb5: {  	s10 =	simm.s32 $0x1900  }
0xb6: {  	[tilespmem:s10], [sflag:$0x1] =	stream.indirect_vreg.gather [hbm4b:s4+s3], $0x80, v3, vm0, $0xb8;
	[tilespmem:$0x10100] =	vst v63  }
0xb7: {  	v3 =	vld [tilespmem:$0x10];
	_ =	sdelay $0x4  }
0xb8: {  	v41 =	vshll.u32 v3, $0x2  }
0xb9: {  	v3 =	vand.u32 $0x7, v3;
	v4 =	vand.u32 $0xFFFFFFE0, v41  }
0xba: {  	v3 =	vor.u32 v3, v4  }
0xbb: {  	v4 =	vperm.xlane v3, v0;
	_ =	sdelay $0x1  }
0xbc: {  	v4 =	vadd.s32 v1, v4;
	_ =	sdelay $0x1  }
0xbd: {  	v3 =	vperm.xlane v3, v2;
	_ =	sdelay $0x1  }
0xbe: {  	s10 =	simm.s32 $0x2100;
	v3 =	vadd.s32 v1, v3  }
0xbf: {  	[tilespmem:s10], [sflag:$0x1] =	stream.indirect_vreg.gather [hbm4b:s1+s3], $0x80, v4, vm0, $0xb8;
	[tilespmem:$0x10100] =	vst v63  }
0xc0: {  	s11 =	simm.s32 $0x2900  }
0xc1: {  	[tilespmem:s11], [sflag:$0x1] =	stream.indirect_vreg.gather [hbm4b:s4+s3], $0x80, v4, vm0, $0xb8;
	[tilespmem:$0x10100] =	vst v63  }
0xc2: {  	s12 =	simm.s32 $0x3100  }
0xc3: {  	[tilespmem:s12], [sflag:$0x1] =	stream.indirect_vreg.gather [hbm4b:s1+s3], $0x80, v3, vm0, $0xb8;
	[tilespmem:$0x10100] =	vst v63  }
0xc4: {  	s14 =	simm.s32 $0x3900  }
0xc5: {  	[tilespmem:s14], [sflag:$0x1] =	stream.indirect_vreg.gather [hbm4b:s4+s3], $0x80, v3, vm0, $0xb8;
	[tilespmem:$0x10100] =	vst v63  }
0xc6: {  	v3 =	vld [tilespmem:$0x20];
	_ =	sdelay $0x4  }
0xc7: {  	v42 =	vshll.u32 v3, $0x2  }
0xc8: {  	v3 =	vand.u32 $0x7, v3;
	v4 =	vand.u32 $0xFFFFFFE0, v42  }
0xc9: {  	v3 =	vor.u32 v3, v4  }
0xca: {  	v4 =	vperm.xlane v3, v0;
	_ =	sdelay $0x1  }
0xcb: {  	v4 =	vadd.s32 v1, v4;
	_ =	sdelay $0x1  }
0xcc: {  	v3 =	vperm.xlane v3, v2;
	_ =	sdelay $0x1  }
0xcd: {  	s13 =	simm.s32 $0x4100;
	v3 =	vadd.s32 v1, v3  }
0xce: {  	[tilespmem:s13], [sflag:$0x1] =	stream.indirect_vreg.gather [hbm4b:s1+s3], $0x80, v4, vm0, $0xb8;
	[tilespmem:$0x10100] =	vst v63  }
0xcf: {  	s19 =	simm.s32 $0x4900  }
0xd0: {  	[tilespmem:s19], [sflag:$0x1] =	stream.indirect_vreg.gather [hbm4b:s4+s3], $0x80, v4, vm0, $0xb8;
	[tilespmem:$0x10100] =	vst v63  }
0xd1: {  	s14 =	simm.s32 $0x5100  }
0xd2: {  	[tilespmem:s14], [sflag:$0x1] =	stream.indirect_vreg.gather [hbm4b:s1+s3], $0x80, v3, vm0, $0xb8;
	[tilespmem:$0x10100] =	vst v63  }
0xd3: {  	s18 =	simm.s32 $0x5900  }
0xd4: {  	[tilespmem:s18], [sflag:$0x1] =	stream.indirect_vreg.gather [hbm4b:s4+s3], $0x80, v3, vm0, $0xb8;
	[tilespmem:$0x10100] =	vst v63  }
0xd5: {  	v3 =	vld [tilespmem:$0x30];
	_ =	sdelay $0x4  }
0xd6: {  	v43 =	vshll.u32 v3, $0x2  }
0xd7: {  	v3 =	vand.u32 $0x7, v3;
	v4 =	vand.u32 $0xFFFFFFE0, v43  }
0xd8: {  	v3 =	vor.u32 v3, v4  }
0xd9: {  	v4 =	vperm.xlane v3, v0;
	_ =	sdelay $0x1  }
0xda: {  	v4 =	vadd.s32 v1, v4;
	_ =	sdelay $0x1  }
0xdb: {  	v3 =	vperm.xlane v3, v2;
	_ =	sdelay $0x1  }
0xdc: {  	s18 =	simm.s32 $0x6100;
	v3 =	vadd.s32 v1, v3  }
0xdd: {  	[tilespmem:s18], [sflag:$0x1] =	stream.indirect_vreg.gather [hbm4b:s1+s3], $0x80, v4, vm0, $0xb8;
	[tilespmem:$0x10100] =	vst v63  }
0xde: {  	s13 =	simm.s32 $0x6900  }
0xdf: {  	[tilespmem:s13], [sflag:$0x1] =	stream.indirect_vreg.gather [hbm4b:s4+s3], $0x80, v4, vm0, $0xb8;
	[tilespmem:$0x10100] =	vst v63  }
0xe0: {  	s20 =	simm.s32 $0x7100  }
0xe1: {  	[tilespmem:s20], [sflag:$0x1] =	stream.indirect_vreg.gather [hbm4b:s1+s3], $0x80, v3, vm0, $0xb8;
	[tilespmem:$0x10100] =	vst v63  }
0xe2: {  	s21 =	simm.s32 $0x7900  }
0xe3: {  	[tilespmem:s21], [sflag:$0x1] =	stream.indirect_vreg.gather [hbm4b:s4+s3], $0x80, v3, vm0, $0xb8;
	[tilespmem:$0x10100] =	vst v63  }
0xe4: {  	_ =	swait.ge [sflag:s16], $0x8000  }
0xe5: {  	[sflag:s16] =	ssyncset.done $0x0  }
0xe6: {  	s0 =	rddreg [dreg:$0x8];
	[sflag:s16] =	ssyncadd.s32 $0xFFFF8000  }
0xe7: {  	[hbm4b:s0+s3] =	stream.linear.scatter [tilespmem:s24], [sflag:$0x3], $0x8000, $0x38;
	[tilespmem:$0x10100] =	vst v63  }
0xe8: {  	_ =	swait.ge [sflag:s6], $0x8000  }
0xe9: {  	[sflag:s6] =	ssyncset.done $0x0  }
0xea: {  	s2 =	simm.s32 $0x80;
	s0 =	rddreg [dreg:$0x9];
	[sflag:s6] =	ssyncadd.s32 $0xFFFF8000  }
0xeb: {  	[tilespmem:s2], [sflag:$0x3] =	stream.linear.gather [hbm4b:s0+s3], $0x40, $0x38;
	[tilespmem:$0x10100] =	vst v63  }
0xec: {  	_ =	swait.ge [sflag:s6], $0x40  }
0xed: {  	[sflag:s6] =	ssyncset.done $0x0  }
0xee: {  	[sflag:s6] =	ssyncadd.s32 $0xFFFFFFC0  }
0xef: {  	v3 =	vld [tilespmem:$0x80];
	_ =	sdelay $0x4  }
0xf0: {  	v44 =	vshll.u32 v3, $0x2  }
0xf1: {  	v3 =	vand.u32 $0x7, v3;
	v4 =	vand.u32 $0xFFFFFFE0, v44  }
0xf2: {  	v3 =	vor.u32 v3, v4  }
0xf3: {  	v4 =	vperm.xlane v3, v0;
	_ =	sdelay $0x1  }
0xf4: {  	v4 =	vadd.s32 v1, v4;
	_ =	sdelay $0x1  }
0xf5: {  	v3 =	vperm.xlane v3, v2;
	_ =	sdelay $0x1  }
0xf6: {  	v3 =	vadd.s32 v1, v3  }
0xf7: {  	[tilespmem:s24], [sflag:$0x2] =	stream.indirect_vreg.gather [hbm4b:s1+s3], $0x80, v4, vm0, $0xb8;
	[tilespmem:$0x10100] =	vst v63  }
0xf8: {  	s0 =	simm.s32 $0x8900  }
0xf9: {  	[tilespmem:s0], [sflag:$0x2] =	stream.indirect_vreg.gather [hbm4b:s4+s3], $0x80, v4, vm0, $0xb8;
	[tilespmem:$0x10100] =	vst v63  }
0xfa: {  	s2 =	simm.s32 $0x9100  }
0xfb: {  	[tilespmem:s2], [sflag:$0x2] =	stream.indirect_vreg.gather [hbm4b:s1+s3], $0x80, v3, vm0, $0xb8;
	[tilespmem:$0x10100] =	vst v63  }
0xfc: {  	s7 =	simm.s32 $0x9900  }
0xfd: {  	[tilespmem:s7], [sflag:$0x2] =	stream.indirect_vreg.gather [hbm4b:s4+s3], $0x80, v3, vm0, $0xb8;
	[tilespmem:$0x10100] =	vst v63  }
0xfe: {  	v3 =	vld [tilespmem:$0x90];
	_ =	sdelay $0x4  }
0xff: {  	v45 =	vshll.u32 v3, $0x2  }
0x100: {  	v3 =	vand.u32 $0x7, v3;
	v4 =	vand.u32 $0xFFFFFFE0, v45  }
0x101: {  	v3 =	vor.u32 v3, v4  }
0x102: {  	v4 =	vperm.xlane v3, v0;
	_ =	sdelay $0x1  }
0x103: {  	v4 =	vadd.s32 v1, v4;
	_ =	sdelay $0x1  }
0x104: {  	v3 =	vperm.xlane v3, v2;
	_ =	sdelay $0x1  }
0x105: {  	s7 =	simm.s32 $0xA100;
	v3 =	vadd.s32 v1, v3  }
0x106: {  	[tilespmem:s7], [sflag:$0x2] =	stream.indirect_vreg.gather [hbm4b:s1+s3], $0x80, v4, vm0, $0xb8;
	[tilespmem:$0x10100] =	vst v63  }
0x107: {  	s29 =	simm.s32 $0xA900  }
0x108: {  	[tilespmem:s29], [sflag:$0x2] =	stream.indirect_vreg.gather [hbm4b:s4+s3], $0x80, v4, vm0, $0xb8;
	[tilespmem:$0x10100] =	vst v63  }
0x109: {  	s26 =	simm.s32 $0xB100  }
0x10a: {  	[tilespmem:s26], [sflag:$0x2] =	stream.indirect_vreg.gather [hbm4b:s1+s3], $0x80, v3, vm0, $0xb8;
	[tilespmem:$0x10100] =	vst v63  }
0x10b: {  	s25 =	simm.s32 $0xB900  }
0x10c: {  	[tilespmem:s25], [sflag:$0x2] =	stream.indirect_vreg.gather [hbm4b:s4+s3], $0x80, v3, vm0, $0xb8;
	[tilespmem:$0x10100] =	vst v63  }
0x10d: {  	v3 =	vld [tilespmem:$0xA0];
	_ =	sdelay $0x4  }
0x10e: {  	v46 =	vshll.u32 v3, $0x2  }
0x10f: {  	v3 =	vand.u32 $0x7, v3;
	v4 =	vand.u32 $0xFFFFFFE0, v46  }
0x110: {  	v3 =	vor.u32 v3, v4  }
0x111: {  	v4 =	vperm.xlane v3, v0;
	_ =	sdelay $0x1  }
0x112: {  	v4 =	vadd.s32 v1, v4;
	_ =	sdelay $0x1  }
0x113: {  	v3 =	vperm.xlane v3, v2;
	_ =	sdelay $0x1  }
0x114: {  	s28 =	simm.s32 $0xC100;
	v3 =	vadd.s32 v1, v3  }
0x115: {  	[tilespmem:s28], [sflag:$0x2] =	stream.indirect_vreg.gather [hbm4b:s1+s3], $0x80, v4, vm0, $0xb8;
	[tilespmem:$0x10100] =	vst v63  }
0x116: {  	s30 =	simm.s32 $0xC900  }
0x117: {  	[tilespmem:s30], [sflag:$0x2] =	stream.indirect_vreg.gather [hbm4b:s4+s3], $0x80, v4, vm0, $0xb8;
	[tilespmem:$0x10100] =	vst v63  }
0x118: {  	s29 =	simm.s32 $0xD100  }
0x119: {  	[tilespmem:s29], [sflag:$0x2] =	stream.indirect_vreg.gather [hbm4b:s1+s3], $0x80, v3, vm0, $0xb8;
	[tilespmem:$0x10100] =	vst v63  }
0x11a: {  	s22 =	simm.s32 $0xD900  }
0x11b: {  	[tilespmem:s22], [sflag:$0x2] =	stream.indirect_vreg.gather [hbm4b:s4+s3], $0x80, v3, vm0, $0xb8;
	[tilespmem:$0x10100] =	vst v63  }
0x11c: {  	v3 =	vld [tilespmem:$0xB0];
	_ =	sdelay $0x4  }
0x11d: {  	v47 =	vshll.u32 v3, $0x2  }
0x11e: {  	v3 =	vand.u32 $0x7, v3;
	v4 =	vand.u32 $0xFFFFFFE0, v47  }
0x11f: {  	v3 =	vor.u32 v3, v4  }
0x120: {  	v4 =	vperm.xlane v3, v0;
	_ =	sdelay $0x1  }
0x121: {  	v4 =	vadd.s32 v1, v4;
	_ =	sdelay $0x1  }
0x122: {  	v3 =	vperm.xlane v3, v2;
	_ =	sdelay $0x1  }
0x123: {  	s30 =	simm.s32 $0xE100;
	v3 =	vadd.s32 v1, v3  }
0x124: {  	[tilespmem:s30], [sflag:$0x2] =	stream.indirect_vreg.gather [hbm4b:s1+s3], $0x80, v4, vm0, $0xb8;
	[tilespmem:$0x10100] =	vst v63  }
0x125: {  	s22 =	simm.s32 $0xE900  }
0x126: {  	[tilespmem:s22], [sflag:$0x2] =	stream.indirect_vreg.gather [hbm4b:s4+s3], $0x80, v4, vm0, $0xb8;
	[tilespmem:$0x10100] =	vst v63  }
0x127: {  	s17 =	simm.s32 $0xF100  }
0x128: {  	[tilespmem:s17], [sflag:$0x2] =	stream.indirect_vreg.gather [hbm4b:s1+s3], $0x80, v3, vm0, $0xb8;
	[tilespmem:$0x10100] =	vst v63  }
0x129: {  	s23 =	simm.s32 $0xF900  }
0x12a: {  	[tilespmem:s23], [sflag:$0x2] =	stream.indirect_vreg.gather [hbm4b:s4+s3], $0x80, v3, vm0, $0xb8;
	[tilespmem:$0x10100] =	vst v63  }
0x12b: {  	_ =	swait.ge [sflag:s15], $0x8000  }
0x12c: {  	[sflag:s15] =	ssyncset.done $0x0  }
0x12d: {  	s23 =	rddreg [dreg:$0xa];
	[sflag:s15] =	ssyncadd.s32 $0xFFFF8000  }
0x12e: {  	[hbm4b:s23+s3] =	stream.linear.scatter [tilespmem:s31], [sflag:$0x3], $0x8000, $0x38;
	[tilespmem:$0x10100] =	vst v63  }
0x12f: {  	_ =	swait.ge [sflag:s6], $0x8000  }
0x130: {  	[sflag:s6] =	ssyncset.done $0x0  }
0x131: {  	s23 =	rddreg [dreg:$0xb];
	[sflag:s6] =	ssyncadd.s32 $0xFFFF8000  }
0x132: {  	[tilespmem:s3], [sflag:$0x3] =	stream.linear.gather [hbm4b:s23+s3], $0x40, $0x38;
	[tilespmem:$0x10100] =	vst v63  }
0x133: {  	_ =	swait.ge [sflag:s6], $0x40  }
0x134: {  	[sflag:s6] =	ssyncset.done $0x0  }
0x135: {  	[sflag:s6] =	ssyncadd.s32 $0xFFFFFFC0  }
0x136: {  	v3 =	vld [tilespmem:$0x0];
	_ =	sdelay $0x4  }
0x137: {  	v48 =	vshll.u32 v3, $0x2  }
0x138: {  	v3 =	vand.u32 $0x7, v3;
	v4 =	vand.u32 $0xFFFFFFE0, v48  }
0x139: {  	v3 =	vor.u32 v3, v4  }
0x13a: {  	v4 =	vperm.xlane v3, v0;
	_ =	sdelay $0x1  }
0x13b: {  	v4 =	vadd.s32 v1, v4;
	_ =	sdelay $0x1  }
0x13c: {  	v3 =	vperm.xlane v3, v2;
	_ =	sdelay $0x1  }
0x13d: {  	v3 =	vadd.s32 v1, v3  }
0x13e: {  	[tilespmem:s31], [sflag:$0x1] =	stream.indirect_vreg.gather [hbm4b:s1+s3], $0x80, v4, vm0, $0xb8;
	[tilespmem:$0x10100] =	vst v63  }
0x13f: {  	_ = 	snop  }
0x140: {  	[tilespmem:s8], [sflag:$0x1] =	stream.indirect_vreg.gather [hbm4b:s4+s3], $0x80, v4, vm0, $0xb8;
	[tilespmem:$0x10100] =	vst v63  }
0x141: {  	_ = 	snop  }
0x142: {  	[tilespmem:s9], [sflag:$0x1] =	stream.indirect_vreg.gather [hbm4b:s1+s3], $0x80, v3, vm0, $0xb8;
	[tilespmem:$0x10100] =	vst v63  }
0x143: {  	s23 =	simm.s32 $0x1900  }
0x144: {  	[tilespmem:s23], [sflag:$0x1] =	stream.indirect_vreg.gather [hbm4b:s4+s3], $0x80, v3, vm0, $0xb8;
	[tilespmem:$0x10100] =	vst v63  }
0x145: {  	v3 =	vld [tilespmem:$0x10];
	_ =	sdelay $0x4  }
0x146: {  	v49 =	vshll.u32 v3, $0x2  }
0x147: {  	v3 =	vand.u32 $0x7, v3;
	v4 =	vand.u32 $0xFFFFFFE0, v49  }
0x148: {  	v3 =	vor.u32 v3, v4  }
0x149: {  	v4 =	vperm.xlane v3, v0;
	_ =	sdelay $0x1  }
0x14a: {  	v4 =	vadd.s32 v1, v4;
	_ =	sdelay $0x1  }
0x14b: {  	v3 =	vperm.xlane v3, v2;
	_ =	sdelay $0x1  }
0x14c: {  	v3 =	vadd.s32 v1, v3  }
0x14d: {  	[tilespmem:s10], [sflag:$0x1] =	stream.indirect_vreg.gather [hbm4b:s1+s3], $0x80, v4, vm0, $0xb8;
	[tilespmem:$0x10100] =	vst v63  }
0x14e: {  	_ = 	snop  }
0x14f: {  	[tilespmem:s11], [sflag:$0x1] =	stream.indirect_vreg.gather [hbm4b:s4+s3], $0x80, v4, vm0, $0xb8;
	[tilespmem:$0x10100] =	vst v63  }
0x150: {  	_ = 	snop  }
0x151: {  	[tilespmem:s12], [sflag:$0x1] =	stream.indirect_vreg.gather [hbm4b:s1+s3], $0x80, v3, vm0, $0xb8;
	[tilespmem:$0x10100] =	vst v63  }
0x152: {  	s23 =	simm.s32 $0x3900  }
0x153: {  	[tilespmem:s23], [sflag:$0x1] =	stream.indirect_vreg.gather [hbm4b:s4+s3], $0x80, v3, vm0, $0xb8;
	[tilespmem:$0x10100] =	vst v63  }
0x154: {  	v3 =	vld [tilespmem:$0x20];
	_ =	sdelay $0x4  }
0x155: {  	v50 =	vshll.u32 v3, $0x2  }
0x156: {  	v3 =	vand.u32 $0x7, v3;
	v4 =	vand.u32 $0xFFFFFFE0, v50  }
0x157: {  	v3 =	vor.u32 v3, v4  }
0x158: {  	v4 =	vperm.xlane v3, v0;
	_ =	sdelay $0x1  }
0x159: {  	v4 =	vadd.s32 v1, v4;
	_ =	sdelay $0x1  }
0x15a: {  	v3 =	vperm.xlane v3, v2;
	_ =	sdelay $0x1  }
0x15b: {  	s23 =	simm.s32 $0x4100;
	v3 =	vadd.s32 v1, v3  }
0x15c: {  	[tilespmem:s23], [sflag:$0x1] =	stream.indirect_vreg.gather [hbm4b:s1+s3], $0x80, v4, vm0, $0xb8;
	[tilespmem:$0x10100] =	vst v63  }
0x15d: {  	_ = 	snop  }
0x15e: {  	[tilespmem:s19], [sflag:$0x1] =	stream.indirect_vreg.gather [hbm4b:s4+s3], $0x80, v4, vm0, $0xb8;
	[tilespmem:$0x10100] =	vst v63  }
0x15f: {  	_ = 	snop  }
0x160: {  	[tilespmem:s14], [sflag:$0x1] =	stream.indirect_vreg.gather [hbm4b:s1+s3], $0x80, v3, vm0, $0xb8;
	[tilespmem:$0x10100] =	vst v63  }
0x161: {  	s23 =	simm.s32 $0x5900  }
0x162: {  	[tilespmem:s23], [sflag:$0x1] =	stream.indirect_vreg.gather [hbm4b:s4+s3], $0x80, v3, vm0, $0xb8;
	[tilespmem:$0x10100] =	vst v63  }
0x163: {  	v3 =	vld [tilespmem:$0x30];
	_ =	sdelay $0x4  }
0x164: {  	v51 =	vshll.u32 v3, $0x2  }
0x165: {  	v3 =	vand.u32 $0x7, v3;
	v4 =	vand.u32 $0xFFFFFFE0, v51  }
0x166: {  	v3 =	vor.u32 v3, v4  }
0x167: {  	v4 =	vperm.xlane v3, v0;
	_ =	sdelay $0x1  }
0x168: {  	v4 =	vadd.s32 v1, v4;
	_ =	sdelay $0x1  }
0x169: {  	v3 =	vperm.xlane v3, v2;
	_ =	sdelay $0x1  }
0x16a: {  	v3 =	vadd.s32 v1, v3  }
0x16b: {  	[tilespmem:s18], [sflag:$0x1] =	stream.indirect_vreg.gather [hbm4b:s1+s3], $0x80, v4, vm0, $0xb8;
	[tilespmem:$0x10100] =	vst v63  }
0x16c: {  	_ = 	snop  }
0x16d: {  	[tilespmem:s13], [sflag:$0x1] =	stream.indirect_vreg.gather [hbm4b:s4+s3], $0x80, v4, vm0, $0xb8;
	[tilespmem:$0x10100] =	vst v63  }
0x16e: {  	_ = 	snop  }
0x16f: {  	[tilespmem:s20], [sflag:$0x1] =	stream.indirect_vreg.gather [hbm4b:s1+s3], $0x80, v3, vm0, $0xb8;
	[tilespmem:$0x10100] =	vst v63  }
0x170: {  	_ = 	snop  }
0x171: {  	[tilespmem:s21], [sflag:$0x1] =	stream.indirect_vreg.gather [hbm4b:s4+s3], $0x80, v3, vm0, $0xb8;
	[tilespmem:$0x10100] =	vst v63  }
0x172: {  	_ =	swait.ge [sflag:s16], $0x8000  }
0x173: {  	[sflag:s16] =	ssyncset.done $0x0  }
0x174: {  	s23 =	rddreg [dreg:$0xc];
	[sflag:s16] =	ssyncadd.s32 $0xFFFF8000  }
0x175: {  	[hbm4b:s23+s3] =	stream.linear.scatter [tilespmem:s24], [sflag:$0x3], $0x8000, $0x38;
	[tilespmem:$0x10100] =	vst v63  }
0x176: {  	_ =	swait.ge [sflag:s6], $0x8000  }
0x177: {  	[sflag:s6] =	ssyncset.done $0x0  }
0x178: {  	s23 =	simm.s32 $0x80;
	s17 =	rddreg [dreg:$0xd];
	[sflag:s6] =	ssyncadd.s32 $0xFFFF8000  }
0x179: {  	[tilespmem:s23], [sflag:$0x3] =	stream.linear.gather [hbm4b:s17+s3], $0x40, $0x38;
	[tilespmem:$0x10100] =	vst v63  }
0x17a: {  	_ =	swait.ge [sflag:s6], $0x40  }
0x17b: {  	[sflag:s6] =	ssyncset.done $0x0  }
0x17c: {  	[sflag:s6] =	ssyncadd.s32 $0xFFFFFFC0  }
0x17d: {  	v3 =	vld [tilespmem:$0x80];
	_ =	sdelay $0x4  }
0x17e: {  	v52 =	vshll.u32 v3, $0x2  }
0x17f: {  	v3 =	vand.u32 $0x7, v3;
	v4 =	vand.u32 $0xFFFFFFE0, v52  }
0x180: {  	v3 =	vor.u32 v3, v4  }
0x181: {  	v4 =	vperm.xlane v3, v0;
	_ =	sdelay $0x1  }
0x182: {  	v4 =	vadd.s32 v1, v4;
	_ =	sdelay $0x1  }
0x183: {  	v3 =	vperm.xlane v3, v2;
	_ =	sdelay $0x1  }
0x184: {  	v3 =	vadd.s32 v1, v3  }
0x185: {  	[tilespmem:s24], [sflag:$0x2] =	stream.indirect_vreg.gather [hbm4b:s1+s3], $0x80, v4, vm0, $0xb8;
	[tilespmem:$0x10100] =	vst v63  }
0x186: {  	_ = 	snop  }
0x187: {  	[tilespmem:s0], [sflag:$0x2] =	stream.indirect_vreg.gather [hbm4b:s4+s3], $0x80, v4, vm0, $0xb8;
	[tilespmem:$0x10100] =	vst v63  }
0x188: {  	_ = 	snop  }
0x189: {  	[tilespmem:s2], [sflag:$0x2] =	stream.indirect_vreg.gather [hbm4b:s1+s3], $0x80, v3, vm0, $0xb8;
	[tilespmem:$0x10100] =	vst v63  }
0x18a: {  	s23 =	simm.s32 $0x9900  }
0x18b: {  	[tilespmem:s23], [sflag:$0x2] =	stream.indirect_vreg.gather [hbm4b:s4+s3], $0x80, v3, vm0, $0xb8;
	[tilespmem:$0x10100] =	vst v63  }
0x18c: {  	v3 =	vld [tilespmem:$0x90];
	_ =	sdelay $0x4  }
0x18d: {  	v53 =	vshll.u32 v3, $0x2  }
0x18e: {  	v3 =	vand.u32 $0x7, v3;
	v4 =	vand.u32 $0xFFFFFFE0, v53  }
0x18f: {  	v3 =	vor.u32 v3, v4  }
0x190: {  	v4 =	vperm.xlane v3, v0;
	_ =	sdelay $0x1  }
0x191: {  	v4 =	vadd.s32 v1, v4;
	_ =	sdelay $0x1  }
0x192: {  	v3 =	vperm.xlane v3, v2;
	_ =	sdelay $0x1  }
0x193: {  	v3 =	vadd.s32 v1, v3  }
0x194: {  	[tilespmem:s7], [sflag:$0x2] =	stream.indirect_vreg.gather [hbm4b:s1+s3], $0x80, v4, vm0, $0xb8;
	[tilespmem:$0x10100] =	vst v63  }
0x195: {  	s23 =	simm.s32 $0xA900  }
0x196: {  	[tilespmem:s23], [sflag:$0x2] =	stream.indirect_vreg.gather [hbm4b:s4+s3], $0x80, v4, vm0, $0xb8;
	[tilespmem:$0x10100] =	vst v63  }
0x197: {  	s26 =	simm.s32 $0xB100  }
0x198: {  	[tilespmem:s26], [sflag:$0x2] =	stream.indirect_vreg.gather [hbm4b:s1+s3], $0x80, v3, vm0, $0xb8;
	[tilespmem:$0x10100] =	vst v63  }
0x199: {  	s26 =	simm.s32 $0xB900  }
0x19a: {  	[tilespmem:s26], [sflag:$0x2] =	stream.indirect_vreg.gather [hbm4b:s4+s3], $0x80, v3, vm0, $0xb8;
	[tilespmem:$0x10100] =	vst v63  }
0x19b: {  	v3 =	vld [tilespmem:$0xA0];
	_ =	sdelay $0x4  }
0x19c: {  	v54 =	vshll.u32 v3, $0x2  }
0x19d: {  	v3 =	vand.u32 $0x7, v3;
	v4 =	vand.u32 $0xFFFFFFE0, v54  }
0x19e: {  	v3 =	vor.u32 v3, v4  }
0x19f: {  	v4 =	vperm.xlane v3, v0;
	_ =	sdelay $0x1  }
0x1a0: {  	v4 =	vadd.s32 v1, v4;
	_ =	sdelay $0x1  }
0x1a1: {  	v3 =	vperm.xlane v3, v2;
	_ =	sdelay $0x1  }
0x1a2: {  	s25 =	simm.s32 $0xC100;
	v3 =	vadd.s32 v1, v3  }
0x1a3: {  	[tilespmem:s25], [sflag:$0x2] =	stream.indirect_vreg.gather [hbm4b:s1+s3], $0x80, v4, vm0, $0xb8;
	[tilespmem:$0x10100] =	vst v63  }
0x1a4: {  	s28 =	simm.s32 $0xC900  }
0x1a5: {  	[tilespmem:s28], [sflag:$0x2] =	stream.indirect_vreg.gather [hbm4b:s4+s3], $0x80, v4, vm0, $0xb8;
	[tilespmem:$0x10100] =	vst v63  }
0x1a6: {  	s29 =	simm.s32 $0xD100  }
0x1a7: {  	[tilespmem:s29], [sflag:$0x2] =	stream.indirect_vreg.gather [hbm4b:s1+s3], $0x80, v3, vm0, $0xb8;
	[tilespmem:$0x10100] =	vst v63  }
0x1a8: {  	s29 =	simm.s32 $0xD900  }
0x1a9: {  	[tilespmem:s29], [sflag:$0x2] =	stream.indirect_vreg.gather [hbm4b:s4+s3], $0x80, v3, vm0, $0xb8;
	[tilespmem:$0x10100] =	vst v63  }
0x1aa: {  	v3 =	vld [tilespmem:$0xB0];
	_ =	sdelay $0x4  }
0x1ab: {  	v55 =	vshll.u32 v3, $0x2  }
0x1ac: {  	v3 =	vand.u32 $0x7, v3;
	v4 =	vand.u32 $0xFFFFFFE0, v55  }
0x1ad: {  	v3 =	vor.u32 v3, v4  }
0x1ae: {  	v4 =	vperm.xlane v3, v0;
	_ =	sdelay $0x1  }
0x1af: {  	v4 =	vadd.s32 v1, v4;
	_ =	sdelay $0x1  }
0x1b0: {  	v3 =	vperm.xlane v3, v2;
	_ =	sdelay $0x1  }
0x1b1: {  	s30 =	simm.s32 $0xE100;
	v3 =	vadd.s32 v1, v3  }
0x1b2: {  	[tilespmem:s30], [sflag:$0x2] =	stream.indirect_vreg.gather [hbm4b:s1+s3], $0x80, v4, vm0, $0xb8;
	[tilespmem:$0x10100] =	vst v63  }
0x1b3: {  	s22 =	simm.s32 $0xE900  }
0x1b4: {  	[tilespmem:s22], [sflag:$0x2] =	stream.indirect_vreg.gather [hbm4b:s4+s3], $0x80, v4, vm0, $0xb8;
	[tilespmem:$0x10100] =	vst v63  }
0x1b5: {  	s22 =	simm.s32 $0xF100  }
0x1b6: {  	[tilespmem:s22], [sflag:$0x2] =	stream.indirect_vreg.gather [hbm4b:s1+s3], $0x80, v3, vm0, $0xb8;
	[tilespmem:$0x10100] =	vst v63  }
0x1b7: {  	s17 =	simm.s32 $0xF900  }
0x1b8: {  	[tilespmem:s17], [sflag:$0x2] =	stream.indirect_vreg.gather [hbm4b:s4+s3], $0x80, v3, vm0, $0xb8;
	[tilespmem:$0x10100] =	vst v63  }
0x1b9: {  	_ =	swait.ge [sflag:s15], $0x8000  }
0x1ba: {  	[sflag:s15] =	ssyncset.done $0x0  }
0x1bb: {  	s17 =	rddreg [dreg:$0xe];
	[sflag:s15] =	ssyncadd.s32 $0xFFFF8000  }
0x1bc: {  	[hbm4b:s17+s3] =	stream.linear.scatter [tilespmem:s31], [sflag:$0x3], $0x8000, $0x38;
	[tilespmem:$0x10100] =	vst v63  }
0x1bd: {  	_ =	swait.ge [sflag:s6], $0x8000  }
0x1be: {  	[sflag:s6] =	ssyncset.done $0x0  }
0x1bf: {  	s17 =	rddreg [dreg:$0xf];
	[sflag:s6] =	ssyncadd.s32 $0xFFFF8000  }
0x1c0: {  	[tilespmem:s3], [sflag:$0x3] =	stream.linear.gather [hbm4b:s17+s3], $0x40, $0x38;
	[tilespmem:$0x10100] =	vst v63  }
0x1c1: {  	_ =	swait.ge [sflag:s6], $0x40  }
0x1c2: {  	[sflag:s6] =	ssyncset.done $0x0  }
0x1c3: {  	[sflag:s6] =	ssyncadd.s32 $0xFFFFFFC0  }
0x1c4: {  	v3 =	vld [tilespmem:$0x0];
	_ =	sdelay $0x4  }
0x1c5: {  	v56 =	vshll.u32 v3, $0x2  }
0x1c6: {  	v3 =	vand.u32 $0x7, v3;
	v4 =	vand.u32 $0xFFFFFFE0, v56  }
0x1c7: {  	v3 =	vor.u32 v3, v4  }
0x1c8: {  	v4 =	vperm.xlane v3, v0;
	_ =	sdelay $0x1  }
0x1c9: {  	v4 =	vadd.s32 v1, v4;
	_ =	sdelay $0x1  }
0x1ca: {  	v3 =	vperm.xlane v3, v2;
	_ =	sdelay $0x1  }
0x1cb: {  	v3 =	vadd.s32 v1, v3  }
0x1cc: {  	[tilespmem:s31], [sflag:$0x1] =	stream.indirect_vreg.gather [hbm4b:s1+s3], $0x80, v4, vm0, $0xb8;
	[tilespmem:$0x10100] =	vst v63  }
0x1cd: {  	s8 =	simm.s32 $0x900  }
0x1ce: {  	[tilespmem:s8], [sflag:$0x1] =	stream.indirect_vreg.gather [hbm4b:s4+s3], $0x80, v4, vm0, $0xb8;
	[tilespmem:$0x10100] =	vst v63  }
0x1cf: {  	s9 =	simm.s32 $0x1100  }
0x1d0: {  	[tilespmem:s9], [sflag:$0x1] =	stream.indirect_vreg.gather [hbm4b:s1+s3], $0x80, v3, vm0, $0xb8;
	[tilespmem:$0x10100] =	vst v63  }
0x1d1: {  	s9 =	simm.s32 $0x1900  }
0x1d2: {  	[tilespmem:s9], [sflag:$0x1] =	stream.indirect_vreg.gather [hbm4b:s4+s3], $0x80, v3, vm0, $0xb8;
	[tilespmem:$0x10100] =	vst v63  }
0x1d3: {  	v3 =	vld [tilespmem:$0x10];
	_ =	sdelay $0x4  }
0x1d4: {  	v57 =	vshll.u32 v3, $0x2  }
0x1d5: {  	v3 =	vand.u32 $0x7, v3;
	v4 =	vand.u32 $0xFFFFFFE0, v57  }
0x1d6: {  	v3 =	vor.u32 v3, v4  }
0x1d7: {  	v4 =	vperm.xlane v3, v0;
	_ =	sdelay $0x1  }
0x1d8: {  	v4 =	vadd.s32 v1, v4;
	_ =	sdelay $0x1  }
0x1d9: {  	v3 =	vperm.xlane v3, v2;
	_ =	sdelay $0x1  }
0x1da: {  	s10 =	simm.s32 $0x2100;
	v3 =	vadd.s32 v1, v3  }
0x1db: {  	[tilespmem:s10], [sflag:$0x1] =	stream.indirect_vreg.gather [hbm4b:s1+s3], $0x80, v4, vm0, $0xb8;
	[tilespmem:$0x10100] =	vst v63  }
0x1dc: {  	s11 =	simm.s32 $0x2900  }
0x1dd: {  	[tilespmem:s11], [sflag:$0x1] =	stream.indirect_vreg.gather [hbm4b:s4+s3], $0x80, v4, vm0, $0xb8;
	[tilespmem:$0x10100] =	vst v63  }
0x1de: {  	s12 =	simm.s32 $0x3100  }
0x1df: {  	[tilespmem:s12], [sflag:$0x1] =	stream.indirect_vreg.gather [hbm4b:s1+s3], $0x80, v3, vm0, $0xb8;
	[tilespmem:$0x10100] =	vst v63  }
0x1e0: {  	s10 =	simm.s32 $0x3900  }
0x1e1: {  	[tilespmem:s10], [sflag:$0x1] =	stream.indirect_vreg.gather [hbm4b:s4+s3], $0x80, v3, vm0, $0xb8;
	[tilespmem:$0x10100] =	vst v63  }
0x1e2: {  	v3 =	vld [tilespmem:$0x20];
	_ =	sdelay $0x4  }
0x1e3: {  	v58 =	vshll.u32 v3, $0x2  }
0x1e4: {  	v3 =	vand.u32 $0x7, v3;
	v4 =	vand.u32 $0xFFFFFFE0, v58  }
0x1e5: {  	v3 =	vor.u32 v3, v4  }
0x1e6: {  	v4 =	vperm.xlane v3, v0;
	_ =	sdelay $0x1  }
0x1e7: {  	v4 =	vadd.s32 v1, v4;
	_ =	sdelay $0x1  }
0x1e8: {  	v3 =	vperm.xlane v3, v2;
	_ =	sdelay $0x1  }
0x1e9: {  	s11 =	simm.s32 $0x4100;
	v3 =	vadd.s32 v1, v3  }
0x1ea: {  	[tilespmem:s11], [sflag:$0x1] =	stream.indirect_vreg.gather [hbm4b:s1+s3], $0x80, v4, vm0, $0xb8;
	[tilespmem:$0x10100] =	vst v63  }
0x1eb: {  	s19 =	simm.s32 $0x4900  }
0x1ec: {  	[tilespmem:s19], [sflag:$0x1] =	stream.indirect_vreg.gather [hbm4b:s4+s3], $0x80, v4, vm0, $0xb8;
	[tilespmem:$0x10100] =	vst v63  }
0x1ed: {  	s14 =	simm.s32 $0x5100  }
0x1ee: {  	[tilespmem:s14], [sflag:$0x1] =	stream.indirect_vreg.gather [hbm4b:s1+s3], $0x80, v3, vm0, $0xb8;
	[tilespmem:$0x10100] =	vst v63  }
0x1ef: {  	s12 =	simm.s32 $0x5900  }
0x1f0: {  	[tilespmem:s12], [sflag:$0x1] =	stream.indirect_vreg.gather [hbm4b:s4+s3], $0x80, v3, vm0, $0xb8;
	[tilespmem:$0x10100] =	vst v63  }
0x1f1: {  	v3 =	vld [tilespmem:$0x30];
	_ =	sdelay $0x4  }
0x1f2: {  	v59 =	vshll.u32 v3, $0x2  }
0x1f3: {  	v3 =	vand.u32 $0x7, v3;
	v4 =	vand.u32 $0xFFFFFFE0, v59  }
0x1f4: {  	v3 =	vor.u32 v3, v4  }
0x1f5: {  	v4 =	vperm.xlane v3, v0;
	_ =	sdelay $0x1  }
0x1f6: {  	v4 =	vadd.s32 v1, v4;
	_ =	sdelay $0x1  }
0x1f7: {  	v3 =	vperm.xlane v3, v2;
	_ =	sdelay $0x1  }
0x1f8: {  	s18 =	simm.s32 $0x6100;
	v3 =	vadd.s32 v1, v3  }
0x1f9: {  	[tilespmem:s18], [sflag:$0x1] =	stream.indirect_vreg.gather [hbm4b:s1+s3], $0x80, v4, vm0, $0xb8;
	[tilespmem:$0x10100] =	vst v63  }
0x1fa: {  	s13 =	simm.s32 $0x6900  }
0x1fb: {  	[tilespmem:s13], [sflag:$0x1] =	stream.indirect_vreg.gather [hbm4b:s4+s3], $0x80, v4, vm0, $0xb8;
	[tilespmem:$0x10100] =	vst v63  }
0x1fc: {  	s20 =	simm.s32 $0x7100  }
0x1fd: {  	[tilespmem:s20], [sflag:$0x1] =	stream.indirect_vreg.gather [hbm4b:s1+s3], $0x80, v3, vm0, $0xb8;
	[tilespmem:$0x10100] =	vst v63  }
0x1fe: {  	s21 =	simm.s32 $0x7900  }
0x1ff: {  	[tilespmem:s21], [sflag:$0x1] =	stream.indirect_vreg.gather [hbm4b:s4+s3], $0x80, v3, vm0, $0xb8;
	[tilespmem:$0x10100] =	vst v63  }
0x200: {  	_ =	swait.ge [sflag:s16], $0x8000  }
0x201: {  	[sflag:s16] =	ssyncset.done $0x0  }
0x202: {  	s14 =	rddreg [dreg:$0x10];
	[sflag:s16] =	ssyncadd.s32 $0xFFFF8000  }
0x203: {  	[hbm4b:s14+s3] =	stream.linear.scatter [tilespmem:s24], [sflag:$0x3], $0x8000, $0x38;
	[tilespmem:$0x10100] =	vst v63  }
0x204: {  	_ =	swait.ge [sflag:s6], $0x8000  }
0x205: {  	[sflag:s6] =	ssyncset.done $0x0  }
0x206: {  	s19 =	simm.s32 $0x80;
	s18 =	rddreg [dreg:$0x11];
	[sflag:s6] =	ssyncadd.s32 $0xFFFF8000  }
0x207: {  	[tilespmem:s19], [sflag:$0x3] =	stream.linear.gather [hbm4b:s18+s3], $0x40, $0x38;
	[tilespmem:$0x10100] =	vst v63  }
0x208: {  	_ =	swait.ge [sflag:s6], $0x40  }
0x209: {  	[sflag:s6] =	ssyncset.done $0x0  }
0x20a: {  	[sflag:s6] =	ssyncadd.s32 $0xFFFFFFC0  }
0x20b: {  	v3 =	vld [tilespmem:$0x80];
	_ =	sdelay $0x4  }
0x20c: {  	v60 =	vshll.u32 v3, $0x2  }
0x20d: {  	v3 =	vand.u32 $0x7, v3;
	v4 =	vand.u32 $0xFFFFFFE0, v60  }
0x20e: {  	v3 =	vor.u32 v3, v4  }
0x20f: {  	v4 =	vperm.xlane v3, v0;
	_ =	sdelay $0x1  }
0x210: {  	v4 =	vadd.s32 v1, v4;
	_ =	sdelay $0x1  }
0x211: {  	v3 =	vperm.xlane v3, v2;
	_ =	sdelay $0x1  }
0x212: {  	v3 =	vadd.s32 v1, v3  }
0x213: {  	[tilespmem:s24], [sflag:$0x2] =	stream.indirect_vreg.gather [hbm4b:s1+s3], $0x80, v4, vm0, $0xb8;
	[tilespmem:$0x10100] =	vst v63  }
0x214: {  	s0 =	simm.s32 $0x8900  }
0x215: {  	[tilespmem:s0], [sflag:$0x2] =	stream.indirect_vreg.gather [hbm4b:s4+s3], $0x80, v4, vm0, $0xb8;
	[tilespmem:$0x10100] =	vst v63  }
0x216: {  	s2 =	simm.s32 $0x9100  }
0x217: {  	[tilespmem:s2], [sflag:$0x2] =	stream.indirect_vreg.gather [hbm4b:s1+s3], $0x80, v3, vm0, $0xb8;
	[tilespmem:$0x10100] =	vst v63  }
0x218: {  	s20 =	simm.s32 $0x9900  }
0x219: {  	[tilespmem:s20], [sflag:$0x2] =	stream.indirect_vreg.gather [hbm4b:s4+s3], $0x80, v3, vm0, $0xb8;
	[tilespmem:$0x10100] =	vst v63  }
0x21a: {  	v3 =	vld [tilespmem:$0x90];
	_ =	sdelay $0x4  }
0x21b: {  	v61 =	vshll.u32 v3, $0x2  }
0x21c: {  	v3 =	vand.u32 $0x7, v3;
	v4 =	vand.u32 $0xFFFFFFE0, v61  }
0x21d: {  	v3 =	vor.u32 v3, v4  }
0x21e: {  	v4 =	vperm.xlane v3, v0;
	_ =	sdelay $0x1  }
0x21f: {  	v4 =	vadd.s32 v1, v4;
	_ =	sdelay $0x1  }
0x220: {  	v3 =	vperm.xlane v3, v2;
	_ =	sdelay $0x1  }
0x221: {  	s7 =	simm.s32 $0xA100;
	v3 =	vadd.s32 v1, v3  }
0x222: {  	[tilespmem:s7], [sflag:$0x2] =	stream.indirect_vreg.gather [hbm4b:s1+s3], $0x80, v4, vm0, $0xb8;
	[tilespmem:$0x10100] =	vst v63  }
0x223: {  	s21 =	simm.s32 $0xA900  }
0x224: {  	[tilespmem:s21], [sflag:$0x2] =	stream.indirect_vreg.gather [hbm4b:s4+s3], $0x80, v4, vm0, $0xb8;
	[tilespmem:$0x10100] =	vst v63  }
0x225: {  	s23 =	simm.s32 $0xB100  }
0x226: {  	[tilespmem:s23], [sflag:$0x2] =	stream.indirect_vreg.gather [hbm4b:s1+s3], $0x80, v3, vm0, $0xb8;
	[tilespmem:$0x10100] =	vst v63  }
0x227: {  	s23 =	simm.s32 $0xB900  }
0x228: {  	[tilespmem:s23], [sflag:$0x2] =	stream.indirect_vreg.gather [hbm4b:s4+s3], $0x80, v3, vm0, $0xb8;
	[tilespmem:$0x10100] =	vst v63  }
0x229: {  	v3 =	vld [tilespmem:$0xA0];
	_ =	sdelay $0x4  }
0x22a: {  	v62 =	vshll.u32 v3, $0x2  }
0x22b: {  	v3 =	vand.u32 $0x7, v3;
	v4 =	vand.u32 $0xFFFFFFE0, v62  }
0x22c: {  	v3 =	vor.u32 v3, v4  }
0x22d: {  	v4 =	vperm.xlane v3, v0;
	_ =	sdelay $0x1  }
0x22e: {  	v4 =	vadd.s32 v1, v4;
	_ =	sdelay $0x1  }
0x22f: {  	v3 =	vperm.xlane v3, v2;
	_ =	sdelay $0x1  }
0x230: {  	s26 =	simm.s32 $0xC100;
	v3 =	vadd.s32 v1, v3  }
0x231: {  	[tilespmem:s26], [sflag:$0x2] =	stream.indirect_vreg.gather [hbm4b:s1+s3], $0x80, v4, vm0, $0xb8;
	[tilespmem:$0x10100] =	vst v63  }
0x232: {  	s25 =	simm.s32 $0xC900  }
0x233: {  	[tilespmem:s25], [sflag:$0x2] =	stream.indirect_vreg.gather [hbm4b:s4+s3], $0x80, v4, vm0, $0xb8;
	[tilespmem:$0x10100] =	vst v63  }
0x234: {  	s28 =	simm.s32 $0xD100  }
0x235: {  	[tilespmem:s28], [sflag:$0x2] =	stream.indirect_vreg.gather [hbm4b:s1+s3], $0x80, v3, vm0, $0xb8;
	[tilespmem:$0x10100] =	vst v63  }
0x236: {  	s26 =	simm.s32 $0xD900  }
0x237: {  	[tilespmem:s26], [sflag:$0x2] =	stream.indirect_vreg.gather [hbm4b:s4+s3], $0x80, v3, vm0, $0xb8;
	[tilespmem:$0x10100] =	vst v63  }
0x238: {  	v3 =	vld [tilespmem:$0xB0];
	_ =	sdelay $0x4  }
0x239: {  	v63 =	vshll.u32 v3, $0x2  }
0x23a: {  	v3 =	vand.u32 $0x7, v3;
	v4 =	vand.u32 $0xFFFFFFE0, v63  }
0x23b: {  	v3 =	vor.u32 v3, v4  }
0x23c: {  	v4 =	vperm.xlane v3, v0;
	_ =	sdelay $0x1  }
0x23d: {  	v4 =	vadd.s32 v1, v4;
	_ =	sdelay $0x1  }
0x23e: {  	v3 =	vperm.xlane v3, v2;
	_ =	sdelay $0x1  }
0x23f: {  	s30 =	simm.s32 $0xE100;
	v3 =	vadd.s32 v1, v3  }
0x240: {  	[tilespmem:s30], [sflag:$0x2] =	stream.indirect_vreg.gather [hbm4b:s1+s3], $0x80, v4, vm0, $0xb8;
	[tilespmem:$0x10100] =	vst v63  }
0x241: {  	s29 =	simm.s32 $0xE900  }
0x242: {  	[tilespmem:s29], [sflag:$0x2] =	stream.indirect_vreg.gather [hbm4b:s4+s3], $0x80, v4, vm0, $0xb8;
	[tilespmem:$0x10100] =	vst v63  }
0x243: {  	s22 =	simm.s32 $0xF100  }
0x244: {  	[tilespmem:s22], [sflag:$0x2] =	stream.indirect_vreg.gather [hbm4b:s1+s3], $0x80, v3, vm0, $0xb8;
	[tilespmem:$0x10100] =	vst v63  }
0x245: {  	s28 =	simm.s32 $0xF900  }
0x246: {  	[tilespmem:s28], [sflag:$0x2] =	stream.indirect_vreg.gather [hbm4b:s4+s3], $0x80, v3, vm0, $0xb8;
	[tilespmem:$0x10100] =	vst v63  }
0x247: {  	_ =	swait.ge [sflag:s15], $0x8000  }
0x248: {  	[sflag:s15] =	ssyncset.done $0x0  }
0x249: {  	s29 =	rddreg [dreg:$0x12];
	[sflag:s15] =	ssyncadd.s32 $0xFFFF8000  }
0x24a: {  	[hbm4b:s29+s3] =	stream.linear.scatter [tilespmem:s31], [sflag:$0x3], $0x8000, $0x38;
	[tilespmem:$0x10100] =	vst v63  }
0x24b: {  	_ =	swait.ge [sflag:s6], $0x8000  }
0x24c: {  	[sflag:s6] =	ssyncset.done $0x0  }
0x24d: {  	[sflag:s6] =	ssyncadd.s32 $0xFFFF8000  }
0x24e: {  	_ =	swait.ge [sflag:s16], $0x8000  }
0x24f: {  	p0 =	sne.s32 s5, $0x1;
	[sflag:s16] =	ssyncset.done $0x0  }
.Ltmp0:
0x250: {  	s30 =	rddreg [dreg:$0x13];
	[sflag:s16] =	ssyncadd.s32 $0xFFFF8000;
	(pc) =	sbr.rel @p0 .LBB2_1-.Ltmp0, $4  }
0x251: {  	[hbm4b:s30+s3] =	stream.linear.scatter [tilespmem:s24], [sflag:$0x3], $0x8000, $0x38;
	[tilespmem:$0x10100] =	vst v63  }
0x252: {  	_ =	swait.ge [sflag:s6], $0x8000  }
0x253: {  	[sflag:s6] =	ssyncset.done $0x0  }
0x254: {  	s5 =	sadd.s32 $0xFFFFFFFF, s5;
	[sflag:s6] =	ssyncadd.s32 $0xFFFF8000  }
0x255: {  	_ =	sfence.sel $0x180000  }
0x256: {  	[bflag:$0x0] =	sbarrier.arrive $0xFFFF  }
0x257: {  	_ =	strace $0x90000047  }
0x258: {  	s0 =	stileid.u32;
	[bflag:$0x2] =	sbarrier.arrive $0xFFFF  }
0x259: {  	p0 =	sne.s32 s0, $0x0;
	s0 =	rddreg [dreg:$0x3]  }
0x25a: {  	s0 =	sadd.s32 @!p0 $0x100000, s0  }
0x25b: {  	[sflag:s0] =	ssyncadd.tile.s32 @!p0 $0x1;
	_ =	shalt  }
.Lfunc_end2:
_tile_overlayer_lowered:
.L_overlay_start_2:
0x25c: {  	(tag) =	ssettag $0x2  }
0x25d: {  	s0 =	rddreg [dreg:$0x0];
	s2 =	stileid.u32  }
0x25e: {  	s1 =	rddreg [dreg:$0x1];
	p0 =	sne.s32 s2, $0x0  }
0x25f: {  	s3 =	rddreg [dreg:$0x2];
	[bflag:$0x3] =	sbarrier.arrive $0xFFFF;
	s2 =	simm.s32 @!p0 $0x1C03  }
0x260: {  	[timem:s3], [sflag:s2] =	dma.local @!p0 [hbm:s0], s1  }
0x261: {  	s0 =	simm.s32 @!p0 $0x3  }
0x262: {  	_ =	swait.ge @!p0 [sflag:s0], s1  }
0x263: {  	s1 =	ssub.s32 @!p0 $0x0, s1;
	[sflag:s0] =	ssyncset.done @!p0 $0x0  }
0x264: {  	[sflag:s0] =	ssyncadd.s32 @!p0 s1  }
0x265: {  	[bflag:$0x3] =	sbarrier.arrive $0xFFFF  }
0x266: {  	_ =	shalt  }

// kernel: kernel.8.cloned.1.call-start
scs
__scs_entry_jumppad:
0x0: {  	(pc) =	sbr.rel $0x88, $3  }
0x1: {  	(tag) =	ssettag $0x0;
	lr =	simm.s32 $0x1  }
0x2: {  	[smem:$0x3F9B] =	sst lr;
	_ =	strace $0xD0000000  }
0x3: {  	_ = 	snop  }
0x4: {  	_ = 	snop  }
0x5: {  	_ = 	snop  }
0x6: {  	_ = 	snop  }
0x7: {  	_ = 	snop  }
__scs_overlays_trampoline_lowered:
0x8: {  	[smem:$0x3FAA] =	sst s0  }
0x9: {  	[smem:$0x3FAB] =	sst s1  }
0xa: {  	[smem:$0x3FAC] =	sst s2  }
0xb: {  	[smem:$0x3FAD] =	sst s3  }
0xc: {  	[smem:$0x3FAE] =	sst s4  }
0xd: {  	[smem:$0x3FAF] =	sst s5  }
0xe: {  	[smem:$0x3FB0] =	sst s6  }
0xf: {  	[smem:$0x3FB1] =	sst s7  }
0x10: {  	[smem:$0x3FB2] =	sst s8  }
0x11: {  	[smem:$0x3FB3] =	sst s9;
	s0 =	simm.s32 @!p0 $0x0  }
0x12: {  	s1 =	sld [smem:$0x3F99];
	s0 =	simm.s32 @p0 $0x1  }
0x13: {  	[smem:$0x3FB4] =	sst s0;
	s0 =	simm.s32 @!p1 $0x0  }
0x14: {  	s2 =	sld [smem:$0x3F98];
	s0 =	simm.s32 @p1 $0x1  }
0x15: {  	[smem:$0x3FB5] =	sst s0;
	s0 =	simm.s32 @!p2 $0x0  }
0x16: {  	s3 =	sld [smem:$0x3FDB];
	s0 =	simm.s32 @p2 $0x1  }
0x17: {  	s4 =	simm.s32 $0x1BF5;
	[smem:$0x3FB7] =	sst s0  }
0x18: {  	s0 =	sld [smem:$0x3F9A];
	_ =	swait.ge [sflag:s4], $0x0  }
0x19: {  	s7 =	sld [smem:$0x3F9B]  }
0x1a: {  	s8 =	sadd.s32 $0xFFFFE003, lr  }
0x1b: {  	s9 =	sadd.s32 $0xFFFFFEF7, lr;
	s5 =	simm.s32 $0xFFFFFFFF;
	p2 =	slt.u32 s8, $0xFFFFF086  }
0x1c: {  	p1 =	slt.u32 s9, $0xF7A;
	s5 =	simm.s32 @!p2 $0x0  }
0x1d: {  	s5 =	simm.s32 @p1 $0x1;
	p0 =	seq.s32 s7, s2  }
0x1e: {  	s7 =	smul.u32 @!p0 $0xF7A, s2;
	p2 =	seq.s32 @!p0 s5, $0x0  }
0x1f: {  	s9 =	smul.u32 $0xF7A, s1;
	s8 =	simm.s32 @!p0 $0x1BF5;
	p2 =	por !p2, p0  }
0x20: {  	[sflag:s8] =	ssyncset.s32 @!p0 $0xFFFFF086;
	s6 =	sadd.s32 @!p0 s3, s7;
	s7 =	simm.s32 @!p0 $0x108  }
0x21: {  	s3 =	sadd.s32 s3, s9;
	s6 =	sadd.s32 @!p0 $0x88, s6;
	s7 =	simm.s32 @p2 $0x1082  }
0x22: {  	[simem:s7], [sflag:s8] =	dma.local @!p0 [hbm:s6], $0xF7A  }
0x23: {  	s9 =	sor.u32 $0xD0000000, s2;
	s6 =	simm.s32 $0x108;
	_ =	swait.ge @!p0 [sflag:s8], $0x0  }
0x24: {  	s3 =	sadd.s32 $0x88, s3;
	s6 =	simm.s32 @!p1 $0x1082;
	[sflag:s4] =	ssyncset.s32 $0xFFFFF086  }
0x25: {  	[simem:s6], [sflag:s4] =	dma.local [hbm:s3], $0xF7A  }
0x26: {  	[smem:$0x3F9B] =	sst s1;
	(tag) =	ssettag s2;
	_ =	strace s9  }
0x27: {  	s1 =	sld [smem:$0x3FAB]  }
0x28: {  	s2 =	sld [smem:$0x3FAC]  }
0x29: {  	s4 =	sld [smem:$0x3FAE]  }
0x2a: {  	p0 =	seq.s32 s5, $0x0;
	s5 =	sld [smem:$0x3FAF]  }
0x2b: {  	s6 =	sld [smem:$0x3FB0]  }
0x2c: {  	s7 =	sld [smem:$0x3FB1]  }
0x2d: {  	s3 =	simm.s32 $0x108;
	s8 =	sld [smem:$0x3FB2]  }
0x2e: {  	s3 =	simm.s32 @!p0 $0x1082;
	s9 =	sld [smem:$0x3FB3]  }
0x2f: {  	lr =	sadd.s32 s0, s3;
	s0 =	sld [smem:$0x3FAA]  }
0x30: {  	s3 =	sld [smem:$0x3FAD]  }
0x31: {  	[smem:$0x3FB6] =	sst s10  }
0x32: {  	s10 =	sld [smem:$0x3FB4];
	_ =	sdelay $0x3  }
0x33: {  	p0 =	seq.s32 s10, $0x1;
	s10 =	sld [smem:$0x3FB6];
	_ =	sdelay $0x3  }
0x34: {  	[smem:$0x3FB6] =	sst s10  }
0x35: {  	s10 =	sld [smem:$0x3FB5];
	_ =	sdelay $0x3  }
0x36: {  	p1 =	seq.s32 s10, $0x1;
	s10 =	sld [smem:$0x3FB6];
	_ =	sdelay $0x3  }
0x37: {  	[smem:$0x3FB6] =	sst s10  }
0x38: {  	s10 =	sld [smem:$0x3FB7]  }
0x39: {  	_ = 	snop;
	(pc) =	sbr.ind lr, $3  }
0x3a: {  	_ = 	snop  }
0x3b: {  	_ = 	snop  }
0x3c: {  	p2 =	seq.s32 s10, $0x1;
	s10 =	sld [smem:$0x3FB6]  }
0x3d: {  	_ =	shalt  }
0x3e: {  	_ =	shalt  }
0x3f: {  	_ =	shalt  }
0x40: {  	_ =	shalt  }
0x41: {  	_ =	shalt  }
0x42: {  	_ =	shalt  }
0x43: {  	_ =	shalt  }
0x44: {  	_ =	shalt  }
0x45: {  	_ =	shalt  }
0x46: {  	_ =	shalt  }
0x47: {  	_ =	shalt  }
0x48: {  	_ =	shalt  }
0x49: {  	_ =	shalt  }
0x4a: {  	_ =	shalt  }
0x4b: {  	_ =	shalt  }
0x4c: {  	_ =	shalt  }
0x4d: {  	_ =	shalt  }
0x4e: {  	_ =	shalt  }
0x4f: {  	_ =	shalt  }
0x50: {  	_ =	shalt  }
0x51: {  	_ =	shalt  }
0x52: {  	_ =	shalt  }
0x53: {  	_ =	shalt  }
0x54: {  	_ =	shalt  }
0x55: {  	_ =	shalt  }
0x56: {  	_ =	shalt  }
0x57: {  	_ =	shalt  }
0x58: {  	_ =	shalt  }
0x59: {  	_ =	shalt  }
0x5a: {  	_ =	shalt  }
0x5b: {  	_ =	shalt  }
0x5c: {  	_ =	shalt  }
0x5d: {  	_ =	shalt  }
0x5e: {  	_ =	shalt  }
0x5f: {  	_ =	shalt  }
0x60: {  	_ =	shalt  }
0x61: {  	_ =	shalt  }
0x62: {  	_ =	shalt  }
0x63: {  	_ =	shalt  }
0x64: {  	_ =	shalt  }
0x65: {  	_ =	shalt  }
0x66: {  	_ =	shalt  }
0x67: {  	_ =	shalt  }
0x68: {  	_ =	shalt  }
0x69: {  	_ =	shalt  }
0x6a: {  	_ =	shalt  }
0x6b: {  	_ =	shalt  }
0x6c: {  	_ =	shalt  }
0x6d: {  	_ =	shalt  }
0x6e: {  	_ =	shalt  }
0x6f: {  	_ =	shalt  }
0x70: {  	_ =	shalt  }
0x71: {  	_ =	shalt  }
0x72: {  	_ =	shalt  }
0x73: {  	_ =	shalt  }
0x74: {  	_ =	shalt  }
0x75: {  	_ =	shalt  }
0x76: {  	_ =	shalt  }
0x77: {  	_ =	shalt  }
0x78: {  	_ =	shalt  }
0x79: {  	_ =	shalt  }
0x7a: {  	_ =	shalt  }
0x7b: {  	_ =	shalt  }
0x7c: {  	_ =	shalt  }
0x7d: {  	_ =	shalt  }
0x7e: {  	_ =	shalt  }
0x7f: {  	_ =	shalt  }
0x80: {  	_ =	shalt  }
0x81: {  	_ =	shalt  }
0x82: {  	_ =	shalt  }
0x83: {  	_ =	shalt  }
0x84: {  	_ =	shalt  }
0x85: {  	_ =	shalt  }
0x86: {  	_ =	shalt  }
0x87: {  	_ =	shalt  }
.Lfunc_end0:
.L_simem_size_0:
called_computation.1_lowered:
.L_overlay_start_0:
0x88: {  	s2 =	sld [smem:$0x3FD9]  }
0x89: {  	s3 =	sld [smem:$0x3FFE];
	_ =	sdelay $0x1  }
0x8a: {  	s1 =	srdreg.scid  }
0x8b: {  	s0 =	sand.u32 $0x1, s1  }
0x8c: {  	s15 =	sshll.u32 s0, $0xA;
	s2 =	sadd.s32 s3, s2  }
0x8d: {  	s2 =	sadd.s32 s2, s15  }
0x8e: {  	[smem:$0x3FC2] =	sst s2  }
0x8f: {  	_ = 	snop  }
0x90: {  	s16 =	sld [smem:$0x3FD0];
	_ =	sdelay $0x2  }
0x91: {  	s4 =	simm.s32 $0xB;
	s5 =	simm.s32 $0x10;
	s2 =	sld [smem:$0x3FC7]  }
0x92: {  	[smem:s5], [sflag:s4] =	dma.local [hbm:s16], $0x1  }
0x93: {  	_ =	swait.eq [sflag:s4], $0x1  }
0x94: {  	[sflag:s4] =	ssyncset.done $0x0  }
0x95: {  	[sflag:s4] =	ssyncadd.s32 $0xFFFFFFFF  }
0x96: {  	s17 =	sld [smem:$0x11];
	(tm) =	ssettm $0x1  }
0x97: {  	s18 =	sld [smem:$0x3FFB];
	_ =	sdelay $0x3  }
0x98: {  	_ =	strace s18  }
0x99: {  	s3 =	sld [smem:$0x3FFC];
	_ =	sdelay $0x3  }
0x9a: {  	_ =	strace s3  }
0x9b: {  	s3 =	sld [smem:$0x3FFD];
	_ =	sdelay $0x3  }
0x9c: {  	_ =	strace s3  }
0x9d: {  	_ =	strace $0x8FFFFFFF  }
0x9e: {  	s19 =	sld [smem:$0x3FDB];
	_ =	sdelay $0x1  }
0x9f: {  	s20 =	simm.s32 $_scs_section_size  }
0xa0: {  	s6 =	simm.s32 $_size__tile_overlayer_lowered;
	s7 =	simm.s32 $_tile_overlayer_lowered  }
0xa1: {  	s8 =	simm.s32 $0x1BFF;
	s21 =	sshll.u32 s7, $0x1;
	s5 =	sadd.s32 s20, s19  }
0xa2: {  	s22 =	simm.s32 $0x0;
	s6 =	sshll.u32 s6, $0x1;
	s7 =	sadd.s32 s21, s5  }
0xa3: {  	[timem:s22], [sflag:s8] =	dma.local [hbm:s7], s6  }
0xa4: {  	_ =	swait.ge [sflag:s8], s6  }
0xa5: {  	s6 =	ssub.s32 $0x0, s6;
	[sflag:s8] =	ssyncset.done $0x0  }
0xa6: {  	[sflag:s8] =	ssyncadd.s32 s6;
	_ =	sdelay $0x1  }
0xa7: {  	s23 =	simm.s32 $0x1B8B  }
0xa8: {  	_ =	swait.ge [sflag:s23], $0x1  }
0xa9: {  	[sflag:s23] =	ssyncset.done $0x0  }
0xaa: {  	[sflag:s23] =	ssyncadd.s32 $0xFFFFFFFF  }
0xab: {  	s6 =	sld [smem:$0x0]  }
0xac: {  	s7 =	sand.u32 $0xFFFFFFFE, s1  }
0xad: {  	p0 =	sne.s32 s1, s7  }
0xae: {  	s7 =	sshll.u32 @p0 s7, $0xE  }
0xaf: {  	s7 =	sadd.s32 @p0 $0x11B8D, s7;
	s8 =	sshll.u32 @p0 s6, $0x11  }
0xb0: {  	s7 =	sor.u32 @p0 s8, s7  }
0xb1: {  	[sflag:s7] =	ssyncadd.remote.s32 @p0 $0x1;
	_ =	sdelay $0x1  }
0xb2: {  	s7 =	simm.s32 @p0 $0x1B8D  }
0xb3: {  	_ =	swait.eq @p0 [sflag:s7], $0x1  }
0xb4: {  	[sflag:s7] =	ssyncadd.s32 @p0 $0xFFFFFFFF  }
0xb5: {  	s8 =	sshll.u32 @!p0 s1, $0xE  }
0xb6: {  	s8 =	sor.u32 @!p0 $0x4000, s8;
	s7 =	simm.s32 @!p0 $0x1B8D  }
0xb7: {  	s6 =	sshll.u32 @!p0 s6, $0x11;
	s8 =	sadd.s32 @!p0 $0x11B8D, s8;
	_ =	swait.eq @!p0 [sflag:s7], $0x1  }
0xb8: {  	s6 =	sor.u32 @!p0 s6, s8;
	[sflag:s7] =	ssyncadd.s32 @!p0 $0xFFFFFFFF  }
0xb9: {  	s25 =	simm.s32 $0x1B8E;
	s24 =	sld [smem:$0x3FFE];
	[sflag:s6] =	ssyncadd.remote.s32 @!p0 $0x1  }
0xba: {  	s26 =	simm.s32 $execute0_lowered;
	[smem:$0x3FD2] =	sst s25  }
0xbb: {  	s7 =	sshll.u32 s26, $0x1;
	_ =	strace $0x80000049;
	[dreg:$0x1] =	wrdreg $0xFFFFFFFF  }
0xbc: {  	s28 =	simm.s32 $_size_execute0_lowered;
	s5 =	sadd.s32 s5, s7;
	[dreg:$0x0] =	wrdreg $0x0  }
0xbd: {  	s7 =	sshll.u32 s28, $0x1;
	[dreg:$0x2] =	wrdreg s5  }
0xbe: {  	[dreg:$0x3] =	wrdreg s7  }
0xbf: {  	[dreg:$0x4] =	wrdreg $0xC0  }
0xc0: {  	_ =	task [dreg:s22], $0x5FFFF  }
0xc1: {  	[dreg:$0x1] =	wrdreg $0xFFFFFFFF  }
0xc2: {  	[dreg:$0x0] =	wrdreg $0x60  }
0xc3: {  	[dreg:$0x2] =	wrdreg s2  }
0xc4: {  	[dreg:$0x3] =	wrdreg s17  }
0xc5: {  	[dreg:$0x4] =	wrdreg s24  }
0xc6: {  	[dreg:$0x5] =	wrdreg $0xA  }
0xc7: {  	_ =	task.clear_ibuf [dreg:s22], $0x6FFFF;
	_ =	strace $0x90000049  }
0xc8: {  	s29 =	simm.s32 $0xA;
	_ =	strace $0x8000004B  }
0xc9: {  	_ =	swait.ge [sflag:s29], $0x1  }
0xca: {  	[sflag:s29] =	ssyncadd.s32 $0xFFFFFFFF  }
0xcb: {  	_ =	strace $0x9000004B  }
0xcc: {  	_ =	sfence  }
0xcd: {  	s30 =	sld [smem:$0x0];
	_ =	sdelay $0x2  }
0xce: {  	s31 =	sshll.u32 s1, $0xD;
	s1 =	sshrl.u32 s1, $0x2  }
0xcf: {  	s4 =	sand.u32 $0x4000, s31;
	s1 =	sadd.s32 s1, s30  }
0xd0: {  	s0 =	sor.u32 s4, s0;
	s1 =	sshll.u32 s1, $0x11  }
0xd1: {  	s0 =	sor.u32 s1, s0  }
0xd2: {  	s0 =	sadd.s32 $0x8F2B, s0  }
0xd3: {  	[sflag:s0] =	ssyncadd.remote.s32 $0x1  }
0xd4: {  	_ =	sfence.sel $0xFFFF  }
0xd5: {  	[dreg:$0x0] =	wrdreg $0xFFFFFFFF;
	(pc) =	sbr.abs _section_cstart, $3  }
0xd6: {  	[dreg:$0x1] =	wrdreg $0xFFFFFFFF  }
0xd7: {  	_ =	task.clear_ibuf [dreg:s22], $0x2FFFF;
	_ =	strace $0x9FFFFFFF  }
0xd8: {  	(tm) =	ssettm $0x7FFFFFFF  }
0xd9: {  	_ =	shalt  }
tec
execute0_lowered:
.L_overlay_start_1:
0x0: {  	(tag) =	ssettag $0x1  }
0x1: {  	s1 =	rddreg [dreg:$0x0]  }
0x2: {  	s0 =	rddreg [dreg:$0x1]  }
0x3: {  	s2 =	rddreg [dreg:$0x2]  }
0x4: {  	s3 =	srdreg.scid;
	s5 =	stileid.u32;
	s31 =	simm.s32 $0x100  }
0x5: {  	s4 =	sand.u32 $0x1, s3;
	s3 =	simm.s32 $0x0;
	s5 =	sshll.u32 s5, $0xA  }
0x6: {  	s2 =	sadd.s32 $0x100000, s2;
	s6 =	sshll.u32 s4, $0x9;
	[smem:$0x7FF] =	sst s3  }
0x7: {  	s4 =	ssub.s32 $0x2, s4;
	s5 =	sor.u32 s6, s5;
	_ =	strace $0x8000004A  }
0x8: {  	s22 =	sshrl.u32 s4, $0x1;
	s6 =	sshrl.u32 s5, $0x3;
	s7 =	sor.u32 $0x40, s5  }
0x9: {  	s24 =	sshll.u32 s5, $0x6;
	s26 =	sor.u32 $0x80, s5;
	s9 =	sor.u32 $0xC0, s5  }
0xa: {  	s13 =	sor.u32 $0x100, s5;
	s16 =	sor.u32 $0x140, s5;
	s21 =	sor.u32 $0x180, s5  }
0xb: {  	s5 =	sor.u32 $0x1C0, s5;
	s6 =	sadd.s32 s0, s6;
	s8 =	sshrl.u32 s7, $0x3  }
0xc: {  	s25 =	sadd.s32 s2, s24;
	s28 =	sshrl.u32 s26, $0x3;
	s7 =	sshll.u32 s7, $0x6  }
0xd: {  	s30 =	sshrl.u32 s9, $0x3;
	s11 =	sshll.u32 s26, $0x6;
	[dreg:$0x4] =	wrdreg s6  }
0xe: {  	s14 =	sshrl.u32 s13, $0x3;
	s23 =	sadd.s32 s0, s8;
	[dreg:$0x6] =	wrdreg s25  }
0xf: {  	s15 =	sshll.u32 s9, $0x6;
	s6 =	sadd.s32 s0, s28;
	[dreg:$0x5] =	wrdreg s23  }
0x10: {  	s18 =	sshrl.u32 s16, $0x3;
	s29 =	sadd.s32 s2, s7;
	[dreg:$0x7] =	wrdreg s6  }
0x11: {  	s9 =	sshll.u32 s16, $0x6;
	s10 =	sadd.s32 s0, s30;
	[dreg:$0x8] =	wrdreg s29  }
0x12: {  	s26 =	sshll.u32 s21, $0x6;
	s12 =	sadd.s32 s2, s11;
	[dreg:$0x9] =	wrdreg s10  }
0x13: {  	s16 =	simm.s32 $0x2;
	s17 =	sadd.s32 s2, s15;
	[dreg:$0xa] =	wrdreg s12  }
0x14: {  	s19 =	sadd.s32 s0, s18;
	s7 =	sshll.u32 s13, $0x6;
	[dreg:$0xc] =	wrdreg s17  }
0x15: {  	s24 =	sadd.s32 s2, s9;
	s25 =	sshrl.u32 s5, $0x3;
	[dreg:$0xd] =	wrdreg s19  }
0x16: {  	s28 =	sadd.s32 s2, s26;
	s5 =	sshll.u32 s5, $0x6;
	[dreg:$0x10] =	wrdreg s24  }
0x17: {  	s15 =	simm.s32 $0x1;
	s6 =	sadd.s32 s0, s14;
	[dreg:$0x12] =	wrdreg s28  }
0x18: {  	s20 =	sadd.s32 s2, s7;
	s23 =	sshrl.u32 s21, $0x3;
	[dreg:$0xb] =	wrdreg s6  }
0x19: {  	s29 =	ssub.s32 s4, s22;
	s30 =	sadd.s32 s2, s5;
	[dreg:$0xe] =	wrdreg s20  }
0x1a: {  	v2 =	vlaneseq.u32;
	s4 =	sadd.s32 $0x100, s1;
	s6 =	sadd.s32 s0, s23;
	[dreg:$0x13] =	wrdreg s30  }
0x1b: {  	vm0 =	vmmov $0xffff;
	v1 =	vshrl.u32 v2, $0x3;
	s24 =	simm.s32 $0x8100;
	s0 =	sadd.s32 s0, s25;
	[dreg:$0xf] =	wrdreg s6  }
0x1c: {  	v0 =	vand.u32 $0x7, v2;
	v2 =	vor.u32 $0x8, v2;
	v1 =	vmul.u32 $0x8, v1;
	s5 =	smax.u32 s29, $0x1;
	[dreg:$0x11] =	wrdreg s0;
	s6 =	simm.s32 $0x3  }
.LBB2_1:
0x1d: {  	s17 =	rddreg [dreg:$0x4]  }
0x1e: {  	[tilespmem:s3], [sflag:$0x3] =	stream.linear.gather [hbm4b:s17+s3], $0x40, $0x38;
	[tilespmem:$0x10100] =	vst v63  }
0x1f: {  	_ =	swait.ge [sflag:s6], $0x40  }
0x20: {  	[sflag:s6] =	ssyncset.done $0x0  }
0x21: {  	[sflag:s6] =	ssyncadd.s32 $0xFFFFFFC0  }
0x22: {  	v3 =	vld [tilespmem:$0x0];
	_ =	sdelay $0x4  }
0x23: {  	v4 =	vshll.u32 v3, $0x2  }
0x24: {  	v3 =	vand.u32 $0x7, v3;
	v4 =	vand.u32 $0xFFFFFFE0, v4  }
0x25: {  	v3 =	vor.u32 v3, v4  }
0x26: {  	v4 =	vperm.xlane v3, v0;
	_ =	sdelay $0x1  }
0x27: {  	v4 =	vadd.s32 v1, v4;
	_ =	sdelay $0x1  }
0x28: {  	v3 =	vperm.xlane v3, v2;
	_ =	sdelay $0x1  }
0x29: {  	v3 =	vadd.s32 v1, v3  }
0x2a: {  	[tilespmem:s31], [sflag:$0x1] =	stream.indirect_vreg.gather [hbm4b:s1+s3], $0x80, v4, vm0, $0xb8;
	[tilespmem:$0x10100] =	vst v63  }
0x2b: {  	s0 =	simm.s32 $0x900  }
0x2c: {  	[tilespmem:s0], [sflag:$0x1] =	stream.indirect_vreg.gather [hbm4b:s4+s3], $0x80, v4, vm0, $0xb8;
	[tilespmem:$0x10100] =	vst v63  }
0x2d: {  	s19 =	simm.s32 $0x1100  }
0x2e: {  	[tilespmem:s19], [sflag:$0x1] =	stream.indirect_vreg.gather [hbm4b:s1+s3], $0x80, v3, vm0, $0xb8;
	[tilespmem:$0x10100] =	vst v63  }
0x2f: {  	s20 =	simm.s32 $0x1900  }
0x30: {  	[tilespmem:s20], [sflag:$0x1] =	stream.indirect_vreg.gather [hbm4b:s4+s3], $0x80, v3, vm0, $0xb8;
	[tilespmem:$0x10100] =	vst v63  }
0x31: {  	v3 =	vld [tilespmem:$0x10];
	_ =	sdelay $0x4  }
0x32: {  	v33 =	vshll.u32 v3, $0x2  }
0x33: {  	v3 =	vand.u32 $0x7, v3;
	v4 =	vand.u32 $0xFFFFFFE0, v33  }
0x34: {  	v3 =	vor.u32 v3, v4  }
0x35: {  	v4 =	vperm.xlane v3, v0;
	_ =	sdelay $0x1  }
0x36: {  	v4 =	vadd.s32 v1, v4;
	_ =	sdelay $0x1  }
0x37: {  	v3 =	vperm.xlane v3, v2;
	_ =	sdelay $0x1  }
0x38: {  	s21 =	simm.s32 $0x2100;
	v3 =	vadd.s32 v1, v3  }
0x39: {  	[tilespmem:s21], [sflag:$0x1] =	stream.indirect_vreg.gather [hbm4b:s1+s3], $0x80, v4, vm0, $0xb8;
	[tilespmem:$0x10100] =	vst v63  }
0x3a: {  	s22 =	simm.s32 $0x2900  }
0x3b: {  	[tilespmem:s22], [sflag:$0x1] =	stream.indirect_vreg.gather [hbm4b:s4+s3], $0x80, v4, vm0, $0xb8;
	[tilespmem:$0x10100] =	vst v63  }
0x3c: {  	s23 =	simm.s32 $0x3100  }
0x3d: {  	[tilespmem:s23], [sflag:$0x1] =	stream.indirect_vreg.gather [hbm4b:s1+s3], $0x80, v3, vm0, $0xb8;
	[tilespmem:$0x10100] =	vst v63  }
0x3e: {  	s25 =	simm.s32 $0x3900  }
0x3f: {  	[tilespmem:s25], [sflag:$0x1] =	stream.indirect_vreg.gather [hbm4b:s4+s3], $0x80, v3, vm0, $0xb8;
	[tilespmem:$0x10100] =	vst v63  }
0x40: {  	v3 =	vld [tilespmem:$0x20];
	_ =	sdelay $0x4  }
0x41: {  	v34 =	vshll.u32 v3, $0x2  }
0x42: {  	v3 =	vand.u32 $0x7, v3;
	v4 =	vand.u32 $0xFFFFFFE0, v34  }
0x43: {  	v3 =	vor.u32 v3, v4  }
0x44: {  	v4 =	vperm.xlane v3, v0;
	_ =	sdelay $0x1  }
0x45: {  	v4 =	vadd.s32 v1, v4;
	_ =	sdelay $0x1  }
0x46: {  	v3 =	vperm.xlane v3, v2;
	_ =	sdelay $0x1  }
0x47: {  	s26 =	simm.s32 $0x4100;
	v3 =	vadd.s32 v1, v3  }
0x48: {  	[tilespmem:s26], [sflag:$0x1] =	stream.indirect_vreg.gather [hbm4b:s1+s3], $0x80, v4, vm0, $0xb8;
	[tilespmem:$0x10100] =	vst v63  }
0x49: {  	s28 =	simm.s32 $0x4900  }
0x4a: {  	[tilespmem:s28], [sflag:$0x1] =	stream.indirect_vreg.gather [hbm4b:s4+s3], $0x80, v4, vm0, $0xb8;
	[tilespmem:$0x10100] =	vst v63  }
0x4b: {  	s29 =	simm.s32 $0x5100  }
0x4c: {  	[tilespmem:s29], [sflag:$0x1] =	stream.indirect_vreg.gather [hbm4b:s1+s3], $0x80, v3, vm0, $0xb8;
	[tilespmem:$0x10100] =	vst v63  }
0x4d: {  	s30 =	simm.s32 $0x5900  }
0x4e: {  	[tilespmem:s30], [sflag:$0x1] =	stream.indirect_vreg.gather [hbm4b:s4+s3], $0x80, v3, vm0, $0xb8;
	[tilespmem:$0x10100] =	vst v63  }
0x4f: {  	v3 =	vld [tilespmem:$0x30];
	_ =	sdelay $0x4  }
0x50: {  	v35 =	vshll.u32 v3, $0x2  }
0x51: {  	v3 =	vand.u32 $0x7, v3;
	v4 =	vand.u32 $0xFFFFFFE0, v35  }
0x52: {  	v3 =	vor.u32 v3, v4  }
0x53: {  	v4 =	vperm.xlane v3, v0;
	_ =	sdelay $0x1  }
0x54: {  	v4 =	vadd.s32 v1, v4;
	_ =	sdelay $0x1  }
0x55: {  	v3 =	vperm.xlane v3, v2;
	_ =	sdelay $0x1  }
0x56: {  	s2 =	simm.s32 $0x6100;
	v3 =	vadd.s32 v1, v3  }
0x57: {  	[tilespmem:s2], [sflag:$0x1] =	stream.indirect_vreg.gather [hbm4b:s1+s3], $0x80, v4, vm0, $0xb8;
	[tilespmem:$0x10100] =	vst v63  }
0x58: {  	s7 =	simm.s32 $0x6900  }
0x59: {  	[tilespmem:s7], [sflag:$0x1] =	stream.indirect_vreg.gather [hbm4b:s4+s3], $0x80, v4, vm0, $0xb8;
	[tilespmem:$0x10100] =	vst v63  }
0x5a: {  	s8 =	simm.s32 $0x7100  }
0x5b: {  	[tilespmem:s8], [sflag:$0x1] =	stream.indirect_vreg.gather [hbm4b:s1+s3], $0x80, v3, vm0, $0xb8;
	[tilespmem:$0x10100] =	vst v63  }
0x5c: {  	s11 =	simm.s32 $0x7900  }
0x5d: {  	[tilespmem:s11], [sflag:$0x1] =	stream.indirect_vreg.gather [hbm4b:s4+s3], $0x80, v3, vm0, $0xb8;
	[tilespmem:$0x10100] =	vst v63  }
0x5e: {  	s12 =	simm.s32 $0x80;
	s9 =	rddreg [dreg:$0x5]  }
0x5f: {  	[tilespmem:s12], [sflag:$0x3] =	stream.linear.gather [hbm4b:s9+s3], $0x40, $0x38;
	[tilespmem:$0x10100] =	vst v63  }
0x60: {  	_ =	swait.ge [sflag:s6], $0x40  }
0x61: {  	[sflag:s6] =	ssyncset.done $0x0  }
0x62: {  	[sflag:s6] =	ssyncadd.s32 $0xFFFFFFC0  }
0x63: {  	v3 =	vld [tilespmem:$0x80];
	_ =	sdelay $0x4  }
0x64: {  	v36 =	vshll.u32 v3, $0x2  }
0x65: {  	v3 =	vand.u32 $0x7, v3;
	v4 =	vand.u32 $0xFFFFFFE0, v36  }
0x66: {  	v3 =	vor.u32 v3, v4  }
0x67: {  	v4 =	vperm.xlane v3, v0;
	_ =	sdelay $0x1  }
0x68: {  	v4 =	vadd.s32 v1, v4;
	_ =	sdelay $0x1  }
0x69: {  	v3 =	vperm.xlane v3, v2;
	_ =	sdelay $0x1  }
0x6a: {  	v3 =	vadd.s32 v1, v3  }
0x6b: {  	[tilespmem:s24], [sflag:$0x2] =	stream.indirect_vreg.gather [hbm4b:s1+s3], $0x80, v4, vm0, $0xb8;
	[tilespmem:$0x10100] =	vst v63  }
0x6c: {  	s17 =	simm.s32 $0x8900  }
0x6d: {  	[tilespmem:s17], [sflag:$0x2] =	stream.indirect_vreg.gather [hbm4b:s4+s3], $0x80, v4, vm0, $0xb8;
	[tilespmem:$0x10100] =	vst v63  }
0x6e: {  	s19 =	simm.s32 $0x9100  }
0x6f: {  	[tilespmem:s19], [sflag:$0x2] =	stream.indirect_vreg.gather [hbm4b:s1+s3], $0x80, v3, vm0, $0xb8;
	[tilespmem:$0x10100] =	vst v63  }
0x70: {  	s20 =	simm.s32 $0x9900  }
0x71: {  	[tilespmem:s20], [sflag:$0x2] =	stream.indirect_vreg.gather [hbm4b:s4+s3], $0x80, v3, vm0, $0xb8;
	[tilespmem:$0x10100] =	vst v63  }
0x72: {  	v3 =	vld [tilespmem:$0x90];
	_ =	sdelay $0x4  }
0x73: {  	v37 =	vshll.u32 v3, $0x2  }
0x74: {  	v3 =	vand.u32 $0x7, v3;
	v4 =	vand.u32 $0xFFFFFFE0, v37  }
0x75: {  	v3 =	vor.u32 v3, v4  }
0x76: {  	v4 =	vperm.xlane v3, v0;
	_ =	sdelay $0x1  }
0x77: {  	v4 =	vadd.s32 v1, v4;
	_ =	sdelay $0x1  }
0x78: {  	v3 =	vperm.xlane v3, v2;
	_ =	sdelay $0x1  }
0x79: {  	s21 =	simm.s32 $0xA100;
	v3 =	vadd.s32 v1, v3  }
0x7a: {  	[tilespmem:s21], [sflag:$0x2] =	stream.indirect_vreg.gather [hbm4b:s1+s3], $0x80, v4, vm0, $0xb8;
	[tilespmem:$0x10100] =	vst v63  }
0x7b: {  	s22 =	simm.s32 $0xA900  }
0x7c: {  	[tilespmem:s22], [sflag:$0x2] =	stream.indirect_vreg.gather [hbm4b:s4+s3], $0x80, v4, vm0, $0xb8;
	[tilespmem:$0x10100] =	vst v63  }
0x7d: {  	s23 =	simm.s32 $0xB100  }
0x7e: {  	[tilespmem:s23], [sflag:$0x2] =	stream.indirect_vreg.gather [hbm4b:s1+s3], $0x80, v3, vm0, $0xb8;
	[tilespmem:$0x10100] =	vst v63  }
0x7f: {  	s25 =	simm.s32 $0xB900  }
0x80: {  	[tilespmem:s25], [sflag:$0x2] =	stream.indirect_vreg.gather [hbm4b:s4+s3], $0x80, v3, vm0, $0xb8;
	[tilespmem:$0x10100] =	vst v63  }
0x81: {  	v3 =	vld [tilespmem:$0xA0];
	_ =	sdelay $0x4  }
0x82: {  	v38 =	vshll.u32 v3, $0x2  }
0x83: {  	v3 =	vand.u32 $0x7, v3;
	v4 =	vand.u32 $0xFFFFFFE0, v38  }
0x84: {  	v3 =	vor.u32 v3, v4  }
0x85: {  	v4 =	vperm.xlane v3, v0;
	_ =	sdelay $0x1  }
0x86: {  	v4 =	vadd.s32 v1, v4;
	_ =	sdelay $0x1  }
0x87: {  	v3 =	vperm.xlane v3, v2;
	_ =	sdelay $0x1  }
0x88: {  	s28 =	simm.s32 $0xC100;
	v3 =	vadd.s32 v1, v3  }
0x89: {  	[tilespmem:s28], [sflag:$0x2] =	stream.indirect_vreg.gather [hbm4b:s1+s3], $0x80, v4, vm0, $0xb8;
	[tilespmem:$0x10100] =	vst v63  }
0x8a: {  	s30 =	simm.s32 $0xC900  }
0x8b: {  	[tilespmem:s30], [sflag:$0x2] =	stream.indirect_vreg.gather [hbm4b:s4+s3], $0x80, v4, vm0, $0xb8;
	[tilespmem:$0x10100] =	vst v63  }
0x8c: {  	s0 =	simm.s32 $0xD100  }
0x8d: {  	[tilespmem:s0], [sflag:$0x2] =	stream.indirect_vreg.gather [hbm4b:s1+s3], $0x80, v3, vm0, $0xb8;
	[tilespmem:$0x10100] =	vst v63  }
0x8e: {  	s8 =	simm.s32 $0xD900  }
0x8f: {  	[tilespmem:s8], [sflag:$0x2] =	stream.indirect_vreg.gather [hbm4b:s4+s3], $0x80, v3, vm0, $0xb8;
	[tilespmem:$0x10100] =	vst v63  }
0x90: {  	v3 =	vld [tilespmem:$0xB0];
	_ =	sdelay $0x4  }
0x91: {  	v39 =	vshll.u32 v3, $0x2  }
0x92: {  	v3 =	vand.u32 $0x7, v3;
	v4 =	vand.u32 $0xFFFFFFE0, v39  }
0x93: {  	v3 =	vor.u32 v3, v4  }
0x94: {  	v4 =	vperm.xlane v3, v0;
	_ =	sdelay $0x1  }
0x95: {  	v4 =	vadd.s32 v1, v4;
	_ =	sdelay $0x1  }
0x96: {  	v3 =	vperm.xlane v3, v2;
	_ =	sdelay $0x1  }
0x97: {  	s9 =	simm.s32 $0xE100;
	v3 =	vadd.s32 v1, v3  }
0x98: {  	[tilespmem:s9], [sflag:$0x2] =	stream.indirect_vreg.gather [hbm4b:s1+s3], $0x80, v4, vm0, $0xb8;
	[tilespmem:$0x10100] =	vst v63  }
0x99: {  	s11 =	simm.s32 $0xE900  }
0x9a: {  	[tilespmem:s11], [sflag:$0x2] =	stream.indirect_vreg.gather [hbm4b:s4+s3], $0x80, v4, vm0, $0xb8;
	[tilespmem:$0x10100] =	vst v63  }
0x9b: {  	s12 =	simm.s32 $0xF100  }
0x9c: {  	[tilespmem:s12], [sflag:$0x2] =	stream.indirect_vreg.gather [hbm4b:s1+s3], $0x80, v3, vm0, $0xb8;
	[tilespmem:$0x10100] =	vst v63  }
0x9d: {  	s19 =	simm.s32 $0xF900  }
0x9e: {  	[tilespmem:s19], [sflag:$0x2] =	stream.indirect_vreg.gather [hbm4b:s4+s3], $0x80, v3, vm0, $0xb8;
	[tilespmem:$0x10100] =	vst v63  }
0x9f: {  	_ =	swait.ge [sflag:s15], $0x8000  }
0xa0: {  	[sflag:s15] =	ssyncset.done $0x0  }
0xa1: {  	s20 =	rddreg [dreg:$0x6];
	[sflag:s15] =	ssyncadd.s32 $0xFFFF8000  }
0xa2: {  	[hbm4b:s20+s3] =	stream.linear.scatter [tilespmem:s31], [sflag:$0x3], $0x8000, $0x38;
	[tilespmem:$0x10100] =	vst v63  }
0xa3: {  	_ =	swait.ge [sflag:s6], $0x8000  }
0xa4: {  	[sflag:s6] =	ssyncset.done $0x0  }
0xa5: {  	s21 =	rddreg [dreg:$0x7];
	[sflag:s6] =	ssyncadd.s32 $0xFFFF8000  }
0xa6: {  	[tilespmem:s3], [sflag:$0x3] =	stream.linear.gather [hbm4b:s21+s3], $0x40, $0x38;
	[tilespmem:$0x10100] =	vst v63  }
0xa7: {  	_ =	swait.ge [sflag:s6], $0x40  }
0xa8: {  	[sflag:s6] =	ssyncset.done $0x0  }
0xa9: {  	[sflag:s6] =	ssyncadd.s32 $0xFFFFFFC0  }
0xaa: {  	v3 =	vld [tilespmem:$0x0];
	_ =	sdelay $0x4  }
0xab: {  	v40 =	vshll.u32 v3, $0x2  }
0xac: {  	v3 =	vand.u32 $0x7, v3;
	v4 =	vand.u32 $0xFFFFFFE0, v40  }
0xad: {  	v3 =	vor.u32 v3, v4  }
0xae: {  	v4 =	vperm.xlane v3, v0;
	_ =	sdelay $0x1  }
0xaf: {  	v4 =	vadd.s32 v1, v4;
	_ =	sdelay $0x1  }
0xb0: {  	v3 =	vperm.xlane v3, v2;
	_ =	sdelay $0x1  }
0xb1: {  	v3 =	vadd.s32 v1, v3  }
0xb2: {  	[tilespmem:s31], [sflag:$0x1] =	stream.indirect_vreg.gather [hbm4b:s1+s3], $0x80, v4, vm0, $0xb8;
	[tilespmem:$0x10100] =	vst v63  }
0xb3: {  	s8 =	simm.s32 $0x900  }
0xb4: {  	[tilespmem:s8], [sflag:$0x1] =	stream.indirect_vreg.gather [hbm4b:s4+s3], $0x80, v4, vm0, $0xb8;
	[tilespmem:$0x10100] =	vst v63  }
0xb5: {  	s9 =	simm.s32 $0x1100  }
0xb6: {  	[tilespmem:s9], [sflag:$0x1] =	stream.indirect_vreg.gather [hbm4b:s1+s3], $0x80, v3, vm0, $0xb8;
	[tilespmem:$0x10100] =	vst v63  }
0xb7: {  	s10 =	simm.s32 $0x1900  }
0xb8: {  	[tilespmem:s10], [sflag:$0x1] =	stream.indirect_vreg.gather [hbm4b:s4+s3], $0x80, v3, vm0, $0xb8;
	[tilespmem:$0x10100] =	vst v63  }
0xb9: {  	v3 =	vld [tilespmem:$0x10];
	_ =	sdelay $0x4  }
0xba: {  	v41 =	vshll.u32 v3, $0x2  }
0xbb: {  	v3 =	vand.u32 $0x7, v3;
	v4 =	vand.u32 $0xFFFFFFE0, v41  }
0xbc: {  	v3 =	vor.u32 v3, v4  }
0xbd: {  	v4 =	vperm.xlane v3, v0;
	_ =	sdelay $0x1  }
0xbe: {  	v4 =	vadd.s32 v1, v4;
	_ =	sdelay $0x1  }
0xbf: {  	v3 =	vperm.xlane v3, v2;
	_ =	sdelay $0x1  }
0xc0: {  	s10 =	simm.s32 $0x2100;
	v3 =	vadd.s32 v1, v3  }
0xc1: {  	[tilespmem:s10], [sflag:$0x1] =	stream.indirect_vreg.gather [hbm4b:s1+s3], $0x80, v4, vm0, $0xb8;
	[tilespmem:$0x10100] =	vst v63  }
0xc2: {  	s11 =	simm.s32 $0x2900  }
0xc3: {  	[tilespmem:s11], [sflag:$0x1] =	stream.indirect_vreg.gather [hbm4b:s4+s3], $0x80, v4, vm0, $0xb8;
	[tilespmem:$0x10100] =	vst v63  }
0xc4: {  	s12 =	simm.s32 $0x3100  }
0xc5: {  	[tilespmem:s12], [sflag:$0x1] =	stream.indirect_vreg.gather [hbm4b:s1+s3], $0x80, v3, vm0, $0xb8;
	[tilespmem:$0x10100] =	vst v63  }
0xc6: {  	s14 =	simm.s32 $0x3900  }
0xc7: {  	[tilespmem:s14], [sflag:$0x1] =	stream.indirect_vreg.gather [hbm4b:s4+s3], $0x80, v3, vm0, $0xb8;
	[tilespmem:$0x10100] =	vst v63  }
0xc8: {  	v3 =	vld [tilespmem:$0x20];
	_ =	sdelay $0x4  }
0xc9: {  	v42 =	vshll.u32 v3, $0x2  }
0xca: {  	v3 =	vand.u32 $0x7, v3;
	v4 =	vand.u32 $0xFFFFFFE0, v42  }
0xcb: {  	v3 =	vor.u32 v3, v4  }
0xcc: {  	v4 =	vperm.xlane v3, v0;
	_ =	sdelay $0x1  }
0xcd: {  	v4 =	vadd.s32 v1, v4;
	_ =	sdelay $0x1  }
0xce: {  	v3 =	vperm.xlane v3, v2;
	_ =	sdelay $0x1  }
0xcf: {  	s13 =	simm.s32 $0x4100;
	v3 =	vadd.s32 v1, v3  }
0xd0: {  	[tilespmem:s13], [sflag:$0x1] =	stream.indirect_vreg.gather [hbm4b:s1+s3], $0x80, v4, vm0, $0xb8;
	[tilespmem:$0x10100] =	vst v63  }
0xd1: {  	s19 =	simm.s32 $0x4900  }
0xd2: {  	[tilespmem:s19], [sflag:$0x1] =	stream.indirect_vreg.gather [hbm4b:s4+s3], $0x80, v4, vm0, $0xb8;
	[tilespmem:$0x10100] =	vst v63  }
0xd3: {  	s14 =	simm.s32 $0x5100  }
0xd4: {  	[tilespmem:s14], [sflag:$0x1] =	stream.indirect_vreg.gather [hbm4b:s1+s3], $0x80, v3, vm0, $0xb8;
	[tilespmem:$0x10100] =	vst v63  }
0xd5: {  	s18 =	simm.s32 $0x5900  }
0xd6: {  	[tilespmem:s18], [sflag:$0x1] =	stream.indirect_vreg.gather [hbm4b:s4+s3], $0x80, v3, vm0, $0xb8;
	[tilespmem:$0x10100] =	vst v63  }
0xd7: {  	v3 =	vld [tilespmem:$0x30];
	_ =	sdelay $0x4  }
0xd8: {  	v43 =	vshll.u32 v3, $0x2  }
0xd9: {  	v3 =	vand.u32 $0x7, v3;
	v4 =	vand.u32 $0xFFFFFFE0, v43  }
0xda: {  	v3 =	vor.u32 v3, v4  }
0xdb: {  	v4 =	vperm.xlane v3, v0;
	_ =	sdelay $0x1  }
0xdc: {  	v4 =	vadd.s32 v1, v4;
	_ =	sdelay $0x1  }
0xdd: {  	v3 =	vperm.xlane v3, v2;
	_ =	sdelay $0x1  }
0xde: {  	s18 =	simm.s32 $0x6100;
	v3 =	vadd.s32 v1, v3  }
0xdf: {  	[tilespmem:s18], [sflag:$0x1] =	stream.indirect_vreg.gather [hbm4b:s1+s3], $0x80, v4, vm0, $0xb8;
	[tilespmem:$0x10100] =	vst v63  }
0xe0: {  	s13 =	simm.s32 $0x6900  }
0xe1: {  	[tilespmem:s13], [sflag:$0x1] =	stream.indirect_vreg.gather [hbm4b:s4+s3], $0x80, v4, vm0, $0xb8;
	[tilespmem:$0x10100] =	vst v63  }
0xe2: {  	s20 =	simm.s32 $0x7100  }
0xe3: {  	[tilespmem:s20], [sflag:$0x1] =	stream.indirect_vreg.gather [hbm4b:s1+s3], $0x80, v3, vm0, $0xb8;
	[tilespmem:$0x10100] =	vst v63  }
0xe4: {  	s21 =	simm.s32 $0x7900  }
0xe5: {  	[tilespmem:s21], [sflag:$0x1] =	stream.indirect_vreg.gather [hbm4b:s4+s3], $0x80, v3, vm0, $0xb8;
	[tilespmem:$0x10100] =	vst v63  }
0xe6: {  	_ =	swait.ge [sflag:s16], $0x8000  }
0xe7: {  	[sflag:s16] =	ssyncset.done $0x0  }
0xe8: {  	s0 =	rddreg [dreg:$0x8];
	[sflag:s16] =	ssyncadd.s32 $0xFFFF8000  }
0xe9: {  	[hbm4b:s0+s3] =	stream.linear.scatter [tilespmem:s24], [sflag:$0x3], $0x8000, $0x38;
	[tilespmem:$0x10100] =	vst v63  }
0xea: {  	_ =	swait.ge [sflag:s6], $0x8000  }
0xeb: {  	[sflag:s6] =	ssyncset.done $0x0  }
0xec: {  	s2 =	simm.s32 $0x80;
	s0 =	rddreg [dreg:$0x9];
	[sflag:s6] =	ssyncadd.s32 $0xFFFF8000  }
0xed: {  	[tilespmem:s2], [sflag:$0x3] =	stream.linear.gather [hbm4b:s0+s3], $0x40, $0x38;
	[tilespmem:$0x10100] =	vst v63  }
0xee: {  	_ =	swait.ge [sflag:s6], $0x40  }
0xef: {  	[sflag:s6] =	ssyncset.done $0x0  }
0xf0: {  	[sflag:s6] =	ssyncadd.s32 $0xFFFFFFC0  }
0xf1: {  	v3 =	vld [tilespmem:$0x80];
	_ =	sdelay $0x4  }
0xf2: {  	v44 =	vshll.u32 v3, $0x2  }
0xf3: {  	v3 =	vand.u32 $0x7, v3;
	v4 =	vand.u32 $0xFFFFFFE0, v44  }
0xf4: {  	v3 =	vor.u32 v3, v4  }
0xf5: {  	v4 =	vperm.xlane v3, v0;
	_ =	sdelay $0x1  }
0xf6: {  	v4 =	vadd.s32 v1, v4;
	_ =	sdelay $0x1  }
0xf7: {  	v3 =	vperm.xlane v3, v2;
	_ =	sdelay $0x1  }
0xf8: {  	v3 =	vadd.s32 v1, v3  }
0xf9: {  	[tilespmem:s24], [sflag:$0x2] =	stream.indirect_vreg.gather [hbm4b:s1+s3], $0x80, v4, vm0, $0xb8;
	[tilespmem:$0x10100] =	vst v63  }
0xfa: {  	s0 =	simm.s32 $0x8900  }
0xfb: {  	[tilespmem:s0], [sflag:$0x2] =	stream.indirect_vreg.gather [hbm4b:s4+s3], $0x80, v4, vm0, $0xb8;
	[tilespmem:$0x10100] =	vst v63  }
0xfc: {  	s2 =	simm.s32 $0x9100  }
0xfd: {  	[tilespmem:s2], [sflag:$0x2] =	stream.indirect_vreg.gather [hbm4b:s1+s3], $0x80, v3, vm0, $0xb8;
	[tilespmem:$0x10100] =	vst v63  }
0xfe: {  	s7 =	simm.s32 $0x9900  }
0xff: {  	[tilespmem:s7], [sflag:$0x2] =	stream.indirect_vreg.gather [hbm4b:s4+s3], $0x80, v3, vm0, $0xb8;
	[tilespmem:$0x10100] =	vst v63  }
0x100: {  	v3 =	vld [tilespmem:$0x90];
	_ =	sdelay $0x4  }
0x101: {  	v45 =	vshll.u32 v3, $0x2  }
0x102: {  	v3 =	vand.u32 $0x7, v3;
	v4 =	vand.u32 $0xFFFFFFE0, v45  }
0x103: {  	v3 =	vor.u32 v3, v4  }
0x104: {  	v4 =	vperm.xlane v3, v0;
	_ =	sdelay $0x1  }
0x105: {  	v4 =	vadd.s32 v1, v4;
	_ =	sdelay $0x1  }
0x106: {  	v3 =	vperm.xlane v3, v2;
	_ =	sdelay $0x1  }
0x107: {  	s7 =	simm.s32 $0xA100;
	v3 =	vadd.s32 v1, v3  }
0x108: {  	[tilespmem:s7], [sflag:$0x2] =	stream.indirect_vreg.gather [hbm4b:s1+s3], $0x80, v4, vm0, $0xb8;
	[tilespmem:$0x10100] =	vst v63  }
0x109: {  	s29 =	simm.s32 $0xA900  }
0x10a: {  	[tilespmem:s29], [sflag:$0x2] =	stream.indirect_vreg.gather [hbm4b:s4+s3], $0x80, v4, vm0, $0xb8;
	[tilespmem:$0x10100] =	vst v63  }
0x10b: {  	s26 =	simm.s32 $0xB100  }
0x10c: {  	[tilespmem:s26], [sflag:$0x2] =	stream.indirect_vreg.gather [hbm4b:s1+s3], $0x80, v3, vm0, $0xb8;
	[tilespmem:$0x10100] =	vst v63  }
0x10d: {  	s25 =	simm.s32 $0xB900  }
0x10e: {  	[tilespmem:s25], [sflag:$0x2] =	stream.indirect_vreg.gather [hbm4b:s4+s3], $0x80, v3, vm0, $0xb8;
	[tilespmem:$0x10100] =	vst v63  }
0x10f: {  	v3 =	vld [tilespmem:$0xA0];
	_ =	sdelay $0x4  }
0x110: {  	v46 =	vshll.u32 v3, $0x2  }
0x111: {  	v3 =	vand.u32 $0x7, v3;
	v4 =	vand.u32 $0xFFFFFFE0, v46  }
0x112: {  	v3 =	vor.u32 v3, v4  }
0x113: {  	v4 =	vperm.xlane v3, v0;
	_ =	sdelay $0x1  }
0x114: {  	v4 =	vadd.s32 v1, v4;
	_ =	sdelay $0x1  }
0x115: {  	v3 =	vperm.xlane v3, v2;
	_ =	sdelay $0x1  }
0x116: {  	s28 =	simm.s32 $0xC100;
	v3 =	vadd.s32 v1, v3  }
0x117: {  	[tilespmem:s28], [sflag:$0x2] =	stream.indirect_vreg.gather [hbm4b:s1+s3], $0x80, v4, vm0, $0xb8;
	[tilespmem:$0x10100] =	vst v63  }
0x118: {  	s30 =	simm.s32 $0xC900  }
0x119: {  	[tilespmem:s30], [sflag:$0x2] =	stream.indirect_vreg.gather [hbm4b:s4+s3], $0x80, v4, vm0, $0xb8;
	[tilespmem:$0x10100] =	vst v63  }
0x11a: {  	s29 =	simm.s32 $0xD100  }
0x11b: {  	[tilespmem:s29], [sflag:$0x2] =	stream.indirect_vreg.gather [hbm4b:s1+s3], $0x80, v3, vm0, $0xb8;
	[tilespmem:$0x10100] =	vst v63  }
0x11c: {  	s22 =	simm.s32 $0xD900  }
0x11d: {  	[tilespmem:s22], [sflag:$0x2] =	stream.indirect_vreg.gather [hbm4b:s4+s3], $0x80, v3, vm0, $0xb8;
	[tilespmem:$0x10100] =	vst v63  }
0x11e: {  	v3 =	vld [tilespmem:$0xB0];
	_ =	sdelay $0x4  }
0x11f: {  	v47 =	vshll.u32 v3, $0x2  }
0x120: {  	v3 =	vand.u32 $0x7, v3;
	v4 =	vand.u32 $0xFFFFFFE0, v47  }
0x121: {  	v3 =	vor.u32 v3, v4  }
0x122: {  	v4 =	vperm.xlane v3, v0;
	_ =	sdelay $0x1  }
0x123: {  	v4 =	vadd.s32 v1, v4;
	_ =	sdelay $0x1  }
0x124: {  	v3 =	vperm.xlane v3, v2;
	_ =	sdelay $0x1  }
0x125: {  	s30 =	simm.s32 $0xE100;
	v3 =	vadd.s32 v1, v3  }
0x126: {  	[tilespmem:s30], [sflag:$0x2] =	stream.indirect_vreg.gather [hbm4b:s1+s3], $0x80, v4, vm0, $0xb8;
	[tilespmem:$0x10100] =	vst v63  }
0x127: {  	s22 =	simm.s32 $0xE900  }
0x128: {  	[tilespmem:s22], [sflag:$0x2] =	stream.indirect_vreg.gather [hbm4b:s4+s3], $0x80, v4, vm0, $0xb8;
	[tilespmem:$0x10100] =	vst v63  }
0x129: {  	s17 =	simm.s32 $0xF100  }
0x12a: {  	[tilespmem:s17], [sflag:$0x2] =	stream.indirect_vreg.gather [hbm4b:s1+s3], $0x80, v3, vm0, $0xb8;
	[tilespmem:$0x10100] =	vst v63  }
0x12b: {  	s23 =	simm.s32 $0xF900  }
0x12c: {  	[tilespmem:s23], [sflag:$0x2] =	stream.indirect_vreg.gather [hbm4b:s4+s3], $0x80, v3, vm0, $0xb8;
	[tilespmem:$0x10100] =	vst v63  }
0x12d: {  	_ =	swait.ge [sflag:s15], $0x8000  }
0x12e: {  	[sflag:s15] =	ssyncset.done $0x0  }
0x12f: {  	s23 =	rddreg [dreg:$0xa];
	[sflag:s15] =	ssyncadd.s32 $0xFFFF8000  }
0x130: {  	[hbm4b:s23+s3] =	stream.linear.scatter [tilespmem:s31], [sflag:$0x3], $0x8000, $0x38;
	[tilespmem:$0x10100] =	vst v63  }
0x131: {  	_ =	swait.ge [sflag:s6], $0x8000  }
0x132: {  	[sflag:s6] =	ssyncset.done $0x0  }
0x133: {  	s23 =	rddreg [dreg:$0xb];
	[sflag:s6] =	ssyncadd.s32 $0xFFFF8000  }
0x134: {  	[tilespmem:s3], [sflag:$0x3] =	stream.linear.gather [hbm4b:s23+s3], $0x40, $0x38;
	[tilespmem:$0x10100] =	vst v63  }
0x135: {  	_ =	swait.ge [sflag:s6], $0x40  }
0x136: {  	[sflag:s6] =	ssyncset.done $0x0  }
0x137: {  	[sflag:s6] =	ssyncadd.s32 $0xFFFFFFC0  }
0x138: {  	v3 =	vld [tilespmem:$0x0];
	_ =	sdelay $0x4  }
0x139: {  	v48 =	vshll.u32 v3, $0x2  }
0x13a: {  	v3 =	vand.u32 $0x7, v3;
	v4 =	vand.u32 $0xFFFFFFE0, v48  }
0x13b: {  	v3 =	vor.u32 v3, v4  }
0x13c: {  	v4 =	vperm.xlane v3, v0;
	_ =	sdelay $0x1  }
0x13d: {  	v4 =	vadd.s32 v1, v4;
	_ =	sdelay $0x1  }
0x13e: {  	v3 =	vperm.xlane v3, v2;
	_ =	sdelay $0x1  }
0x13f: {  	v3 =	vadd.s32 v1, v3  }
0x140: {  	[tilespmem:s31], [sflag:$0x1] =	stream.indirect_vreg.gather [hbm4b:s1+s3], $0x80, v4, vm0, $0xb8;
	[tilespmem:$0x10100] =	vst v63  }
0x141: {  	_ = 	snop  }
0x142: {  	[tilespmem:s8], [sflag:$0x1] =	stream.indirect_vreg.gather [hbm4b:s4+s3], $0x80, v4, vm0, $0xb8;
	[tilespmem:$0x10100] =	vst v63  }
0x143: {  	_ = 	snop  }
0x144: {  	[tilespmem:s9], [sflag:$0x1] =	stream.indirect_vreg.gather [hbm4b:s1+s3], $0x80, v3, vm0, $0xb8;
	[tilespmem:$0x10100] =	vst v63  }
0x145: {  	s23 =	simm.s32 $0x1900  }
0x146: {  	[tilespmem:s23], [sflag:$0x1] =	stream.indirect_vreg.gather [hbm4b:s4+s3], $0x80, v3, vm0, $0xb8;
	[tilespmem:$0x10100] =	vst v63  }
0x147: {  	v3 =	vld [tilespmem:$0x10];
	_ =	sdelay $0x4  }
0x148: {  	v49 =	vshll.u32 v3, $0x2  }
0x149: {  	v3 =	vand.u32 $0x7, v3;
	v4 =	vand.u32 $0xFFFFFFE0, v49  }
0x14a: {  	v3 =	vor.u32 v3, v4  }
0x14b: {  	v4 =	vperm.xlane v3, v0;
	_ =	sdelay $0x1  }
0x14c: {  	v4 =	vadd.s32 v1, v4;
	_ =	sdelay $0x1  }
0x14d: {  	v3 =	vperm.xlane v3, v2;
	_ =	sdelay $0x1  }
0x14e: {  	v3 =	vadd.s32 v1, v3  }
0x14f: {  	[tilespmem:s10], [sflag:$0x1] =	stream.indirect_vreg.gather [hbm4b:s1+s3], $0x80, v4, vm0, $0xb8;
	[tilespmem:$0x10100] =	vst v63  }
0x150: {  	_ = 	snop  }
0x151: {  	[tilespmem:s11], [sflag:$0x1] =	stream.indirect_vreg.gather [hbm4b:s4+s3], $0x80, v4, vm0, $0xb8;
	[tilespmem:$0x10100] =	vst v63  }
0x152: {  	_ = 	snop  }
0x153: {  	[tilespmem:s12], [sflag:$0x1] =	stream.indirect_vreg.gather [hbm4b:s1+s3], $0x80, v3, vm0, $0xb8;
	[tilespmem:$0x10100] =	vst v63  }
0x154: {  	s23 =	simm.s32 $0x3900  }
0x155: {  	[tilespmem:s23], [sflag:$0x1] =	stream.indirect_vreg.gather [hbm4b:s4+s3], $0x80, v3, vm0, $0xb8;
	[tilespmem:$0x10100] =	vst v63  }
0x156: {  	v3 =	vld [tilespmem:$0x20];
	_ =	sdelay $0x4  }
0x157: {  	v50 =	vshll.u32 v3, $0x2  }
0x158: {  	v3 =	vand.u32 $0x7, v3;
	v4 =	vand.u32 $0xFFFFFFE0, v50  }
0x159: {  	v3 =	vor.u32 v3, v4  }
0x15a: {  	v4 =	vperm.xlane v3, v0;
	_ =	sdelay $0x1  }
0x15b: {  	v4 =	vadd.s32 v1, v4;
	_ =	sdelay $0x1  }
0x15c: {  	v3 =	vperm.xlane v3, v2;
	_ =	sdelay $0x1  }
0x15d: {  	s23 =	simm.s32 $0x4100;
	v3 =	vadd.s32 v1, v3  }
0x15e: {  	[tilespmem:s23], [sflag:$0x1] =	stream.indirect_vreg.gather [hbm4b:s1+s3], $0x80, v4, vm0, $0xb8;
	[tilespmem:$0x10100] =	vst v63  }
0x15f: {  	_ = 	snop  }
0x160: {  	[tilespmem:s19], [sflag:$0x1] =	stream.indirect_vreg.gather [hbm4b:s4+s3], $0x80, v4, vm0, $0xb8;
	[tilespmem:$0x10100] =	vst v63  }
0x161: {  	_ = 	snop  }
0x162: {  	[tilespmem:s14], [sflag:$0x1] =	stream.indirect_vreg.gather [hbm4b:s1+s3], $0x80, v3, vm0, $0xb8;
	[tilespmem:$0x10100] =	vst v63  }
0x163: {  	s23 =	simm.s32 $0x5900  }
0x164: {  	[tilespmem:s23], [sflag:$0x1] =	stream.indirect_vreg.gather [hbm4b:s4+s3], $0x80, v3, vm0, $0xb8;
	[tilespmem:$0x10100] =	vst v63  }
0x165: {  	v3 =	vld [tilespmem:$0x30];
	_ =	sdelay $0x4  }
0x166: {  	v51 =	vshll.u32 v3, $0x2  }
0x167: {  	v3 =	vand.u32 $0x7, v3;
	v4 =	vand.u32 $0xFFFFFFE0, v51  }
0x168: {  	v3 =	vor.u32 v3, v4  }
0x169: {  	v4 =	vperm.xlane v3, v0;
	_ =	sdelay $0x1  }
0x16a: {  	v4 =	vadd.s32 v1, v4;
	_ =	sdelay $0x1  }
0x16b: {  	v3 =	vperm.xlane v3, v2;
	_ =	sdelay $0x1  }
0x16c: {  	v3 =	vadd.s32 v1, v3  }
0x16d: {  	[tilespmem:s18], [sflag:$0x1] =	stream.indirect_vreg.gather [hbm4b:s1+s3], $0x80, v4, vm0, $0xb8;
	[tilespmem:$0x10100] =	vst v63  }
0x16e: {  	_ = 	snop  }
0x16f: {  	[tilespmem:s13], [sflag:$0x1] =	stream.indirect_vreg.gather [hbm4b:s4+s3], $0x80, v4, vm0, $0xb8;
	[tilespmem:$0x10100] =	vst v63  }
0x170: {  	_ = 	snop  }
0x171: {  	[tilespmem:s20], [sflag:$0x1] =	stream.indirect_vreg.gather [hbm4b:s1+s3], $0x80, v3, vm0, $0xb8;
	[tilespmem:$0x10100] =	vst v63  }
0x172: {  	_ = 	snop  }
0x173: {  	[tilespmem:s21], [sflag:$0x1] =	stream.indirect_vreg.gather [hbm4b:s4+s3], $0x80, v3, vm0, $0xb8;
	[tilespmem:$0x10100] =	vst v63  }
0x174: {  	_ =	swait.ge [sflag:s16], $0x8000  }
0x175: {  	[sflag:s16] =	ssyncset.done $0x0  }
0x176: {  	s23 =	rddreg [dreg:$0xc];
	[sflag:s16] =	ssyncadd.s32 $0xFFFF8000  }
0x177: {  	[hbm4b:s23+s3] =	stream.linear.scatter [tilespmem:s24], [sflag:$0x3], $0x8000, $0x38;
	[tilespmem:$0x10100] =	vst v63  }
0x178: {  	_ =	swait.ge [sflag:s6], $0x8000  }
0x179: {  	[sflag:s6] =	ssyncset.done $0x0  }
0x17a: {  	s23 =	simm.s32 $0x80;
	s17 =	rddreg [dreg:$0xd];
	[sflag:s6] =	ssyncadd.s32 $0xFFFF8000  }
0x17b: {  	[tilespmem:s23], [sflag:$0x3] =	stream.linear.gather [hbm4b:s17+s3], $0x40, $0x38;
	[tilespmem:$0x10100] =	vst v63  }
0x17c: {  	_ =	swait.ge [sflag:s6], $0x40  }
0x17d: {  	[sflag:s6] =	ssyncset.done $0x0  }
0x17e: {  	[sflag:s6] =	ssyncadd.s32 $0xFFFFFFC0  }
0x17f: {  	v3 =	vld [tilespmem:$0x80];
	_ =	sdelay $0x4  }
0x180: {  	v52 =	vshll.u32 v3, $0x2  }
0x181: {  	v3 =	vand.u32 $0x7, v3;
	v4 =	vand.u32 $0xFFFFFFE0, v52  }
0x182: {  	v3 =	vor.u32 v3, v4  }
0x183: {  	v4 =	vperm.xlane v3, v0;
	_ =	sdelay $0x1  }
0x184: {  	v4 =	vadd.s32 v1, v4;
	_ =	sdelay $0x1  }
0x185: {  	v3 =	vperm.xlane v3, v2;
	_ =	sdelay $0x1  }
0x186: {  	v3 =	vadd.s32 v1, v3  }
0x187: {  	[tilespmem:s24], [sflag:$0x2] =	stream.indirect_vreg.gather [hbm4b:s1+s3], $0x80, v4, vm0, $0xb8;
	[tilespmem:$0x10100] =	vst v63  }
0x188: {  	_ = 	snop  }
0x189: {  	[tilespmem:s0], [sflag:$0x2] =	stream.indirect_vreg.gather [hbm4b:s4+s3], $0x80, v4, vm0, $0xb8;
	[tilespmem:$0x10100] =	vst v63  }
0x18a: {  	_ = 	snop  }
0x18b: {  	[tilespmem:s2], [sflag:$0x2] =	stream.indirect_vreg.gather [hbm4b:s1+s3], $0x80, v3, vm0, $0xb8;
	[tilespmem:$0x10100] =	vst v63  }
0x18c: {  	s23 =	simm.s32 $0x9900  }
0x18d: {  	[tilespmem:s23], [sflag:$0x2] =	stream.indirect_vreg.gather [hbm4b:s4+s3], $0x80, v3, vm0, $0xb8;
	[tilespmem:$0x10100] =	vst v63  }
0x18e: {  	v3 =	vld [tilespmem:$0x90];
	_ =	sdelay $0x4  }
0x18f: {  	v53 =	vshll.u32 v3, $0x2  }
0x190: {  	v3 =	vand.u32 $0x7, v3;
	v4 =	vand.u32 $0xFFFFFFE0, v53  }
0x191: {  	v3 =	vor.u32 v3, v4  }
0x192: {  	v4 =	vperm.xlane v3, v0;
	_ =	sdelay $0x1  }
0x193: {  	v4 =	vadd.s32 v1, v4;
	_ =	sdelay $0x1  }
0x194: {  	v3 =	vperm.xlane v3, v2;
	_ =	sdelay $0x1  }
0x195: {  	v3 =	vadd.s32 v1, v3  }
0x196: {  	[tilespmem:s7], [sflag:$0x2] =	stream.indirect_vreg.gather [hbm4b:s1+s3], $0x80, v4, vm0, $0xb8;
	[tilespmem:$0x10100] =	vst v63  }
0x197: {  	s23 =	simm.s32 $0xA900  }
0x198: {  	[tilespmem:s23], [sflag:$0x2] =	stream.indirect_vreg.gather [hbm4b:s4+s3], $0x80, v4, vm0, $0xb8;
	[tilespmem:$0x10100] =	vst v63  }
0x199: {  	s26 =	simm.s32 $0xB100  }
0x19a: {  	[tilespmem:s26], [sflag:$0x2] =	stream.indirect_vreg.gather [hbm4b:s1+s3], $0x80, v3, vm0, $0xb8;
	[tilespmem:$0x10100] =	vst v63  }
0x19b: {  	s26 =	simm.s32 $0xB900  }
0x19c: {  	[tilespmem:s26], [sflag:$0x2] =	stream.indirect_vreg.gather [hbm4b:s4+s3], $0x80, v3, vm0, $0xb8;
	[tilespmem:$0x10100] =	vst v63  }
0x19d: {  	v3 =	vld [tilespmem:$0xA0];
	_ =	sdelay $0x4  }
0x19e: {  	v54 =	vshll.u32 v3, $0x2  }
0x19f: {  	v3 =	vand.u32 $0x7, v3;
	v4 =	vand.u32 $0xFFFFFFE0, v54  }
0x1a0: {  	v3 =	vor.u32 v3, v4  }
0x1a1: {  	v4 =	vperm.xlane v3, v0;
	_ =	sdelay $0x1  }
0x1a2: {  	v4 =	vadd.s32 v1, v4;
	_ =	sdelay $0x1  }
0x1a3: {  	v3 =	vperm.xlane v3, v2;
	_ =	sdelay $0x1  }
0x1a4: {  	s25 =	simm.s32 $0xC100;
	v3 =	vadd.s32 v1, v3  }
0x1a5: {  	[tilespmem:s25], [sflag:$0x2] =	stream.indirect_vreg.gather [hbm4b:s1+s3], $0x80, v4, vm0, $0xb8;
	[tilespmem:$0x10100] =	vst v63  }
0x1a6: {  	s28 =	simm.s32 $0xC900  }
0x1a7: {  	[tilespmem:s28], [sflag:$0x2] =	stream.indirect_vreg.gather [hbm4b:s4+s3], $0x80, v4, vm0, $0xb8;
	[tilespmem:$0x10100] =	vst v63  }
0x1a8: {  	s29 =	simm.s32 $0xD100  }
0x1a9: {  	[tilespmem:s29], [sflag:$0x2] =	stream.indirect_vreg.gather [hbm4b:s1+s3], $0x80, v3, vm0, $0xb8;
	[tilespmem:$0x10100] =	vst v63  }
0x1aa: {  	s29 =	simm.s32 $0xD900  }
0x1ab: {  	[tilespmem:s29], [sflag:$0x2] =	stream.indirect_vreg.gather [hbm4b:s4+s3], $0x80, v3, vm0, $0xb8;
	[tilespmem:$0x10100] =	vst v63  }
0x1ac: {  	v3 =	vld [tilespmem:$0xB0];
	_ =	sdelay $0x4  }
0x1ad: {  	v55 =	vshll.u32 v3, $0x2  }
0x1ae: {  	v3 =	vand.u32 $0x7, v3;
	v4 =	vand.u32 $0xFFFFFFE0, v55  }
0x1af: {  	v3 =	vor.u32 v3, v4  }
0x1b0: {  	v4 =	vperm.xlane v3, v0;
	_ =	sdelay $0x1  }
0x1b1: {  	v4 =	vadd.s32 v1, v4;
	_ =	sdelay $0x1  }
0x1b2: {  	v3 =	vperm.xlane v3, v2;
	_ =	sdelay $0x1  }
0x1b3: {  	s30 =	simm.s32 $0xE100;
	v3 =	vadd.s32 v1, v3  }
0x1b4: {  	[tilespmem:s30], [sflag:$0x2] =	stream.indirect_vreg.gather [hbm4b:s1+s3], $0x80, v4, vm0, $0xb8;
	[tilespmem:$0x10100] =	vst v63  }
0x1b5: {  	s22 =	simm.s32 $0xE900  }
0x1b6: {  	[tilespmem:s22], [sflag:$0x2] =	stream.indirect_vreg.gather [hbm4b:s4+s3], $0x80, v4, vm0, $0xb8;
	[tilespmem:$0x10100] =	vst v63  }
0x1b7: {  	s22 =	simm.s32 $0xF100  }
0x1b8: {  	[tilespmem:s22], [sflag:$0x2] =	stream.indirect_vreg.gather [hbm4b:s1+s3], $0x80, v3, vm0, $0xb8;
	[tilespmem:$0x10100] =	vst v63  }
0x1b9: {  	s17 =	simm.s32 $0xF900  }
0x1ba: {  	[tilespmem:s17], [sflag:$0x2] =	stream.indirect_vreg.gather [hbm4b:s4+s3], $0x80, v3, vm0, $0xb8;
	[tilespmem:$0x10100] =	vst v63  }
0x1bb: {  	_ =	swait.ge [sflag:s15], $0x8000  }
0x1bc: {  	[sflag:s15] =	ssyncset.done $0x0  }
0x1bd: {  	s17 =	rddreg [dreg:$0xe];
	[sflag:s15] =	ssyncadd.s32 $0xFFFF8000  }
0x1be: {  	[hbm4b:s17+s3] =	stream.linear.scatter [tilespmem:s31], [sflag:$0x3], $0x8000, $0x38;
	[tilespmem:$0x10100] =	vst v63  }
0x1bf: {  	_ =	swait.ge [sflag:s6], $0x8000  }
0x1c0: {  	[sflag:s6] =	ssyncset.done $0x0  }
0x1c1: {  	s17 =	rddreg [dreg:$0xf];
	[sflag:s6] =	ssyncadd.s32 $0xFFFF8000  }
0x1c2: {  	[tilespmem:s3], [sflag:$0x3] =	stream.linear.gather [hbm4b:s17+s3], $0x40, $0x38;
	[tilespmem:$0x10100] =	vst v63  }
0x1c3: {  	_ =	swait.ge [sflag:s6], $0x40  }
0x1c4: {  	[sflag:s6] =	ssyncset.done $0x0  }
0x1c5: {  	[sflag:s6] =	ssyncadd.s32 $0xFFFFFFC0  }
0x1c6: {  	v3 =	vld [tilespmem:$0x0];
	_ =	sdelay $0x4  }
0x1c7: {  	v56 =	vshll.u32 v3, $0x2  }
0x1c8: {  	v3 =	vand.u32 $0x7, v3;
	v4 =	vand.u32 $0xFFFFFFE0, v56  }
0x1c9: {  	v3 =	vor.u32 v3, v4  }
0x1ca: {  	v4 =	vperm.xlane v3, v0;
	_ =	sdelay $0x1  }
0x1cb: {  	v4 =	vadd.s32 v1, v4;
	_ =	sdelay $0x1  }
0x1cc: {  	v3 =	vperm.xlane v3, v2;
	_ =	sdelay $0x1  }
0x1cd: {  	v3 =	vadd.s32 v1, v3  }
0x1ce: {  	[tilespmem:s31], [sflag:$0x1] =	stream.indirect_vreg.gather [hbm4b:s1+s3], $0x80, v4, vm0, $0xb8;
	[tilespmem:$0x10100] =	vst v63  }
0x1cf: {  	s8 =	simm.s32 $0x900  }
0x1d0: {  	[tilespmem:s8], [sflag:$0x1] =	stream.indirect_vreg.gather [hbm4b:s4+s3], $0x80, v4, vm0, $0xb8;
	[tilespmem:$0x10100] =	vst v63  }
0x1d1: {  	s9 =	simm.s32 $0x1100  }
0x1d2: {  	[tilespmem:s9], [sflag:$0x1] =	stream.indirect_vreg.gather [hbm4b:s1+s3], $0x80, v3, vm0, $0xb8;
	[tilespmem:$0x10100] =	vst v63  }
0x1d3: {  	s9 =	simm.s32 $0x1900  }
0x1d4: {  	[tilespmem:s9], [sflag:$0x1] =	stream.indirect_vreg.gather [hbm4b:s4+s3], $0x80, v3, vm0, $0xb8;
	[tilespmem:$0x10100] =	vst v63  }
0x1d5: {  	v3 =	vld [tilespmem:$0x10];
	_ =	sdelay $0x4  }
0x1d6: {  	v57 =	vshll.u32 v3, $0x2  }
0x1d7: {  	v3 =	vand.u32 $0x7, v3;
	v4 =	vand.u32 $0xFFFFFFE0, v57  }
0x1d8: {  	v3 =	vor.u32 v3, v4  }
0x1d9: {  	v4 =	vperm.xlane v3, v0;
	_ =	sdelay $0x1  }
0x1da: {  	v4 =	vadd.s32 v1, v4;
	_ =	sdelay $0x1  }
0x1db: {  	v3 =	vperm.xlane v3, v2;
	_ =	sdelay $0x1  }
0x1dc: {  	s10 =	simm.s32 $0x2100;
	v3 =	vadd.s32 v1, v3  }
0x1dd: {  	[tilespmem:s10], [sflag:$0x1] =	stream.indirect_vreg.gather [hbm4b:s1+s3], $0x80, v4, vm0, $0xb8;
	[tilespmem:$0x10100] =	vst v63  }
0x1de: {  	s11 =	simm.s32 $0x2900  }
0x1df: {  	[tilespmem:s11], [sflag:$0x1] =	stream.indirect_vreg.gather [hbm4b:s4+s3], $0x80, v4, vm0, $0xb8;
	[tilespmem:$0x10100] =	vst v63  }
0x1e0: {  	s12 =	simm.s32 $0x3100  }
0x1e1: {  	[tilespmem:s12], [sflag:$0x1] =	stream.indirect_vreg.gather [hbm4b:s1+s3], $0x80, v3, vm0, $0xb8;
	[tilespmem:$0x10100] =	vst v63  }
0x1e2: {  	s10 =	simm.s32 $0x3900  }
0x1e3: {  	[tilespmem:s10], [sflag:$0x1] =	stream.indirect_vreg.gather [hbm4b:s4+s3], $0x80, v3, vm0, $0xb8;
	[tilespmem:$0x10100] =	vst v63  }
0x1e4: {  	v3 =	vld [tilespmem:$0x20];
	_ =	sdelay $0x4  }
0x1e5: {  	v58 =	vshll.u32 v3, $0x2  }
0x1e6: {  	v3 =	vand.u32 $0x7, v3;
	v4 =	vand.u32 $0xFFFFFFE0, v58  }
0x1e7: {  	v3 =	vor.u32 v3, v4  }
0x1e8: {  	v4 =	vperm.xlane v3, v0;
	_ =	sdelay $0x1  }
0x1e9: {  	v4 =	vadd.s32 v1, v4;
	_ =	sdelay $0x1  }
0x1ea: {  	v3 =	vperm.xlane v3, v2;
	_ =	sdelay $0x1  }
0x1eb: {  	s11 =	simm.s32 $0x4100;
	v3 =	vadd.s32 v1, v3  }
0x1ec: {  	[tilespmem:s11], [sflag:$0x1] =	stream.indirect_vreg.gather [hbm4b:s1+s3], $0x80, v4, vm0, $0xb8;
	[tilespmem:$0x10100] =	vst v63  }
0x1ed: {  	s19 =	simm.s32 $0x4900  }
0x1ee: {  	[tilespmem:s19], [sflag:$0x1] =	stream.indirect_vreg.gather [hbm4b:s4+s3], $0x80, v4, vm0, $0xb8;
	[tilespmem:$0x10100] =	vst v63  }
0x1ef: {  	s14 =	simm.s32 $0x5100  }
0x1f0: {  	[tilespmem:s14], [sflag:$0x1] =	stream.indirect_vreg.gather [hbm4b:s1+s3], $0x80, v3, vm0, $0xb8;
	[tilespmem:$0x10100] =	vst v63  }
0x1f1: {  	s12 =	simm.s32 $0x5900  }
0x1f2: {  	[tilespmem:s12], [sflag:$0x1] =	stream.indirect_vreg.gather [hbm4b:s4+s3], $0x80, v3, vm0, $0xb8;
	[tilespmem:$0x10100] =	vst v63  }
0x1f3: {  	v3 =	vld [tilespmem:$0x30];
	_ =	sdelay $0x4  }
0x1f4: {  	v59 =	vshll.u32 v3, $0x2  }
0x1f5: {  	v3 =	vand.u32 $0x7, v3;
	v4 =	vand.u32 $0xFFFFFFE0, v59  }
0x1f6: {  	v3 =	vor.u32 v3, v4  }
0x1f7: {  	v4 =	vperm.xlane v3, v0;
	_ =	sdelay $0x1  }
0x1f8: {  	v4 =	vadd.s32 v1, v4;
	_ =	sdelay $0x1  }
0x1f9: {  	v3 =	vperm.xlane v3, v2;
	_ =	sdelay $0x1  }
0x1fa: {  	s18 =	simm.s32 $0x6100;
	v3 =	vadd.s32 v1, v3  }
0x1fb: {  	[tilespmem:s18], [sflag:$0x1] =	stream.indirect_vreg.gather [hbm4b:s1+s3], $0x80, v4, vm0, $0xb8;
	[tilespmem:$0x10100] =	vst v63  }
0x1fc: {  	s13 =	simm.s32 $0x6900  }
0x1fd: {  	[tilespmem:s13], [sflag:$0x1] =	stream.indirect_vreg.gather [hbm4b:s4+s3], $0x80, v4, vm0, $0xb8;
	[tilespmem:$0x10100] =	vst v63  }
0x1fe: {  	s20 =	simm.s32 $0x7100  }
0x1ff: {  	[tilespmem:s20], [sflag:$0x1] =	stream.indirect_vreg.gather [hbm4b:s1+s3], $0x80, v3, vm0, $0xb8;
	[tilespmem:$0x10100] =	vst v63  }
0x200: {  	s21 =	simm.s32 $0x7900  }
0x201: {  	[tilespmem:s21], [sflag:$0x1] =	stream.indirect_vreg.gather [hbm4b:s4+s3], $0x80, v3, vm0, $0xb8;
	[tilespmem:$0x10100] =	vst v63  }
0x202: {  	_ =	swait.ge [sflag:s16], $0x8000  }
0x203: {  	[sflag:s16] =	ssyncset.done $0x0  }
0x204: {  	s14 =	rddreg [dreg:$0x10];
	[sflag:s16] =	ssyncadd.s32 $0xFFFF8000  }
0x205: {  	[hbm4b:s14+s3] =	stream.linear.scatter [tilespmem:s24], [sflag:$0x3], $0x8000, $0x38;
	[tilespmem:$0x10100] =	vst v63  }
0x206: {  	_ =	swait.ge [sflag:s6], $0x8000  }
0x207: {  	[sflag:s6] =	ssyncset.done $0x0  }
0x208: {  	s19 =	simm.s32 $0x80;
	s18 =	rddreg [dreg:$0x11];
	[sflag:s6] =	ssyncadd.s32 $0xFFFF8000  }
0x209: {  	[tilespmem:s19], [sflag:$0x3] =	stream.linear.gather [hbm4b:s18+s3], $0x40, $0x38;
	[tilespmem:$0x10100] =	vst v63  }
0x20a: {  	_ =	swait.ge [sflag:s6], $0x40  }
0x20b: {  	[sflag:s6] =	ssyncset.done $0x0  }
0x20c: {  	[sflag:s6] =	ssyncadd.s32 $0xFFFFFFC0  }
0x20d: {  	v3 =	vld [tilespmem:$0x80];
	_ =	sdelay $0x4  }
0x20e: {  	v60 =	vshll.u32 v3, $0x2  }
0x20f: {  	v3 =	vand.u32 $0x7, v3;
	v4 =	vand.u32 $0xFFFFFFE0, v60  }
0x210: {  	v3 =	vor.u32 v3, v4  }
0x211: {  	v4 =	vperm.xlane v3, v0;
	_ =	sdelay $0x1  }
0x212: {  	v4 =	vadd.s32 v1, v4;
	_ =	sdelay $0x1  }
0x213: {  	v3 =	vperm.xlane v3, v2;
	_ =	sdelay $0x1  }
0x214: {  	v3 =	vadd.s32 v1, v3  }
0x215: {  	[tilespmem:s24], [sflag:$0x2] =	stream.indirect_vreg.gather [hbm4b:s1+s3], $0x80, v4, vm0, $0xb8;
	[tilespmem:$0x10100] =	vst v63  }
0x216: {  	s0 =	simm.s32 $0x8900  }
0x217: {  	[tilespmem:s0], [sflag:$0x2] =	stream.indirect_vreg.gather [hbm4b:s4+s3], $0x80, v4, vm0, $0xb8;
	[tilespmem:$0x10100] =	vst v63  }
0x218: {  	s2 =	simm.s32 $0x9100  }
0x219: {  	[tilespmem:s2], [sflag:$0x2] =	stream.indirect_vreg.gather [hbm4b:s1+s3], $0x80, v3, vm0, $0xb8;
	[tilespmem:$0x10100] =	vst v63  }
0x21a: {  	s20 =	simm.s32 $0x9900  }
0x21b: {  	[tilespmem:s20], [sflag:$0x2] =	stream.indirect_vreg.gather [hbm4b:s4+s3], $0x80, v3, vm0, $0xb8;
	[tilespmem:$0x10100] =	vst v63  }
0x21c: {  	v3 =	vld [tilespmem:$0x90];
	_ =	sdelay $0x4  }
0x21d: {  	v61 =	vshll.u32 v3, $0x2  }
0x21e: {  	v3 =	vand.u32 $0x7, v3;
	v4 =	vand.u32 $0xFFFFFFE0, v61  }
0x21f: {  	v3 =	vor.u32 v3, v4  }
0x220: {  	v4 =	vperm.xlane v3, v0;
	_ =	sdelay $0x1  }
0x221: {  	v4 =	vadd.s32 v1, v4;
	_ =	sdelay $0x1  }
0x222: {  	v3 =	vperm.xlane v3, v2;
	_ =	sdelay $0x1  }
0x223: {  	s7 =	simm.s32 $0xA100;
	v3 =	vadd.s32 v1, v3  }
0x224: {  	[tilespmem:s7], [sflag:$0x2] =	stream.indirect_vreg.gather [hbm4b:s1+s3], $0x80, v4, vm0, $0xb8;
	[tilespmem:$0x10100] =	vst v63  }
0x225: {  	s21 =	simm.s32 $0xA900  }
0x226: {  	[tilespmem:s21], [sflag:$0x2] =	stream.indirect_vreg.gather [hbm4b:s4+s3], $0x80, v4, vm0, $0xb8;
	[tilespmem:$0x10100] =	vst v63  }
0x227: {  	s23 =	simm.s32 $0xB100  }
0x228: {  	[tilespmem:s23], [sflag:$0x2] =	stream.indirect_vreg.gather [hbm4b:s1+s3], $0x80, v3, vm0, $0xb8;
	[tilespmem:$0x10100] =	vst v63  }
0x229: {  	s23 =	simm.s32 $0xB900  }
0x22a: {  	[tilespmem:s23], [sflag:$0x2] =	stream.indirect_vreg.gather [hbm4b:s4+s3], $0x80, v3, vm0, $0xb8;
	[tilespmem:$0x10100] =	vst v63  }
0x22b: {  	v3 =	vld [tilespmem:$0xA0];
	_ =	sdelay $0x4  }
0x22c: {  	v62 =	vshll.u32 v3, $0x2  }
0x22d: {  	v3 =	vand.u32 $0x7, v3;
	v4 =	vand.u32 $0xFFFFFFE0, v62  }
0x22e: {  	v3 =	vor.u32 v3, v4  }
0x22f: {  	v4 =	vperm.xlane v3, v0;
	_ =	sdelay $0x1  }
0x230: {  	v4 =	vadd.s32 v1, v4;
	_ =	sdelay $0x1  }
0x231: {  	v3 =	vperm.xlane v3, v2;
	_ =	sdelay $0x1  }
0x232: {  	s26 =	simm.s32 $0xC100;
	v3 =	vadd.s32 v1, v3  }
0x233: {  	[tilespmem:s26], [sflag:$0x2] =	stream.indirect_vreg.gather [hbm4b:s1+s3], $0x80, v4, vm0, $0xb8;
	[tilespmem:$0x10100] =	vst v63  }
0x234: {  	s25 =	simm.s32 $0xC900  }
0x235: {  	[tilespmem:s25], [sflag:$0x2] =	stream.indirect_vreg.gather [hbm4b:s4+s3], $0x80, v4, vm0, $0xb8;
	[tilespmem:$0x10100] =	vst v63  }
0x236: {  	s28 =	simm.s32 $0xD100  }
0x237: {  	[tilespmem:s28], [sflag:$0x2] =	stream.indirect_vreg.gather [hbm4b:s1+s3], $0x80, v3, vm0, $0xb8;
	[tilespmem:$0x10100] =	vst v63  }
0x238: {  	s26 =	simm.s32 $0xD900  }
0x239: {  	[tilespmem:s26], [sflag:$0x2] =	stream.indirect_vreg.gather [hbm4b:s4+s3], $0x80, v3, vm0, $0xb8;
	[tilespmem:$0x10100] =	vst v63  }
0x23a: {  	v3 =	vld [tilespmem:$0xB0];
	_ =	sdelay $0x4  }
0x23b: {  	v63 =	vshll.u32 v3, $0x2  }
0x23c: {  	v3 =	vand.u32 $0x7, v3;
	v4 =	vand.u32 $0xFFFFFFE0, v63  }
0x23d: {  	v3 =	vor.u32 v3, v4  }
0x23e: {  	v4 =	vperm.xlane v3, v0;
	_ =	sdelay $0x1  }
0x23f: {  	v4 =	vadd.s32 v1, v4;
	_ =	sdelay $0x1  }
0x240: {  	v3 =	vperm.xlane v3, v2;
	_ =	sdelay $0x1  }
0x241: {  	s30 =	simm.s32 $0xE100;
	v3 =	vadd.s32 v1, v3  }
0x242: {  	[tilespmem:s30], [sflag:$0x2] =	stream.indirect_vreg.gather [hbm4b:s1+s3], $0x80, v4, vm0, $0xb8;
	[tilespmem:$0x10100] =	vst v63  }
0x243: {  	s29 =	simm.s32 $0xE900  }
0x244: {  	[tilespmem:s29], [sflag:$0x2] =	stream.indirect_vreg.gather [hbm4b:s4+s3], $0x80, v4, vm0, $0xb8;
	[tilespmem:$0x10100] =	vst v63  }
0x245: {  	s22 =	simm.s32 $0xF100  }
0x246: {  	[tilespmem:s22], [sflag:$0x2] =	stream.indirect_vreg.gather [hbm4b:s1+s3], $0x80, v3, vm0, $0xb8;
	[tilespmem:$0x10100] =	vst v63  }
0x247: {  	s28 =	simm.s32 $0xF900  }
0x248: {  	[tilespmem:s28], [sflag:$0x2] =	stream.indirect_vreg.gather [hbm4b:s4+s3], $0x80, v3, vm0, $0xb8;
	[tilespmem:$0x10100] =	vst v63  }
0x249: {  	_ =	swait.ge [sflag:s15], $0x8000  }
0x24a: {  	[sflag:s15] =	ssyncset.done $0x0  }
0x24b: {  	s29 =	rddreg [dreg:$0x12];
	[sflag:s15] =	ssyncadd.s32 $0xFFFF8000  }
0x24c: {  	[hbm4b:s29+s3] =	stream.linear.scatter [tilespmem:s31], [sflag:$0x3], $0x8000, $0x38;
	[tilespmem:$0x10100] =	vst v63  }
0x24d: {  	_ =	swait.ge [sflag:s6], $0x8000  }
0x24e: {  	[sflag:s6] =	ssyncset.done $0x0  }
0x24f: {  	[sflag:s6] =	ssyncadd.s32 $0xFFFF8000  }
0x250: {  	_ =	swait.ge [sflag:s16], $0x8000  }
0x251: {  	p0 =	sne.s32 s5, $0x1;
	[sflag:s16] =	ssyncset.done $0x0  }
.Ltmp0:
0x252: {  	s30 =	rddreg [dreg:$0x13];
	[sflag:s16] =	ssyncadd.s32 $0xFFFF8000;
	(pc) =	sbr.rel @p0 .LBB2_1-.Ltmp0, $4  }
0x253: {  	[hbm4b:s30+s3] =	stream.linear.scatter [tilespmem:s24], [sflag:$0x3], $0x8000, $0x38;
	[tilespmem:$0x10100] =	vst v63  }
0x254: {  	_ =	swait.ge [sflag:s6], $0x8000  }
0x255: {  	[sflag:s6] =	ssyncset.done $0x0  }
0x256: {  	s5 =	sadd.s32 $0xFFFFFFFF, s5;
	[sflag:s6] =	ssyncadd.s32 $0xFFFF8000  }
0x257: {  	_ =	sfence.sel $0x180000  }
0x258: {  	[bflag:$0x0] =	sbarrier.arrive $0xFFFF  }
0x259: {  	_ =	strace $0x9000004A  }
0x25a: {  	s0 =	stileid.u32;
	[bflag:$0x2] =	sbarrier.arrive $0xFFFF  }
0x25b: {  	p0 =	sne.s32 s0, $0x0;
	s0 =	rddreg [dreg:$0x3]  }
0x25c: {  	s0 =	sadd.s32 @!p0 $0x100000, s0  }
0x25d: {  	[sflag:s0] =	ssyncadd.tile.s32 @!p0 $0x1;
	_ =	shalt  }
.Lfunc_end2:
_tile_overlayer_lowered:
.L_overlay_start_2:
0x25e: {  	(tag) =	ssettag $0x2  }
0x25f: {  	s0 =	rddreg [dreg:$0x0];
	s2 =	stileid.u32  }
0x260: {  	s1 =	rddreg [dreg:$0x1];
	p0 =	sne.s32 s2, $0x0  }
0x261: {  	s3 =	rddreg [dreg:$0x2];
	[bflag:$0x3] =	sbarrier.arrive $0xFFFF;
	s2 =	simm.s32 @!p0 $0x1C03  }
0x262: {  	[timem:s3], [sflag:s2] =	dma.local @!p0 [hbm:s0], s1  }
0x263: {  	s0 =	simm.s32 @!p0 $0x3  }
0x264: {  	_ =	swait.ge @!p0 [sflag:s0], s1  }
0x265: {  	s1 =	ssub.s32 @!p0 $0x0, s1;
	[sflag:s0] =	ssyncset.done @!p0 $0x0  }
0x266: {  	[sflag:s0] =	ssyncadd.s32 @!p0 s1  }
0x267: {  	[bflag:$0x3] =	sbarrier.arrive $0xFFFF  }
0x268: {  	_ =	shalt  }

</sc_bundles>
